<compile_context>
chip_gen: v7x
topology: tpu7x:2x2x1
jax: 0.10.2.dev20260603
libtpu: 0.0.44.dev20260713+nightly
codegen_flags: <defaults>
</compile_context>

<pallas_src>
import jax
import jax.numpy as jnp
from jax import lax
from jax.experimental import pallas as pl
from jax.experimental.pallas import tpu as pltpu
from jax.experimental.pallas import tpu_sc as plsc

_E = 10000
_D = 256
_N = 10000
_L = 16
_NC, _NS = 2, 16
_NW = _NC * _NS
_NPT = 320
_TAIL = _N - (_NW - 1) * _NPT
_GCH = 64
_NEG_INF = float("-inf")


def _sc_body(msg_hbm, idx_hbm, t_hbm, out_hbm,
             idx_v, t_v, best_t, best_e, scr, gidx0, gidx1, gidx2, gidx3, gidx4, rows_v, sem):
    wid = lax.axis_index("s") * _NC + lax.axis_index("c")
    lo = wid * _NPT
    lane = lax.iota(jnp.int32, _L)

    with jax.named_scope("ph_stage"):
        pltpu.sync_copy(idx_hbm, idx_v)
        pltpu.sync_copy(t_hbm, t_v)

    neg = jnp.full((_L,), _NEG_INF, jnp.float32)
    zero_i = jnp.zeros((_L,), jnp.int32)

    def init_body(j, carry):
        sl = pl.ds(j * _L, _L)
        best_t[sl] = neg
        best_e[sl] = zero_i
        return carry

    lax.fori_loop(0, _NPT // _L, init_body, 0)

    def scan_body(i, carry):
        sl = pl.ds(i * _L, _L)
        idxv = idx_v[sl]
        tv = t_v[sl]
        ev = lane + i * _L
        local_raw = idxv - lo
        m0 = (local_raw >= 0) & (local_raw < _NPT)
        local = jnp.where(m0, local_raw, 0)

        def cond(mi):
            return plsc.all_reduce_population_count(mi > 0)[0] > 0

        def round_body(mi):
            mb = mi > 0
            plsc.store_scatter(scr, [local], lane, mask=mb)
            rb = plsc.load_gather(scr, [local], mask=mb)
            winner = mb & (rb == lane)
            curt = plsc.load_gather(best_t, [local], mask=winner)
            cure = plsc.load_gather(best_e, [local], mask=winner)
            win = winner & ((tv > curt) | ((tv == curt) & (ev < cure)))
            plsc.store_scatter(best_t, [local], tv, mask=win)
            plsc.store_scatter(best_e, [local], ev, mask=win)
            return jnp.where(mb & ~winner, mi, 0)

        lax.while_loop(cond, round_body, m0.astype(jnp.int32))
        return carry

    with jax.named_scope("ph_scan"):
        lax.fori_loop(0, _E // _L, scan_body, 0)

    gidxs = [gidx0, gidx1, gidx2, gidx3, gidx4]
    for j in range(_NPT // _L):
        sl = pl.ds(j * _L, _L)
        valid = best_t[sl] > _NEG_INF
        spread = jnp.minimum(lane + (lo + j * _L), _E - 1)
        gidxs[j // 4][pl.ds((j % 4) * _L, _L)] = jnp.where(
            valid, best_e[sl], spread)

    with jax.named_scope("ph_gather"):
        copies = []
        for ch in range(_NPT // _GCH):
            sl = pl.ds(ch * _GCH, _GCH)
            copies.append(
                pltpu.async_copy(msg_hbm.at[gidxs[ch]], rows_v.at[sl], sem))
        for c in copies:
            c.wait()

    zrow = jnp.zeros((_L,), jnp.float32)

    def zero_body(g, carry):
        inval = (best_t[pl.ds(g * _L, _L)] == _NEG_INF).astype(jnp.int32)
        for k in range(_L):
            @pl.when(inval[k] > 0)
            def _():
                for q in range(_D // _L):
                    rows_v[g * _L + k, pl.ds(q * _L, _L)] = zrow
        return carry

    with jax.named_scope("ph_zero"):
        lax.fori_loop(0, _NPT // _L, zero_body, 0)

    @pl.when(wid < _NW - 1)
    def _():
        pltpu.sync_copy(rows_v, out_hbm.at[pl.ds(lo, _NPT)])

    @pl.when(wid == _NW - 1)
    def _():
        pltpu.sync_copy(rows_v.at[pl.ds(0, _TAIL)], out_hbm.at[pl.ds(lo, _TAIL)])


def _build():
    mesh = plsc.VectorSubcoreMesh(core_axis_name="c", subcore_axis_name="s")
    return pl.kernel(
        _sc_body,
        out_type=jax.ShapeDtypeStruct((_N, _D), jnp.float32),
        mesh=mesh,
        compiler_params=pltpu.CompilerParams(needs_layout_passes=False),
        scratch_types=[
            pltpu.VMEM((_E,), jnp.int32),
            pltpu.VMEM((_E,), jnp.float32),
            pltpu.VMEM((_NPT,), jnp.float32),
            pltpu.VMEM((_NPT,), jnp.int32),
            pltpu.VMEM((_NPT,), jnp.int32),
            pltpu.VMEM((_GCH,), jnp.int32),
            pltpu.VMEM((_GCH,), jnp.int32),
            pltpu.VMEM((_GCH,), jnp.int32),
            pltpu.VMEM((_GCH,), jnp.int32),
            pltpu.VMEM((_GCH,), jnp.int32),
            pltpu.VMEM((_NPT, _D), jnp.float32),
            pltpu.SemaphoreType.DMA,
        ],
    )


def kernel(msg, index, t, dim_size):
    del dim_size
    return _build()(msg, index.astype(jnp.int32), t.astype(jnp.float32))

# --- scband reference (transcript-rebuilt; emitter-appended) ---
"""Pipeline reference for scband-last-aggregator-3075196584341 (READ-ONLY COPY).

The authoritative reference and input builder live on the scoring server;
editing this copy changes nothing except your own understanding.
"""

import jax, jax.numpy as jnp
import numpy as np

E = 10000
DIM_SIZE = 10000
D = 256

def setup_inputs(seed: int = 0) -> dict:
    key = jax.random.key(seed)
    k1, k2, k3 = jax.random.split(key, 3)
    msg = jax.random.normal(k1, (E, D), dtype=jnp.float32)
    index = jax.random.randint(k2, (E,), 0, DIM_SIZE, dtype=jnp.int32)
    t = jax.random.uniform(k3, (E,), dtype=jnp.float32) * 1.0e6
    return {"msg": msg, "index": index, "t": t, "dim_size": DIM_SIZE}

def reference(msg, index, t, dim_size):
    n = t.shape[0]
    out = jnp.zeros((DIM_SIZE, msg.shape[-1]), dtype=msg.dtype) * jnp.asarray(dim_size, dtype=msg.dtype)
    if n > 0:
        # scatter timestamps into a dense [dim_size, n] score matrix (faithful to torch impl)
        scores = jnp.full((DIM_SIZE, n), -jnp.inf, dtype=jnp.float32)
        scores = scores.at[index, jnp.arange(n)].set(t.astype(jnp.float32))
        argmax = jnp.argmax(scores, axis=1)
        valid = jnp.max(scores, axis=1) > -jnp.inf
        gathered = jnp.take(msg, argmax, axis=0)
        out = jnp.where(valid[:, None], gathered, out)
    return out

if __name__ == "__main__":
    import jax
    _d = setup_inputs()
    print(jax.jit(kernel)(*tuple(_d.values())))

</pallas_src>

<mosaic_0001>
#map = affine_map<(d0, d1) -> (0, 0)>
#map1 = affine_map<(d0, d1) -> (0)>
module attributes {stable_mosaic.version = 14 : i64} {
  func.func @_sc_body(%arg0: i32, %arg1: i32, %arg2: memref<10000x256xf32, #tpu.memory_space<hbm>>, %arg3: memref<10000xi32, #tpu.memory_space<hbm>>, %arg4: memref<10000xf32, #tpu.memory_space<hbm>>, %arg5: memref<10000x256xf32, #tpu.memory_space<hbm>>, %arg6: memref<10000xi32, #tpu.memory_space<vmem>>, %arg7: memref<10000xf32, #tpu.memory_space<vmem>>, %arg8: memref<320xf32, #tpu.memory_space<vmem>>, %arg9: memref<320xi32, #tpu.memory_space<vmem>>, %arg10: memref<320xi32, #tpu.memory_space<vmem>>, %arg11: memref<64xi32, #tpu.memory_space<vmem>>, %arg12: memref<64xi32, #tpu.memory_space<vmem>>, %arg13: memref<64xi32, #tpu.memory_space<vmem>>, %arg14: memref<64xi32, #tpu.memory_space<vmem>>, %arg15: memref<64xi32, #tpu.memory_space<vmem>>, %arg16: memref<320x256xf32, #tpu.memory_space<vmem>>, %arg17: memref<!tpu.dma_semaphore, #tpu.memory_space<semaphore_mem>>) attributes {dimension_semantics = [#tpu.dimension_semantics<core_parallel>, #tpu.dimension_semantics<subcore_parallel>], iteration_bounds = array<i64: 2, 16>, scalar_prefetch = 0 : i64, scratch_operands = 12 : i64, tpu.core_type = #tpu.core_type<sc_vector_subcore>, window_params = [{transform_indices = #map}, {transform_indices = #map1}, {transform_indices = #map1}, {transform_indices = #map}]} {
    %mul3A = arith.constant 2 : i32
    %mul3A_0 = arith.muli %arg1, %mul3A : i32
    %add3A = arith.addi %mul3A_0, %arg0 : i32
    %mul3A_1 = arith.constant 320 : i32
    %mul3A_2 = arith.muli %add3A, %mul3A_1 : i32
    %iota3A = tpu.iota {dimensions = array<i32: 0>} : vector<16xi32>
    "tpu.trace_start"() <{level = 10 : i32, message = "ph_stage"}> : () -> ()
    "tpu.region"() ({
      %run_scoped3A = tpu.sem_alloc : memref<!tpu.dma_semaphore, #tpu.memory_space<semaphore_mem>>
      tpu.enqueue_dma source(%arg3 : memref<10000xi32, #tpu.memory_space<hbm>>) target(%arg6 : memref<10000xi32, #tpu.memory_space<vmem>>) target_semaphore(%run_scoped3A : memref<!tpu.dma_semaphore, #tpu.memory_space<semaphore_mem>>)
      tpu.wait_dma2 semaphore(%run_scoped3A : memref<!tpu.dma_semaphore, #tpu.memory_space<semaphore_mem>>) src(%arg3 : memref<10000xi32, #tpu.memory_space<hbm>>) dst(%arg6 : memref<10000xi32, #tpu.memory_space<vmem>>)
      tpu.yield
    }) : () -> ()
    "tpu.region"() ({
      %run_scoped3A = tpu.sem_alloc : memref<!tpu.dma_semaphore, #tpu.memory_space<semaphore_mem>>
      tpu.enqueue_dma source(%arg4 : memref<10000xf32, #tpu.memory_space<hbm>>) target(%arg7 : memref<10000xf32, #tpu.memory_space<vmem>>) target_semaphore(%run_scoped3A : memref<!tpu.dma_semaphore, #tpu.memory_space<semaphore_mem>>)
      tpu.wait_dma2 semaphore(%run_scoped3A : memref<!tpu.dma_semaphore, #tpu.memory_space<semaphore_mem>>) src(%arg4 : memref<10000xf32, #tpu.memory_space<hbm>>) dst(%arg7 : memref<10000xf32, #tpu.memory_space<vmem>>)
      tpu.yield
    }) : () -> ()
    %broadcast_in_dim3A = arith.constant 0xFF800000 : f32
    "tpu.trace_stop"() : () -> ()
    %broadcast_in_dim3A_3 = vector.broadcast %broadcast_in_dim3A : f32 to vector<16xf32>
    %broadcast_in_dim3A_4 = arith.constant 0 : i32
    %broadcast_in_dim3A_5 = vector.broadcast %broadcast_in_dim3A_4 : i32 to vector<16xi32>
    %scan3A = arith.constant 0 : i32
    %scan3A_6 = arith.constant 0 : i32
    %scan3A_7 = arith.constant 20 : i32
    %scan3A_8 = arith.addi %scan3A_6, %scan3A_7 : i32
    %scan3A_9 = arith.constant 1 : i32
    scf.for %scan3A_424 = %scan3A_6 to %scan3A_8 step %scan3A_9  : i32 {
      %mul3A_425 = arith.constant 16 : i32
      %mul3A_426 = arith.muli %scan3A_424, %mul3A_425 : i32
      %swap3A_427 = arith.index_cast %mul3A_426 : i32 to index
      %swap3A_428 = tpu.vector_load %arg8[%swap3A_427] {strides = array<i32>} : memref<320xf32, #tpu.memory_space<vmem>>, vector<16xf32>,
      tpu.vector_store %arg8[%swap3A_427], %broadcast_in_dim3A_3 {strides = array<i32>} : memref<320xf32, #tpu.memory_space<vmem>>, vector<16xf32>,
      %swap3A_429 = arith.index_cast %mul3A_426 : i32 to index
      %swap3A_430 = tpu.vector_load %arg9[%swap3A_429] {strides = array<i32>} : memref<320xi32, #tpu.memory_space<vmem>>, vector<16xi32>,
      tpu.vector_store %arg9[%swap3A_429], %broadcast_in_dim3A_5 {strides = array<i32>} : memref<320xi32, #tpu.memory_space<vmem>>, vector<16xi32>,
    }
    %scan3A_10 = arith.constant 20 : i32
    "tpu.trace_start"() <{level = 10 : i32, message = "ph_scan"}> : () -> ()
    %scan3A_11 = arith.constant 0 : i32
    %scan3A_12 = arith.constant 0 : i32
    %scan3A_13 = arith.constant 625 : i32
    %scan3A_14 = arith.addi %scan3A_12, %scan3A_13 : i32
    %scan3A_15 = arith.constant 1 : i32
    scf.for %scan3A_424 = %scan3A_12 to %scan3A_14 step %scan3A_15  : i32 {
      %mul3A_425 = arith.constant 16 : i32
      %mul3A_426 = arith.muli %scan3A_424, %mul3A_425 : i32
      %get3A_427 = arith.index_cast %mul3A_426 : i32 to index
      %get3A_428 = tpu.vector_load %arg6[%get3A_427] {strides = array<i32>} : memref<10000xi32, #tpu.memory_space<vmem>>, vector<16xi32>,
      %get3A_429 = arith.index_cast %mul3A_426 : i32 to index
      %get3A_430 = tpu.vector_load %arg7[%get3A_429] {strides = array<i32>} : memref<10000xf32, #tpu.memory_space<vmem>>, vector<16xf32>,
      %mul3A_431 = arith.constant 16 : i32
      %mul3A_432 = arith.muli %scan3A_424, %mul3A_431 : i32
      %add3A_433 = vector.broadcast %mul3A_432 : i32 to vector<16xi32>
      %add3A_434 = arith.addi %iota3A, %add3A_433 : vector<16xi32>
      %sub3A = vector.broadcast %mul3A_2 : i32 to vector<16xi32>
      %sub3A_435 = arith.subi %get3A_428, %sub3A : vector<16xi32>
      %ge3A = arith.constant 0 : i32
      %ge3A_436 = vector.broadcast %ge3A : i32 to vector<16xi32>
      %ge3A_437 = arith.cmpi sge, %sub3A_435, %ge3A_436 : vector<16xi32>
      %lt3A_438 = arith.constant 320 : i32
      %lt3A_439 = vector.broadcast %lt3A_438 : i32 to vector<16xi32>
      %lt3A_440 = arith.cmpi slt, %sub3A_435, %lt3A_439 : vector<16xi32>
      %and3A = arith.andi %ge3A_437, %lt3A_440 : vector<16xi1>
      %jit3A = arith.constant 0 : i32
      %broadcast_in_dim3A_441 = vector.broadcast %jit3A : i32 to vector<16xi32>
      %select_n3A_442 = arith.select %and3A, %sub3A_435, %broadcast_in_dim3A_441 : vector<16xi1>, vector<16xi32>
      %convert_element_type3A_443 = arith.extui %and3A : vector<16xi1> to vector<16xi32>
      %while3A = scf.while (%while3A_444 = %convert_element_type3A_443) : (vector<16xi32>) -> vector<16xi32> {
        %gt3A_445 = arith.constant 0 : i32
        %gt3A_446 = vector.broadcast %gt3A_445 : i32 to vector<16xi32>
        %gt3A_447 = arith.cmpi sgt, %while3A_444, %gt3A_446 : vector<16xi32>
        %all_reduce_population_count3A = tpu.all_reduce %gt3A_447 {dim = 0 : i64, kind = #tpu.reduction_kind<sum>} : vector<16xi1> -> vector<16xi32>
        %slice3A = vector.extract_strided_slice %all_reduce_population_count3A {offsets = [0], sizes = [1], strides = [1]} : vector<16xi32> to vector<1xi32>
        %squeeze3A = vector.extract %slice3A[0] : i32 from vector<1xi32>
        %gt3A_448 = arith.constant 0 : i32
        %gt3A_449 = arith.cmpi sgt, %squeeze3A, %gt3A_448 : i32
        scf.condition(%gt3A_449) %while3A_444 : vector<16xi32>
      } do {
      ^bb0(%while3A_444: vector<16xi32>):
        %gt3A_445 = arith.constant 0 : i32
        %gt3A_446 = vector.broadcast %gt3A_445 : i32 to vector<16xi32>
        %gt3A_447 = arith.cmpi sgt, %while3A_444, %gt3A_446 : vector<16xi32>
        tpu.vector_store_idx %arg10[%select_n3A_442], %iota3A masked %gt3A_447 : memref<320xi32, #tpu.memory_space<vmem>>[vector<16xi32>], vector<16xi32>, vector<16xi1>
        %gather3A = tpu.vector_load_idx %arg10[%select_n3A_442] masked %gt3A_447 : memref<320xi32, #tpu.memory_space<vmem>>[vector<16xi32>], vector<16xi32>, vector<16xi1>
        %eq3A_448 = arith.cmpi eq, %gather3A, %iota3A : vector<16xi32>
        %and3A_449 = arith.andi %gt3A_447, %eq3A_448 : vector<16xi1>
        %gather3A_450 = tpu.vector_load_idx %arg8[%select_n3A_442] masked %and3A_449 : memref<320xf32, #tpu.memory_space<vmem>>[vector<16xi32>], vector<16xf32>, vector<16xi1>
        %gather3A_451 = tpu.vector_load_idx %arg9[%select_n3A_442] masked %and3A_449 : memref<320xi32, #tpu.memory_space<vmem>>[vector<16xi32>], vector<16xi32>, vector<16xi1>
        %gt3A_452 = arith.cmpf ogt, %get3A_430, %gather3A_450 : vector<16xf32>
        %eq3A_453 = arith.cmpf oeq, %get3A_430, %gather3A_450 : vector<16xf32>
        %lt3A_454 = arith.cmpi slt, %add3A_434, %gather3A_451 : vector<16xi32>
        %and3A_455 = arith.andi %eq3A_453, %lt3A_454 : vector<16xi1>
        %or3A = arith.ori %gt3A_452, %and3A_455 : vector<16xi1>
        %and3A_456 = arith.andi %and3A_449, %or3A : vector<16xi1>
        tpu.vector_store_idx %arg8[%select_n3A_442], %get3A_430 masked %and3A_456 : memref<320xf32, #tpu.memory_space<vmem>>[vector<16xi32>], vector<16xf32>, vector<16xi1>
        tpu.vector_store_idx %arg9[%select_n3A_442], %add3A_434 masked %and3A_456 : memref<320xi32, #tpu.memory_space<vmem>>[vector<16xi32>], vector<16xi32>, vector<16xi1>
        %not3A = arith.constant dense<true> : vector<16xi1>
        %not3A_457 = arith.xori %and3A_449, %not3A : vector<16xi1>
        %and3A_458 = arith.andi %gt3A_447, %not3A_457 : vector<16xi1>
        %jit3A_459 = arith.constant 0 : i32
        %broadcast_in_dim3A_460 = vector.broadcast %jit3A_459 : i32 to vector<16xi32>
        %select_n3A_461 = arith.select %and3A_458, %while3A_444, %broadcast_in_dim3A_460 : vector<16xi1>, vector<16xi32>
        scf.yield %select_n3A_461 : vector<16xi32>
      }
    }
    %scan3A_16 = arith.constant 625 : i32
    "tpu.trace_stop"() : () -> ()
    %get3A = arith.constant 0 : index
    %get3A_17 = tpu.vector_load %arg8[%get3A] {strides = array<i32>} : memref<320xf32, #tpu.memory_space<vmem>>, vector<16xf32>,
    %gt3A = arith.constant 0xFF800000 : f32
    %gt3A_18 = vector.broadcast %gt3A : f32 to vector<16xf32>
    %gt3A_19 = arith.cmpf ogt, %get3A_17, %gt3A_18 : vector<16xf32>
    %add3A_20 = arith.constant 0 : i32
    %add3A_21 = arith.addi %mul3A_2, %add3A_20 : i32
    %add3A_22 = vector.broadcast %add3A_21 : i32 to vector<16xi32>
    %add3A_23 = arith.addi %iota3A, %add3A_22 : vector<16xi32>
    %min3A = arith.constant 9999 : i32
    %min3A_24 = vector.broadcast %min3A : i32 to vector<16xi32>
    %min3A_25 = arith.minsi %add3A_23, %min3A_24 : vector<16xi32>
    %get3A_26 = arith.constant 0 : index
    %get3A_27 = tpu.vector_load %arg9[%get3A_26] {strides = array<i32>} : memref<320xi32, #tpu.memory_space<vmem>>, vector<16xi32>,
    %select_n3A = arith.select %gt3A_19, %get3A_27, %min3A_25 : vector<16xi1>, vector<16xi32>
    %swap3A = arith.constant 0 : index
    %swap3A_28 = tpu.vector_load %arg11[%swap3A] {strides = array<i32>} : memref<64xi32, #tpu.memory_space<vmem>>, vector<16xi32>,
    tpu.vector_store %arg11[%swap3A], %select_n3A {strides = array<i32>} : memref<64xi32, #tpu.memory_space<vmem>>, vector<16xi32>,
    %get3A_29 = arith.constant 16 : index
    %get3A_30 = tpu.vector_load %arg8[%get3A_29] {strides = array<i32>} : memref<320xf32, #tpu.memory_space<vmem>>, vector<16xf32>,
    %gt3A_31 = arith.constant 0xFF800000 : f32
    %gt3A_32 = vector.broadcast %gt3A_31 : f32 to vector<16xf32>
    %gt3A_33 = arith.cmpf ogt, %get3A_30, %gt3A_32 : vector<16xf32>
    %add3A_34 = arith.constant 16 : i32
    %add3A_35 = arith.addi %mul3A_2, %add3A_34 : i32
    %add3A_36 = vector.broadcast %add3A_35 : i32 to vector<16xi32>
    %add3A_37 = arith.addi %iota3A, %add3A_36 : vector<16xi32>
    %min3A_38 = arith.constant 9999 : i32
    %min3A_39 = vector.broadcast %min3A_38 : i32 to vector<16xi32>
    %min3A_40 = arith.minsi %add3A_37, %min3A_39 : vector<16xi32>
    %get3A_41 = arith.constant 16 : index
    %get3A_42 = tpu.vector_load %arg9[%get3A_41] {strides = array<i32>} : memref<320xi32, #tpu.memory_space<vmem>>, vector<16xi32>,
    %select_n3A_43 = arith.select %gt3A_33, %get3A_42, %min3A_40 : vector<16xi1>, vector<16xi32>
    %swap3A_44 = arith.constant 16 : index
    %swap3A_45 = tpu.vector_load %arg11[%swap3A_44] {strides = array<i32>} : memref<64xi32, #tpu.memory_space<vmem>>, vector<16xi32>,
    tpu.vector_store %arg11[%swap3A_44], %select_n3A_43 {strides = array<i32>} : memref<64xi32, #tpu.memory_space<vmem>>, vector<16xi32>,
    %get3A_46 = arith.constant 32 : index
    %get3A_47 = tpu.vector_load %arg8[%get3A_46] {strides = array<i32>} : memref<320xf32, #tpu.memory_space<vmem>>, vector<16xf32>,
    %gt3A_48 = arith.constant 0xFF800000 : f32
    %gt3A_49 = vector.broadcast %gt3A_48 : f32 to vector<16xf32>
    %gt3A_50 = arith.cmpf ogt, %get3A_47, %gt3A_49 : vector<16xf32>
    %add3A_51 = arith.constant 32 : i32
    %add3A_52 = arith.addi %mul3A_2, %add3A_51 : i32
    %add3A_53 = vector.broadcast %add3A_52 : i32 to vector<16xi32>
    %add3A_54 = arith.addi %iota3A, %add3A_53 : vector<16xi32>
    %min3A_55 = arith.constant 9999 : i32
    %min3A_56 = vector.broadcast %min3A_55 : i32 to vector<16xi32>
    %min3A_57 = arith.minsi %add3A_54, %min3A_56 : vector<16xi32>
    %get3A_58 = arith.constant 32 : index
    %get3A_59 = tpu.vector_load %arg9[%get3A_58] {strides = array<i32>} : memref<320xi32, #tpu.memory_space<vmem>>, vector<16xi32>,
    %select_n3A_60 = arith.select %gt3A_50, %get3A_59, %min3A_57 : vector<16xi1>, vector<16xi32>
    %swap3A_61 = arith.constant 32 : index
    %swap3A_62 = tpu.vector_load %arg11[%swap3A_61] {strides = array<i32>} : memref<64xi32, #tpu.memory_space<vmem>>, vector<16xi32>,
    tpu.vector_store %arg11[%swap3A_61], %select_n3A_60 {strides = array<i32>} : memref<64xi32, #tpu.memory_space<vmem>>, vector<16xi32>,
    %get3A_63 = arith.constant 48 : index
    %get3A_64 = tpu.vector_load %arg8[%get3A_63] {strides = array<i32>} : memref<320xf32, #tpu.memory_space<vmem>>, vector<16xf32>,
    %gt3A_65 = arith.constant 0xFF800000 : f32
    %gt3A_66 = vector.broadcast %gt3A_65 : f32 to vector<16xf32>
    %gt3A_67 = arith.cmpf ogt, %get3A_64, %gt3A_66 : vector<16xf32>
    %add3A_68 = arith.constant 48 : i32
    %add3A_69 = arith.addi %mul3A_2, %add3A_68 : i32
    %add3A_70 = vector.broadcast %add3A_69 : i32 to vector<16xi32>
    %add3A_71 = arith.addi %iota3A, %add3A_70 : vector<16xi32>
    %min3A_72 = arith.constant 9999 : i32
    %min3A_73 = vector.broadcast %min3A_72 : i32 to vector<16xi32>
    %min3A_74 = arith.minsi %add3A_71, %min3A_73 : vector<16xi32>
    %get3A_75 = arith.constant 48 : index
    %get3A_76 = tpu.vector_load %arg9[%get3A_75] {strides = array<i32>} : memref<320xi32, #tpu.memory_space<vmem>>, vector<16xi32>,
    %select_n3A_77 = arith.select %gt3A_67, %get3A_76, %min3A_74 : vector<16xi1>, vector<16xi32>
    %swap3A_78 = arith.constant 48 : index
    %swap3A_79 = tpu.vector_load %arg11[%swap3A_78] {strides = array<i32>} : memref<64xi32, #tpu.memory_space<vmem>>, vector<16xi32>,
    tpu.vector_store %arg11[%swap3A_78], %select_n3A_77 {strides = array<i32>} : memref<64xi32, #tpu.memory_space<vmem>>, vector<16xi32>,
    %get3A_80 = arith.constant 64 : index
    %get3A_81 = tpu.vector_load %arg8[%get3A_80] {strides = array<i32>} : memref<320xf32, #tpu.memory_space<vmem>>, vector<16xf32>,
    %gt3A_82 = arith.constant 0xFF800000 : f32
    %gt3A_83 = vector.broadcast %gt3A_82 : f32 to vector<16xf32>
    %gt3A_84 = arith.cmpf ogt, %get3A_81, %gt3A_83 : vector<16xf32>
    %add3A_85 = arith.constant 64 : i32
    %add3A_86 = arith.addi %mul3A_2, %add3A_85 : i32
    %add3A_87 = vector.broadcast %add3A_86 : i32 to vector<16xi32>
    %add3A_88 = arith.addi %iota3A, %add3A_87 : vector<16xi32>
    %min3A_89 = arith.constant 9999 : i32
    %min3A_90 = vector.broadcast %min3A_89 : i32 to vector<16xi32>
    %min3A_91 = arith.minsi %add3A_88, %min3A_90 : vector<16xi32>
    %get3A_92 = arith.constant 64 : index
    %get3A_93 = tpu.vector_load %arg9[%get3A_92] {strides = array<i32>} : memref<320xi32, #tpu.memory_space<vmem>>, vector<16xi32>,
    %select_n3A_94 = arith.select %gt3A_84, %get3A_93, %min3A_91 : vector<16xi1>, vector<16xi32>
    %swap3A_95 = arith.constant 0 : index
    %swap3A_96 = tpu.vector_load %arg12[%swap3A_95] {strides = array<i32>} : memref<64xi32, #tpu.memory_space<vmem>>, vector<16xi32>,
    tpu.vector_store %arg12[%swap3A_95], %select_n3A_94 {strides = array<i32>} : memref<64xi32, #tpu.memory_space<vmem>>, vector<16xi32>,
    %get3A_97 = arith.constant 80 : index
    %get3A_98 = tpu.vector_load %arg8[%get3A_97] {strides = array<i32>} : memref<320xf32, #tpu.memory_space<vmem>>, vector<16xf32>,
    %gt3A_99 = arith.constant 0xFF800000 : f32
    %gt3A_100 = vector.broadcast %gt3A_99 : f32 to vector<16xf32>
    %gt3A_101 = arith.cmpf ogt, %get3A_98, %gt3A_100 : vector<16xf32>
    %add3A_102 = arith.constant 80 : i32
    %add3A_103 = arith.addi %mul3A_2, %add3A_102 : i32
    %add3A_104 = vector.broadcast %add3A_103 : i32 to vector<16xi32>
    %add3A_105 = arith.addi %iota3A, %add3A_104 : vector<16xi32>
    %min3A_106 = arith.constant 9999 : i32
    %min3A_107 = vector.broadcast %min3A_106 : i32 to vector<16xi32>
    %min3A_108 = arith.minsi %add3A_105, %min3A_107 : vector<16xi32>
    %get3A_109 = arith.constant 80 : index
    %get3A_110 = tpu.vector_load %arg9[%get3A_109] {strides = array<i32>} : memref<320xi32, #tpu.memory_space<vmem>>, vector<16xi32>,
    %select_n3A_111 = arith.select %gt3A_101, %get3A_110, %min3A_108 : vector<16xi1>, vector<16xi32>
    %swap3A_112 = arith.constant 16 : index
    %swap3A_113 = tpu.vector_load %arg12[%swap3A_112] {strides = array<i32>} : memref<64xi32, #tpu.memory_space<vmem>>, vector<16xi32>,
    tpu.vector_store %arg12[%swap3A_112], %select_n3A_111 {strides = array<i32>} : memref<64xi32, #tpu.memory_space<vmem>>, vector<16xi32>,
    %get3A_114 = arith.constant 96 : index
    %get3A_115 = tpu.vector_load %arg8[%get3A_114] {strides = array<i32>} : memref<320xf32, #tpu.memory_space<vmem>>, vector<16xf32>,
    %gt3A_116 = arith.constant 0xFF800000 : f32
    %gt3A_117 = vector.broadcast %gt3A_116 : f32 to vector<16xf32>
    %gt3A_118 = arith.cmpf ogt, %get3A_115, %gt3A_117 : vector<16xf32>
    %add3A_119 = arith.constant 96 : i32
    %add3A_120 = arith.addi %mul3A_2, %add3A_119 : i32
    %add3A_121 = vector.broadcast %add3A_120 : i32 to vector<16xi32>
    %add3A_122 = arith.addi %iota3A, %add3A_121 : vector<16xi32>
    %min3A_123 = arith.constant 9999 : i32
    %min3A_124 = vector.broadcast %min3A_123 : i32 to vector<16xi32>
    %min3A_125 = arith.minsi %add3A_122, %min3A_124 : vector<16xi32>
    %get3A_126 = arith.constant 96 : index
    %get3A_127 = tpu.vector_load %arg9[%get3A_126] {strides = array<i32>} : memref<320xi32, #tpu.memory_space<vmem>>, vector<16xi32>,
    %select_n3A_128 = arith.select %gt3A_118, %get3A_127, %min3A_125 : vector<16xi1>, vector<16xi32>
    %swap3A_129 = arith.constant 32 : index
    %swap3A_130 = tpu.vector_load %arg12[%swap3A_129] {strides = array<i32>} : memref<64xi32, #tpu.memory_space<vmem>>, vector<16xi32>,
    tpu.vector_store %arg12[%swap3A_129], %select_n3A_128 {strides = array<i32>} : memref<64xi32, #tpu.memory_space<vmem>>, vector<16xi32>,
    %get3A_131 = arith.constant 112 : index
    %get3A_132 = tpu.vector_load %arg8[%get3A_131] {strides = array<i32>} : memref<320xf32, #tpu.memory_space<vmem>>, vector<16xf32>,
    %gt3A_133 = arith.constant 0xFF800000 : f32
    %gt3A_134 = vector.broadcast %gt3A_133 : f32 to vector<16xf32>
    %gt3A_135 = arith.cmpf ogt, %get3A_132, %gt3A_134 : vector<16xf32>
    %add3A_136 = arith.constant 112 : i32
    %add3A_137 = arith.addi %mul3A_2, %add3A_136 : i32
    %add3A_138 = vector.broadcast %add3A_137 : i32 to vector<16xi32>
    %add3A_139 = arith.addi %iota3A, %add3A_138 : vector<16xi32>
    %min3A_140 = arith.constant 9999 : i32
    %min3A_141 = vector.broadcast %min3A_140 : i32 to vector<16xi32>
    %min3A_142 = arith.minsi %add3A_139, %min3A_141 : vector<16xi32>
    %get3A_143 = arith.constant 112 : index
    %get3A_144 = tpu.vector_load %arg9[%get3A_143] {strides = array<i32>} : memref<320xi32, #tpu.memory_space<vmem>>, vector<16xi32>,
    %select_n3A_145 = arith.select %gt3A_135, %get3A_144, %min3A_142 : vector<16xi1>, vector<16xi32>
    %swap3A_146 = arith.constant 48 : index
    %swap3A_147 = tpu.vector_load %arg12[%swap3A_146] {strides = array<i32>} : memref<64xi32, #tpu.memory_space<vmem>>, vector<16xi32>,
    tpu.vector_store %arg12[%swap3A_146], %select_n3A_145 {strides = array<i32>} : memref<64xi32, #tpu.memory_space<vmem>>, vector<16xi32>,
    %get3A_148 = arith.constant 128 : index
    %get3A_149 = tpu.vector_load %arg8[%get3A_148] {strides = array<i32>} : memref<320xf32, #tpu.memory_space<vmem>>, vector<16xf32>,
    %gt3A_150 = arith.constant 0xFF800000 : f32
    %gt3A_151 = vector.broadcast %gt3A_150 : f32 to vector<16xf32>
    %gt3A_152 = arith.cmpf ogt, %get3A_149, %gt3A_151 : vector<16xf32>
    %add3A_153 = arith.constant 128 : i32
    %add3A_154 = arith.addi %mul3A_2, %add3A_153 : i32
    %add3A_155 = vector.broadcast %add3A_154 : i32 to vector<16xi32>
    %add3A_156 = arith.addi %iota3A, %add3A_155 : vector<16xi32>
    %min3A_157 = arith.constant 9999 : i32
    %min3A_158 = vector.broadcast %min3A_157 : i32 to vector<16xi32>
    %min3A_159 = arith.minsi %add3A_156, %min3A_158 : vector<16xi32>
    %get3A_160 = arith.constant 128 : index
    %get3A_161 = tpu.vector_load %arg9[%get3A_160] {strides = array<i32>} : memref<320xi32, #tpu.memory_space<vmem>>, vector<16xi32>,
    %select_n3A_162 = arith.select %gt3A_152, %get3A_161, %min3A_159 : vector<16xi1>, vector<16xi32>
    %swap3A_163 = arith.constant 0 : index
    %swap3A_164 = tpu.vector_load %arg13[%swap3A_163] {strides = array<i32>} : memref<64xi32, #tpu.memory_space<vmem>>, vector<16xi32>,
    tpu.vector_store %arg13[%swap3A_163], %select_n3A_162 {strides = array<i32>} : memref<64xi32, #tpu.memory_space<vmem>>, vector<16xi32>,
    %get3A_165 = arith.constant 144 : index
    %get3A_166 = tpu.vector_load %arg8[%get3A_165] {strides = array<i32>} : memref<320xf32, #tpu.memory_space<vmem>>, vector<16xf32>,
    %gt3A_167 = arith.constant 0xFF800000 : f32
    %gt3A_168 = vector.broadcast %gt3A_167 : f32 to vector<16xf32>
    %gt3A_169 = arith.cmpf ogt, %get3A_166, %gt3A_168 : vector<16xf32>
    %add3A_170 = arith.constant 144 : i32
    %add3A_171 = arith.addi %mul3A_2, %add3A_170 : i32
    %add3A_172 = vector.broadcast %add3A_171 : i32 to vector<16xi32>
    %add3A_173 = arith.addi %iota3A, %add3A_172 : vector<16xi32>
    %min3A_174 = arith.constant 9999 : i32
    %min3A_175 = vector.broadcast %min3A_174 : i32 to vector<16xi32>
    %min3A_176 = arith.minsi %add3A_173, %min3A_175 : vector<16xi32>
    %get3A_177 = arith.constant 144 : index
    %get3A_178 = tpu.vector_load %arg9[%get3A_177] {strides = array<i32>} : memref<320xi32, #tpu.memory_space<vmem>>, vector<16xi32>,
    %select_n3A_179 = arith.select %gt3A_169, %get3A_178, %min3A_176 : vector<16xi1>, vector<16xi32>
    %swap3A_180 = arith.constant 16 : index
    %swap3A_181 = tpu.vector_load %arg13[%swap3A_180] {strides = array<i32>} : memref<64xi32, #tpu.memory_space<vmem>>, vector<16xi32>,
    tpu.vector_store %arg13[%swap3A_180], %select_n3A_179 {strides = array<i32>} : memref<64xi32, #tpu.memory_space<vmem>>, vector<16xi32>,
    %get3A_182 = arith.constant 160 : index
    %get3A_183 = tpu.vector_load %arg8[%get3A_182] {strides = array<i32>} : memref<320xf32, #tpu.memory_space<vmem>>, vector<16xf32>,
    %gt3A_184 = arith.constant 0xFF800000 : f32
    %gt3A_185 = vector.broadcast %gt3A_184 : f32 to vector<16xf32>
    %gt3A_186 = arith.cmpf ogt, %get3A_183, %gt3A_185 : vector<16xf32>
    %add3A_187 = arith.constant 160 : i32
    %add3A_188 = arith.addi %mul3A_2, %add3A_187 : i32
    %add3A_189 = vector.broadcast %add3A_188 : i32 to vector<16xi32>
    %add3A_190 = arith.addi %iota3A, %add3A_189 : vector<16xi32>
    %min3A_191 = arith.constant 9999 : i32
    %min3A_192 = vector.broadcast %min3A_191 : i32 to vector<16xi32>
    %min3A_193 = arith.minsi %add3A_190, %min3A_192 : vector<16xi32>
    %get3A_194 = arith.constant 160 : index
    %get3A_195 = tpu.vector_load %arg9[%get3A_194] {strides = array<i32>} : memref<320xi32, #tpu.memory_space<vmem>>, vector<16xi32>,
    %select_n3A_196 = arith.select %gt3A_186, %get3A_195, %min3A_193 : vector<16xi1>, vector<16xi32>
    %swap3A_197 = arith.constant 32 : index
    %swap3A_198 = tpu.vector_load %arg13[%swap3A_197] {strides = array<i32>} : memref<64xi32, #tpu.memory_space<vmem>>, vector<16xi32>,
    tpu.vector_store %arg13[%swap3A_197], %select_n3A_196 {strides = array<i32>} : memref<64xi32, #tpu.memory_space<vmem>>, vector<16xi32>,
    %get3A_199 = arith.constant 176 : index
    %get3A_200 = tpu.vector_load %arg8[%get3A_199] {strides = array<i32>} : memref<320xf32, #tpu.memory_space<vmem>>, vector<16xf32>,
    %gt3A_201 = arith.constant 0xFF800000 : f32
    %gt3A_202 = vector.broadcast %gt3A_201 : f32 to vector<16xf32>
    %gt3A_203 = arith.cmpf ogt, %get3A_200, %gt3A_202 : vector<16xf32>
    %add3A_204 = arith.constant 176 : i32
    %add3A_205 = arith.addi %mul3A_2, %add3A_204 : i32
    %add3A_206 = vector.broadcast %add3A_205 : i32 to vector<16xi32>
    %add3A_207 = arith.addi %iota3A, %add3A_206 : vector<16xi32>
    %min3A_208 = arith.constant 9999 : i32
    %min3A_209 = vector.broadcast %min3A_208 : i32 to vector<16xi32>
    %min3A_210 = arith.minsi %add3A_207, %min3A_209 : vector<16xi32>
    %get3A_211 = arith.constant 176 : index
    %get3A_212 = tpu.vector_load %arg9[%get3A_211] {strides = array<i32>} : memref<320xi32, #tpu.memory_space<vmem>>, vector<16xi32>,
    %select_n3A_213 = arith.select %gt3A_203, %get3A_212, %min3A_210 : vector<16xi1>, vector<16xi32>
    %swap3A_214 = arith.constant 48 : index
    %swap3A_215 = tpu.vector_load %arg13[%swap3A_214] {strides = array<i32>} : memref<64xi32, #tpu.memory_space<vmem>>, vector<16xi32>,
    tpu.vector_store %arg13[%swap3A_214], %select_n3A_213 {strides = array<i32>} : memref<64xi32, #tpu.memory_space<vmem>>, vector<16xi32>,
    %get3A_216 = arith.constant 192 : index
    %get3A_217 = tpu.vector_load %arg8[%get3A_216] {strides = array<i32>} : memref<320xf32, #tpu.memory_space<vmem>>, vector<16xf32>,
    %gt3A_218 = arith.constant 0xFF800000 : f32
    %gt3A_219 = vector.broadcast %gt3A_218 : f32 to vector<16xf32>
    %gt3A_220 = arith.cmpf ogt, %get3A_217, %gt3A_219 : vector<16xf32>
    %add3A_221 = arith.constant 192 : i32
    %add3A_222 = arith.addi %mul3A_2, %add3A_221 : i32
    %add3A_223 = vector.broadcast %add3A_222 : i32 to vector<16xi32>
    %add3A_224 = arith.addi %iota3A, %add3A_223 : vector<16xi32>
    %min3A_225 = arith.constant 9999 : i32
    %min3A_226 = vector.broadcast %min3A_225 : i32 to vector<16xi32>
    %min3A_227 = arith.minsi %add3A_224, %min3A_226 : vector<16xi32>
    %get3A_228 = arith.constant 192 : index
    %get3A_229 = tpu.vector_load %arg9[%get3A_228] {strides = array<i32>} : memref<320xi32, #tpu.memory_space<vmem>>, vector<16xi32>,
    %select_n3A_230 = arith.select %gt3A_220, %get3A_229, %min3A_227 : vector<16xi1>, vector<16xi32>
    %swap3A_231 = arith.constant 0 : index
    %swap3A_232 = tpu.vector_load %arg14[%swap3A_231] {strides = array<i32>} : memref<64xi32, #tpu.memory_space<vmem>>, vector<16xi32>,
    tpu.vector_store %arg14[%swap3A_231], %select_n3A_230 {strides = array<i32>} : memref<64xi32, #tpu.memory_space<vmem>>, vector<16xi32>,
    %get3A_233 = arith.constant 208 : index
    %get3A_234 = tpu.vector_load %arg8[%get3A_233] {strides = array<i32>} : memref<320xf32, #tpu.memory_space<vmem>>, vector<16xf32>,
    %gt3A_235 = arith.constant 0xFF800000 : f32
    %gt3A_236 = vector.broadcast %gt3A_235 : f32 to vector<16xf32>
    %gt3A_237 = arith.cmpf ogt, %get3A_234, %gt3A_236 : vector<16xf32>
    %add3A_238 = arith.constant 208 : i32
    %add3A_239 = arith.addi %mul3A_2, %add3A_238 : i32
    %add3A_240 = vector.broadcast %add3A_239 : i32 to vector<16xi32>
    %add3A_241 = arith.addi %iota3A, %add3A_240 : vector<16xi32>
    %min3A_242 = arith.constant 9999 : i32
    %min3A_243 = vector.broadcast %min3A_242 : i32 to vector<16xi32>
    %min3A_244 = arith.minsi %add3A_241, %min3A_243 : vector<16xi32>
    %get3A_245 = arith.constant 208 : index
    %get3A_246 = tpu.vector_load %arg9[%get3A_245] {strides = array<i32>} : memref<320xi32, #tpu.memory_space<vmem>>, vector<16xi32>,
    %select_n3A_247 = arith.select %gt3A_237, %get3A_246, %min3A_244 : vector<16xi1>, vector<16xi32>
    %swap3A_248 = arith.constant 16 : index
    %swap3A_249 = tpu.vector_load %arg14[%swap3A_248] {strides = array<i32>} : memref<64xi32, #tpu.memory_space<vmem>>, vector<16xi32>,
    tpu.vector_store %arg14[%swap3A_248], %select_n3A_247 {strides = array<i32>} : memref<64xi32, #tpu.memory_space<vmem>>, vector<16xi32>,
    %get3A_250 = arith.constant 224 : index
    %get3A_251 = tpu.vector_load %arg8[%get3A_250] {strides = array<i32>} : memref<320xf32, #tpu.memory_space<vmem>>, vector<16xf32>,
    %gt3A_252 = arith.constant 0xFF800000 : f32
    %gt3A_253 = vector.broadcast %gt3A_252 : f32 to vector<16xf32>
    %gt3A_254 = arith.cmpf ogt, %get3A_251, %gt3A_253 : vector<16xf32>
    %add3A_255 = arith.constant 224 : i32
    %add3A_256 = arith.addi %mul3A_2, %add3A_255 : i32
    %add3A_257 = vector.broadcast %add3A_256 : i32 to vector<16xi32>
    %add3A_258 = arith.addi %iota3A, %add3A_257 : vector<16xi32>
    %min3A_259 = arith.constant 9999 : i32
    %min3A_260 = vector.broadcast %min3A_259 : i32 to vector<16xi32>
    %min3A_261 = arith.minsi %add3A_258, %min3A_260 : vector<16xi32>
    %get3A_262 = arith.constant 224 : index
    %get3A_263 = tpu.vector_load %arg9[%get3A_262] {strides = array<i32>} : memref<320xi32, #tpu.memory_space<vmem>>, vector<16xi32>,
    %select_n3A_264 = arith.select %gt3A_254, %get3A_263, %min3A_261 : vector<16xi1>, vector<16xi32>
    %swap3A_265 = arith.constant 32 : index
    %swap3A_266 = tpu.vector_load %arg14[%swap3A_265] {strides = array<i32>} : memref<64xi32, #tpu.memory_space<vmem>>, vector<16xi32>,
    tpu.vector_store %arg14[%swap3A_265], %select_n3A_264 {strides = array<i32>} : memref<64xi32, #tpu.memory_space<vmem>>, vector<16xi32>,
    %get3A_267 = arith.constant 240 : index
    %get3A_268 = tpu.vector_load %arg8[%get3A_267] {strides = array<i32>} : memref<320xf32, #tpu.memory_space<vmem>>, vector<16xf32>,
    %gt3A_269 = arith.constant 0xFF800000 : f32
    %gt3A_270 = vector.broadcast %gt3A_269 : f32 to vector<16xf32>
    %gt3A_271 = arith.cmpf ogt, %get3A_268, %gt3A_270 : vector<16xf32>
    %add3A_272 = arith.constant 240 : i32
    %add3A_273 = arith.addi %mul3A_2, %add3A_272 : i32
    %add3A_274 = vector.broadcast %add3A_273 : i32 to vector<16xi32>
    %add3A_275 = arith.addi %iota3A, %add3A_274 : vector<16xi32>
    %min3A_276 = arith.constant 9999 : i32
    %min3A_277 = vector.broadcast %min3A_276 : i32 to vector<16xi32>
    %min3A_278 = arith.minsi %add3A_275, %min3A_277 : vector<16xi32>
    %get3A_279 = arith.constant 240 : index
    %get3A_280 = tpu.vector_load %arg9[%get3A_279] {strides = array<i32>} : memref<320xi32, #tpu.memory_space<vmem>>, vector<16xi32>,
    %select_n3A_281 = arith.select %gt3A_271, %get3A_280, %min3A_278 : vector<16xi1>, vector<16xi32>
    %swap3A_282 = arith.constant 48 : index
    %swap3A_283 = tpu.vector_load %arg14[%swap3A_282] {strides = array<i32>} : memref<64xi32, #tpu.memory_space<vmem>>, vector<16xi32>,
    tpu.vector_store %arg14[%swap3A_282], %select_n3A_281 {strides = array<i32>} : memref<64xi32, #tpu.memory_space<vmem>>, vector<16xi32>,
    %get3A_284 = arith.constant 256 : index
    %get3A_285 = tpu.vector_load %arg8[%get3A_284] {strides = array<i32>} : memref<320xf32, #tpu.memory_space<vmem>>, vector<16xf32>,
    %gt3A_286 = arith.constant 0xFF800000 : f32
    %gt3A_287 = vector.broadcast %gt3A_286 : f32 to vector<16xf32>
    %gt3A_288 = arith.cmpf ogt, %get3A_285, %gt3A_287 : vector<16xf32>
    %add3A_289 = arith.constant 256 : i32
    %add3A_290 = arith.addi %mul3A_2, %add3A_289 : i32
    %add3A_291 = vector.broadcast %add3A_290 : i32 to vector<16xi32>
    %add3A_292 = arith.addi %iota3A, %add3A_291 : vector<16xi32>
    %min3A_293 = arith.constant 9999 : i32
    %min3A_294 = vector.broadcast %min3A_293 : i32 to vector<16xi32>
    %min3A_295 = arith.minsi %add3A_292, %min3A_294 : vector<16xi32>
    %get3A_296 = arith.constant 256 : index
    %get3A_297 = tpu.vector_load %arg9[%get3A_296] {strides = array<i32>} : memref<320xi32, #tpu.memory_space<vmem>>, vector<16xi32>,
    %select_n3A_298 = arith.select %gt3A_288, %get3A_297, %min3A_295 : vector<16xi1>, vector<16xi32>
    %swap3A_299 = arith.constant 0 : index
    %swap3A_300 = tpu.vector_load %arg15[%swap3A_299] {strides = array<i32>} : memref<64xi32, #tpu.memory_space<vmem>>, vector<16xi32>,
    tpu.vector_store %arg15[%swap3A_299], %select_n3A_298 {strides = array<i32>} : memref<64xi32, #tpu.memory_space<vmem>>, vector<16xi32>,
    %get3A_301 = arith.constant 272 : index
    %get3A_302 = tpu.vector_load %arg8[%get3A_301] {strides = array<i32>} : memref<320xf32, #tpu.memory_space<vmem>>, vector<16xf32>,
    %gt3A_303 = arith.constant 0xFF800000 : f32
    %gt3A_304 = vector.broadcast %gt3A_303 : f32 to vector<16xf32>
    %gt3A_305 = arith.cmpf ogt, %get3A_302, %gt3A_304 : vector<16xf32>
    %add3A_306 = arith.constant 272 : i32
    %add3A_307 = arith.addi %mul3A_2, %add3A_306 : i32
    %add3A_308 = vector.broadcast %add3A_307 : i32 to vector<16xi32>
    %add3A_309 = arith.addi %iota3A, %add3A_308 : vector<16xi32>
    %min3A_310 = arith.constant 9999 : i32
    %min3A_311 = vector.broadcast %min3A_310 : i32 to vector<16xi32>
    %min3A_312 = arith.minsi %add3A_309, %min3A_311 : vector<16xi32>
    %get3A_313 = arith.constant 272 : index
    %get3A_314 = tpu.vector_load %arg9[%get3A_313] {strides = array<i32>} : memref<320xi32, #tpu.memory_space<vmem>>, vector<16xi32>,
    %select_n3A_315 = arith.select %gt3A_305, %get3A_314, %min3A_312 : vector<16xi1>, vector<16xi32>
    %swap3A_316 = arith.constant 16 : index
    %swap3A_317 = tpu.vector_load %arg15[%swap3A_316] {strides = array<i32>} : memref<64xi32, #tpu.memory_space<vmem>>, vector<16xi32>,
    tpu.vector_store %arg15[%swap3A_316], %select_n3A_315 {strides = array<i32>} : memref<64xi32, #tpu.memory_space<vmem>>, vector<16xi32>,
    %get3A_318 = arith.constant 288 : index
    %get3A_319 = tpu.vector_load %arg8[%get3A_318] {strides = array<i32>} : memref<320xf32, #tpu.memory_space<vmem>>, vector<16xf32>,
    %gt3A_320 = arith.constant 0xFF800000 : f32
    %gt3A_321 = vector.broadcast %gt3A_320 : f32 to vector<16xf32>
    %gt3A_322 = arith.cmpf ogt, %get3A_319, %gt3A_321 : vector<16xf32>
    %add3A_323 = arith.constant 288 : i32
    %add3A_324 = arith.addi %mul3A_2, %add3A_323 : i32
    %add3A_325 = vector.broadcast %add3A_324 : i32 to vector<16xi32>
    %add3A_326 = arith.addi %iota3A, %add3A_325 : vector<16xi32>
    %min3A_327 = arith.constant 9999 : i32
    %min3A_328 = vector.broadcast %min3A_327 : i32 to vector<16xi32>
    %min3A_329 = arith.minsi %add3A_326, %min3A_328 : vector<16xi32>
    %get3A_330 = arith.constant 288 : index
    %get3A_331 = tpu.vector_load %arg9[%get3A_330] {strides = array<i32>} : memref<320xi32, #tpu.memory_space<vmem>>, vector<16xi32>,
    %select_n3A_332 = arith.select %gt3A_322, %get3A_331, %min3A_329 : vector<16xi1>, vector<16xi32>
    %swap3A_333 = arith.constant 32 : index
    %swap3A_334 = tpu.vector_load %arg15[%swap3A_333] {strides = array<i32>} : memref<64xi32, #tpu.memory_space<vmem>>, vector<16xi32>,
    tpu.vector_store %arg15[%swap3A_333], %select_n3A_332 {strides = array<i32>} : memref<64xi32, #tpu.memory_space<vmem>>, vector<16xi32>,
    %get3A_335 = arith.constant 304 : index
    %get3A_336 = tpu.vector_load %arg8[%get3A_335] {strides = array<i32>} : memref<320xf32, #tpu.memory_space<vmem>>, vector<16xf32>,
    %gt3A_337 = arith.constant 0xFF800000 : f32
    %gt3A_338 = vector.broadcast %gt3A_337 : f32 to vector<16xf32>
    %gt3A_339 = arith.cmpf ogt, %get3A_336, %gt3A_338 : vector<16xf32>
    %add3A_340 = arith.constant 304 : i32
    %add3A_341 = arith.addi %mul3A_2, %add3A_340 : i32
    %add3A_342 = vector.broadcast %add3A_341 : i32 to vector<16xi32>
    %add3A_343 = arith.addi %iota3A, %add3A_342 : vector<16xi32>
    %min3A_344 = arith.constant 9999 : i32
    %min3A_345 = vector.broadcast %min3A_344 : i32 to vector<16xi32>
    %min3A_346 = arith.minsi %add3A_343, %min3A_345 : vector<16xi32>
    %get3A_347 = arith.constant 304 : index
    %get3A_348 = tpu.vector_load %arg9[%get3A_347] {strides = array<i32>} : memref<320xi32, #tpu.memory_space<vmem>>, vector<16xi32>,
    %select_n3A_349 = arith.select %gt3A_339, %get3A_348, %min3A_346 : vector<16xi1>, vector<16xi32>
    %swap3A_350 = arith.constant 48 : index
    %swap3A_351 = tpu.vector_load %arg15[%swap3A_350] {strides = array<i32>} : memref<64xi32, #tpu.memory_space<vmem>>, vector<16xi32>,
    tpu.vector_store %arg15[%swap3A_350], %select_n3A_349 {strides = array<i32>} : memref<64xi32, #tpu.memory_space<vmem>>, vector<16xi32>,
    "tpu.trace_start"() <{level = 10 : i32, message = "ph_gather"}> : () -> ()
    %dma_start3A = arith.constant 0 : i32
    %dma_start3A_352 = arith.constant 0 : i32
    %dma_start3A_353 = tpu.memref_slice %arg16[%dma_start3A, %dma_start3A_352] : memref<320x256xf32, #tpu.memory_space<vmem>> -> memref<64x256xf32, #tpu.memory_space<vmem>>
    %dma_start3A_354 = arith.constant 0 : i32
    %dma_start3A_355 = arith.constant 0 : i32
    %dma_start3A_356 = tpu.memref_slice %arg2[%dma_start3A_354, %dma_start3A_355] : memref<10000x256xf32, #tpu.memory_space<hbm>> -> memref<10000x256xf32, #tpu.memory_space<hbm>>
    tpu.enqueue_indirect_dma source(%dma_start3A_356 : memref<10000x256xf32, #tpu.memory_space<hbm>>) target(%dma_start3A_353 : memref<64x256xf32, #tpu.memory_space<vmem>>) offsets(%arg11 : memref<64xi32, #tpu.memory_space<vmem>>) semaphore(%arg17 : memref<!tpu.dma_semaphore, #tpu.memory_space<semaphore_mem>>)
    %dma_start3A_357 = arith.constant 64 : i32
    %dma_start3A_358 = arith.constant 0 : i32
    %dma_start3A_359 = tpu.memref_slice %arg16[%dma_start3A_357, %dma_start3A_358] : memref<320x256xf32, #tpu.memory_space<vmem>> -> memref<64x256xf32, #tpu.memory_space<vmem>>
    %dma_start3A_360 = arith.constant 0 : i32
    %dma_start3A_361 = arith.constant 0 : i32
    %dma_start3A_362 = tpu.memref_slice %arg2[%dma_start3A_360, %dma_start3A_361] : memref<10000x256xf32, #tpu.memory_space<hbm>> -> memref<10000x256xf32, #tpu.memory_space<hbm>>
    tpu.enqueue_indirect_dma source(%dma_start3A_362 : memref<10000x256xf32, #tpu.memory_space<hbm>>) target(%dma_start3A_359 : memref<64x256xf32, #tpu.memory_space<vmem>>) offsets(%arg12 : memref<64xi32, #tpu.memory_space<vmem>>) semaphore(%arg17 : memref<!tpu.dma_semaphore, #tpu.memory_space<semaphore_mem>>)
    %dma_start3A_363 = arith.constant 128 : i32
    %dma_start3A_364 = arith.constant 0 : i32
    %dma_start3A_365 = tpu.memref_slice %arg16[%dma_start3A_363, %dma_start3A_364] : memref<320x256xf32, #tpu.memory_space<vmem>> -> memref<64x256xf32, #tpu.memory_space<vmem>>
    %dma_start3A_366 = arith.constant 0 : i32
    %dma_start3A_367 = arith.constant 0 : i32
    %dma_start3A_368 = tpu.memref_slice %arg2[%dma_start3A_366, %dma_start3A_367] : memref<10000x256xf32, #tpu.memory_space<hbm>> -> memref<10000x256xf32, #tpu.memory_space<hbm>>
    tpu.enqueue_indirect_dma source(%dma_start3A_368 : memref<10000x256xf32, #tpu.memory_space<hbm>>) target(%dma_start3A_365 : memref<64x256xf32, #tpu.memory_space<vmem>>) offsets(%arg13 : memref<64xi32, #tpu.memory_space<vmem>>) semaphore(%arg17 : memref<!tpu.dma_semaphore, #tpu.memory_space<semaphore_mem>>)
    %dma_start3A_369 = arith.constant 192 : i32
    %dma_start3A_370 = arith.constant 0 : i32
    %dma_start3A_371 = tpu.memref_slice %arg16[%dma_start3A_369, %dma_start3A_370] : memref<320x256xf32, #tpu.memory_space<vmem>> -> memref<64x256xf32, #tpu.memory_space<vmem>>
    %dma_start3A_372 = arith.constant 0 : i32
    %dma_start3A_373 = arith.constant 0 : i32
    %dma_start3A_374 = tpu.memref_slice %arg2[%dma_start3A_372, %dma_start3A_373] : memref<10000x256xf32, #tpu.memory_space<hbm>> -> memref<10000x256xf32, #tpu.memory_space<hbm>>
    tpu.enqueue_indirect_dma source(%dma_start3A_374 : memref<10000x256xf32, #tpu.memory_space<hbm>>) target(%dma_start3A_371 : memref<64x256xf32, #tpu.memory_space<vmem>>) offsets(%arg14 : memref<64xi32, #tpu.memory_space<vmem>>) semaphore(%arg17 : memref<!tpu.dma_semaphore, #tpu.memory_space<semaphore_mem>>)
    %dma_start3A_375 = arith.constant 256 : i32
    %dma_start3A_376 = arith.constant 0 : i32
    %dma_start3A_377 = tpu.memref_slice %arg16[%dma_start3A_375, %dma_start3A_376] : memref<320x256xf32, #tpu.memory_space<vmem>> -> memref<64x256xf32, #tpu.memory_space<vmem>>
    %dma_start3A_378 = arith.constant 0 : i32
    %dma_start3A_379 = arith.constant 0 : i32
    %dma_start3A_380 = tpu.memref_slice %arg2[%dma_start3A_378, %dma_start3A_379] : memref<10000x256xf32, #tpu.memory_space<hbm>> -> memref<10000x256xf32, #tpu.memory_space<hbm>>
    tpu.enqueue_indirect_dma source(%dma_start3A_380 : memref<10000x256xf32, #tpu.memory_space<hbm>>) target(%dma_start3A_377 : memref<64x256xf32, #tpu.memory_space<vmem>>) offsets(%arg15 : memref<64xi32, #tpu.memory_space<vmem>>) semaphore(%arg17 : memref<!tpu.dma_semaphore, #tpu.memory_space<semaphore_mem>>)
    %dma_wait3A = arith.constant 0 : i32
    %dma_wait3A_381 = arith.constant 0 : i32
    %dma_wait3A_382 = tpu.memref_slice %arg16[%dma_wait3A, %dma_wait3A_381] : memref<320x256xf32, #tpu.memory_space<vmem>> -> memref<64x256xf32, #tpu.memory_space<vmem>>
    %dma_wait3A_383 = arith.constant 0 : i32
    %dma_wait3A_384 = arith.constant 0 : i32
    %dma_wait3A_385 = tpu.memref_slice %arg2[%dma_wait3A_383, %dma_wait3A_384] : memref<10000x256xf32, #tpu.memory_space<hbm>> -> memref<10000x256xf32, #tpu.memory_space<hbm>>
    tpu.wait_indirect_dma semaphore(%arg17 : memref<!tpu.dma_semaphore, #tpu.memory_space<semaphore_mem>>) src(%dma_wait3A_385 : memref<10000x256xf32, #tpu.memory_space<hbm>>) dst(%dma_wait3A_382 : memref<64x256xf32, #tpu.memory_space<vmem>>)
    %dma_wait3A_386 = arith.constant 64 : i32
    %dma_wait3A_387 = arith.constant 0 : i32
    %dma_wait3A_388 = tpu.memref_slice %arg16[%dma_wait3A_386, %dma_wait3A_387] : memref<320x256xf32, #tpu.memory_space<vmem>> -> memref<64x256xf32, #tpu.memory_space<vmem>>
    %dma_wait3A_389 = arith.constant 0 : i32
    %dma_wait3A_390 = arith.constant 0 : i32
    %dma_wait3A_391 = tpu.memref_slice %arg2[%dma_wait3A_389, %dma_wait3A_390] : memref<10000x256xf32, #tpu.memory_space<hbm>> -> memref<10000x256xf32, #tpu.memory_space<hbm>>
    tpu.wait_indirect_dma semaphore(%arg17 : memref<!tpu.dma_semaphore, #tpu.memory_space<semaphore_mem>>) src(%dma_wait3A_391 : memref<10000x256xf32, #tpu.memory_space<hbm>>) dst(%dma_wait3A_388 : memref<64x256xf32, #tpu.memory_space<vmem>>)
    %dma_wait3A_392 = arith.constant 128 : i32
    %dma_wait3A_393 = arith.constant 0 : i32
    %dma_wait3A_394 = tpu.memref_slice %arg16[%dma_wait3A_392, %dma_wait3A_393] : memref<320x256xf32, #tpu.memory_space<vmem>> -> memref<64x256xf32, #tpu.memory_space<vmem>>
    %dma_wait3A_395 = arith.constant 0 : i32
    %dma_wait3A_396 = arith.constant 0 : i32
    %dma_wait3A_397 = tpu.memref_slice %arg2[%dma_wait3A_395, %dma_wait3A_396] : memref<10000x256xf32, #tpu.memory_space<hbm>> -> memref<10000x256xf32, #tpu.memory_space<hbm>>
    tpu.wait_indirect_dma semaphore(%arg17 : memref<!tpu.dma_semaphore, #tpu.memory_space<semaphore_mem>>) src(%dma_wait3A_397 : memref<10000x256xf32, #tpu.memory_space<hbm>>) dst(%dma_wait3A_394 : memref<64x256xf32, #tpu.memory_space<vmem>>)
    %dma_wait3A_398 = arith.constant 192 : i32
    %dma_wait3A_399 = arith.constant 0 : i32
    %dma_wait3A_400 = tpu.memref_slice %arg16[%dma_wait3A_398, %dma_wait3A_399] : memref<320x256xf32, #tpu.memory_space<vmem>> -> memref<64x256xf32, #tpu.memory_space<vmem>>
    %dma_wait3A_401 = arith.constant 0 : i32
    %dma_wait3A_402 = arith.constant 0 : i32
    %dma_wait3A_403 = tpu.memref_slice %arg2[%dma_wait3A_401, %dma_wait3A_402] : memref<10000x256xf32, #tpu.memory_space<hbm>> -> memref<10000x256xf32, #tpu.memory_space<hbm>>
    tpu.wait_indirect_dma semaphore(%arg17 : memref<!tpu.dma_semaphore, #tpu.memory_space<semaphore_mem>>) src(%dma_wait3A_403 : memref<10000x256xf32, #tpu.memory_space<hbm>>) dst(%dma_wait3A_400 : memref<64x256xf32, #tpu.memory_space<vmem>>)
    %dma_wait3A_404 = arith.constant 256 : i32
    %dma_wait3A_405 = arith.constant 0 : i32
    %dma_wait3A_406 = tpu.memref_slice %arg16[%dma_wait3A_404, %dma_wait3A_405] : memref<320x256xf32, #tpu.memory_space<vmem>> -> memref<64x256xf32, #tpu.memory_space<vmem>>
    %dma_wait3A_407 = arith.constant 0 : i32
    %dma_wait3A_408 = arith.constant 0 : i32
    %dma_wait3A_409 = tpu.memref_slice %arg2[%dma_wait3A_407, %dma_wait3A_408] : memref<10000x256xf32, #tpu.memory_space<hbm>> -> memref<10000x256xf32, #tpu.memory_space<hbm>>
    tpu.wait_indirect_dma semaphore(%arg17 : memref<!tpu.dma_semaphore, #tpu.memory_space<semaphore_mem>>) src(%dma_wait3A_409 : memref<10000x256xf32, #tpu.memory_space<hbm>>) dst(%dma_wait3A_406 : memref<64x256xf32, #tpu.memory_space<vmem>>)
    %broadcast_in_dim3A_410 = arith.constant 0.000000e+00 : f32
    "tpu.trace_stop"() : () -> ()
    %broadcast_in_dim3A_411 = vector.broadcast %broadcast_in_dim3A_410 : f32 to vector<16xf32>
    "tpu.trace_start"() <{level = 10 : i32, message = "ph_zero"}> : () -> ()
    %scan3A_412 = arith.constant 0 : i32
    %scan3A_413 = arith.constant 0 : i32
    %scan3A_414 = arith.constant 20 : i32
    %scan3A_415 = arith.addi %scan3A_413, %scan3A_414 : i32
    %scan3A_416 = arith.constant 1 : i32
    scf.for %scan3A_424 = %scan3A_413 to %scan3A_415 step %scan3A_416  : i32 {
      %mul3A_425 = arith.constant 16 : i32
      %mul3A_426 = arith.muli %scan3A_424, %mul3A_425 : i32
      %get3A_427 = arith.index_cast %mul3A_426 : i32 to index
      %get3A_428 = tpu.vector_load %arg8[%get3A_427] {strides = array<i32>} : memref<320xf32, #tpu.memory_space<vmem>>, vector<16xf32>,
      %eq3A_429 = arith.constant 0xFF800000 : f32
      %eq3A_430 = vector.broadcast %eq3A_429 : f32 to vector<16xf32>
      %eq3A_431 = arith.cmpf oeq, %get3A_428, %eq3A_430 : vector<16xf32>
      %convert_element_type3A_432 = arith.extui %eq3A_431 : vector<16xi1> to vector<16xi32>
      %slice3A = vector.extract_strided_slice %convert_element_type3A_432 {offsets = [0], sizes = [1], strides = [1]} : vector<16xi32> to vector<1xi32>
      %squeeze3A = vector.extract %slice3A[0] : i32 from vector<1xi32>
      %gt3A_433 = arith.constant 0 : i32
      %gt3A_434 = arith.cmpi sgt, %squeeze3A, %gt3A_433 : i32
      %convert_element_type3A_435 = arith.extui %gt3A_434 : i1 to i32
      %cond3A_436 = arith.constant 0 : i32
      %cond3A_437 = arith.cmpi ne, %convert_element_type3A_435, %cond3A_436 : i32
      scf.if %cond3A_437 {
        %mul3A_543 = arith.constant 16 : i32
        %mul3A_544 = arith.muli %scan3A_424, %mul3A_543 : i32
        %add3A_545 = arith.constant 0 : i32
        %add3A_546 = arith.addi %mul3A_544, %add3A_545 : i32
        %swap3A_547 = arith.index_cast %add3A_546 : i32 to index
        %swap3A_548 = arith.constant 0 : index
        %swap3A_549 = tpu.vector_load %arg16[%swap3A_547, %swap3A_548] {strides = array<i32>} : memref<320x256xf32, #tpu.memory_space<vmem>>, vector<16xf32>,
        tpu.vector_store %arg16[%swap3A_547, %swap3A_548], %broadcast_in_dim3A_411 {strides = array<i32>} : memref<320x256xf32, #tpu.memory_space<vmem>>, vector<16xf32>,
        %mul3A_550 = arith.constant 16 : i32
        %mul3A_551 = arith.muli %scan3A_424, %mul3A_550 : i32
        %add3A_552 = arith.constant 0 : i32
        %add3A_553 = arith.addi %mul3A_551, %add3A_552 : i32
        %swap3A_554 = arith.index_cast %add3A_553 : i32 to index
        %swap3A_555 = arith.constant 16 : index
        %swap3A_556 = tpu.vector_load %arg16[%swap3A_554, %swap3A_555] {strides = array<i32>} : memref<320x256xf32, #tpu.memory_space<vmem>>, vector<16xf32>,
        tpu.vector_store %arg16[%swap3A_554, %swap3A_555], %broadcast_in_dim3A_411 {strides = array<i32>} : memref<320x256xf32, #tpu.memory_space<vmem>>, vector<16xf32>,
        %mul3A_557 = arith.constant 16 : i32
        %mul3A_558 = arith.muli %scan3A_424, %mul3A_557 : i32
        %add3A_559 = arith.constant 0 : i32
        %add3A_560 = arith.addi %mul3A_558, %add3A_559 : i32
        %swap3A_561 = arith.index_cast %add3A_560 : i32 to index
        %swap3A_562 = arith.constant 32 : index
        %swap3A_563 = tpu.vector_load %arg16[%swap3A_561, %swap3A_562] {strides = array<i32>} : memref<320x256xf32, #tpu.memory_space<vmem>>, vector<16xf32>,
        tpu.vector_store %arg16[%swap3A_561, %swap3A_562], %broadcast_in_dim3A_411 {strides = array<i32>} : memref<320x256xf32, #tpu.memory_space<vmem>>, vector<16xf32>,
        %mul3A_564 = arith.constant 16 : i32
        %mul3A_565 = arith.muli %scan3A_424, %mul3A_564 : i32
        %add3A_566 = arith.constant 0 : i32
        %add3A_567 = arith.addi %mul3A_565, %add3A_566 : i32
        %swap3A_568 = arith.index_cast %add3A_567 : i32 to index
        %swap3A_569 = arith.constant 48 : index
        %swap3A_570 = tpu.vector_load %arg16[%swap3A_568, %swap3A_569] {strides = array<i32>} : memref<320x256xf32, #tpu.memory_space<vmem>>, vector<16xf32>,
        tpu.vector_store %arg16[%swap3A_568, %swap3A_569], %broadcast_in_dim3A_411 {strides = array<i32>} : memref<320x256xf32, #tpu.memory_space<vmem>>, vector<16xf32>,
        %mul3A_571 = arith.constant 16 : i32
        %mul3A_572 = arith.muli %scan3A_424, %mul3A_571 : i32
        %add3A_573 = arith.constant 0 : i32
        %add3A_574 = arith.addi %mul3A_572, %add3A_573 : i32
        %swap3A_575 = arith.index_cast %add3A_574 : i32 to index
        %swap3A_576 = arith.constant 64 : index
        %swap3A_577 = tpu.vector_load %arg16[%swap3A_575, %swap3A_576] {strides = array<i32>} : memref<320x256xf32, #tpu.memory_space<vmem>>, vector<16xf32>,
        tpu.vector_store %arg16[%swap3A_575, %swap3A_576], %broadcast_in_dim3A_411 {strides = array<i32>} : memref<320x256xf32, #tpu.memory_space<vmem>>, vector<16xf32>,
        %mul3A_578 = arith.constant 16 : i32
        %mul3A_579 = arith.muli %scan3A_424, %mul3A_578 : i32
        %add3A_580 = arith.constant 0 : i32
        %add3A_581 = arith.addi %mul3A_579, %add3A_580 : i32
        %swap3A_582 = arith.index_cast %add3A_581 : i32 to index
        %swap3A_583 = arith.constant 80 : index
        %swap3A_584 = tpu.vector_load %arg16[%swap3A_582, %swap3A_583] {strides = array<i32>} : memref<320x256xf32, #tpu.memory_space<vmem>>, vector<16xf32>,
        tpu.vector_store %arg16[%swap3A_582, %swap3A_583], %broadcast_in_dim3A_411 {strides = array<i32>} : memref<320x256xf32, #tpu.memory_space<vmem>>, vector<16xf32>,
        %mul3A_585 = arith.constant 16 : i32
        %mul3A_586 = arith.muli %scan3A_424, %mul3A_585 : i32
        %add3A_587 = arith.constant 0 : i32
        %add3A_588 = arith.addi %mul3A_586, %add3A_587 : i32
        %swap3A_589 = arith.index_cast %add3A_588 : i32 to index
        %swap3A_590 = arith.constant 96 : index
        %swap3A_591 = tpu.vector_load %arg16[%swap3A_589, %swap3A_590] {strides = array<i32>} : memref<320x256xf32, #tpu.memory_space<vmem>>, vector<16xf32>,
        tpu.vector_store %arg16[%swap3A_589, %swap3A_590], %broadcast_in_dim3A_411 {strides = array<i32>} : memref<320x256xf32, #tpu.memory_space<vmem>>, vector<16xf32>,
        %mul3A_592 = arith.constant 16 : i32
        %mul3A_593 = arith.muli %scan3A_424, %mul3A_592 : i32
        %add3A_594 = arith.constant 0 : i32
        %add3A_595 = arith.addi %mul3A_593, %add3A_594 : i32
        %swap3A_596 = arith.index_cast %add3A_595 : i32 to index
        %swap3A_597 = arith.constant 112 : index
        %swap3A_598 = tpu.vector_load %arg16[%swap3A_596, %swap3A_597] {strides = array<i32>} : memref<320x256xf32, #tpu.memory_space<vmem>>, vector<16xf32>,
        tpu.vector_store %arg16[%swap3A_596, %swap3A_597], %broadcast_in_dim3A_411 {strides = array<i32>} : memref<320x256xf32, #tpu.memory_space<vmem>>, vector<16xf32>,
        %mul3A_599 = arith.constant 16 : i32
        %mul3A_600 = arith.muli %scan3A_424, %mul3A_599 : i32
        %add3A_601 = arith.constant 0 : i32
        %add3A_602 = arith.addi %mul3A_600, %add3A_601 : i32
        %swap3A_603 = arith.index_cast %add3A_602 : i32 to index
        %swap3A_604 = arith.constant 128 : index
        %swap3A_605 = tpu.vector_load %arg16[%swap3A_603, %swap3A_604] {strides = array<i32>} : memref<320x256xf32, #tpu.memory_space<vmem>>, vector<16xf32>,
        tpu.vector_store %arg16[%swap3A_603, %swap3A_604], %broadcast_in_dim3A_411 {strides = array<i32>} : memref<320x256xf32, #tpu.memory_space<vmem>>, vector<16xf32>,
        %mul3A_606 = arith.constant 16 : i32
        %mul3A_607 = arith.muli %scan3A_424, %mul3A_606 : i32
        %add3A_608 = arith.constant 0 : i32
        %add3A_609 = arith.addi %mul3A_607, %add3A_608 : i32
        %swap3A_610 = arith.index_cast %add3A_609 : i32 to index
        %swap3A_611 = arith.constant 144 : index
        %swap3A_612 = tpu.vector_load %arg16[%swap3A_610, %swap3A_611] {strides = array<i32>} : memref<320x256xf32, #tpu.memory_space<vmem>>, vector<16xf32>,
        tpu.vector_store %arg16[%swap3A_610, %swap3A_611], %broadcast_in_dim3A_411 {strides = array<i32>} : memref<320x256xf32, #tpu.memory_space<vmem>>, vector<16xf32>,
        %mul3A_613 = arith.constant 16 : i32
        %mul3A_614 = arith.muli %scan3A_424, %mul3A_613 : i32
        %add3A_615 = arith.constant 0 : i32
        %add3A_616 = arith.addi %mul3A_614, %add3A_615 : i32
        %swap3A_617 = arith.index_cast %add3A_616 : i32 to index
        %swap3A_618 = arith.constant 160 : index
        %swap3A_619 = tpu.vector_load %arg16[%swap3A_617, %swap3A_618] {strides = array<i32>} : memref<320x256xf32, #tpu.memory_space<vmem>>, vector<16xf32>,
        tpu.vector_store %arg16[%swap3A_617, %swap3A_618], %broadcast_in_dim3A_411 {strides = array<i32>} : memref<320x256xf32, #tpu.memory_space<vmem>>, vector<16xf32>,
        %mul3A_620 = arith.constant 16 : i32
        %mul3A_621 = arith.muli %scan3A_424, %mul3A_620 : i32
        %add3A_622 = arith.constant 0 : i32
        %add3A_623 = arith.addi %mul3A_621, %add3A_622 : i32
        %swap3A_624 = arith.index_cast %add3A_623 : i32 to index
        %swap3A_625 = arith.constant 176 : index
        %swap3A_626 = tpu.vector_load %arg16[%swap3A_624, %swap3A_625] {strides = array<i32>} : memref<320x256xf32, #tpu.memory_space<vmem>>, vector<16xf32>,
        tpu.vector_store %arg16[%swap3A_624, %swap3A_625], %broadcast_in_dim3A_411 {strides = array<i32>} : memref<320x256xf32, #tpu.memory_space<vmem>>, vector<16xf32>,
        %mul3A_627 = arith.constant 16 : i32
        %mul3A_628 = arith.muli %scan3A_424, %mul3A_627 : i32
        %add3A_629 = arith.constant 0 : i32
        %add3A_630 = arith.addi %mul3A_628, %add3A_629 : i32
        %swap3A_631 = arith.index_cast %add3A_630 : i32 to index
        %swap3A_632 = arith.constant 192 : index
        %swap3A_633 = tpu.vector_load %arg16[%swap3A_631, %swap3A_632] {strides = array<i32>} : memref<320x256xf32, #tpu.memory_space<vmem>>, vector<16xf32>,
        tpu.vector_store %arg16[%swap3A_631, %swap3A_632], %broadcast_in_dim3A_411 {strides = array<i32>} : memref<320x256xf32, #tpu.memory_space<vmem>>, vector<16xf32>,
        %mul3A_634 = arith.constant 16 : i32
        %mul3A_635 = arith.muli %scan3A_424, %mul3A_634 : i32
        %add3A_636 = arith.constant 0 : i32
        %add3A_637 = arith.addi %mul3A_635, %add3A_636 : i32
        %swap3A_638 = arith.index_cast %add3A_637 : i32 to index
        %swap3A_639 = arith.constant 208 : index
        %swap3A_640 = tpu.vector_load %arg16[%swap3A_638, %swap3A_639] {strides = array<i32>} : memref<320x256xf32, #tpu.memory_space<vmem>>, vector<16xf32>,
        tpu.vector_store %arg16[%swap3A_638, %swap3A_639], %broadcast_in_dim3A_411 {strides = array<i32>} : memref<320x256xf32, #tpu.memory_space<vmem>>, vector<16xf32>,
        %mul3A_641 = arith.constant 16 : i32
        %mul3A_642 = arith.muli %scan3A_424, %mul3A_641 : i32
        %add3A_643 = arith.constant 0 : i32
        %add3A_644 = arith.addi %mul3A_642, %add3A_643 : i32
        %swap3A_645 = arith.index_cast %add3A_644 : i32 to index
        %swap3A_646 = arith.constant 224 : index
        %swap3A_647 = tpu.vector_load %arg16[%swap3A_645, %swap3A_646] {strides = array<i32>} : memref<320x256xf32, #tpu.memory_space<vmem>>, vector<16xf32>,
        tpu.vector_store %arg16[%swap3A_645, %swap3A_646], %broadcast_in_dim3A_411 {strides = array<i32>} : memref<320x256xf32, #tpu.memory_space<vmem>>, vector<16xf32>,
        %mul3A_648 = arith.constant 16 : i32
        %mul3A_649 = arith.muli %scan3A_424, %mul3A_648 : i32
        %add3A_650 = arith.constant 0 : i32
        %add3A_651 = arith.addi %mul3A_649, %add3A_650 : i32
        %swap3A_652 = arith.index_cast %add3A_651 : i32 to index
        %swap3A_653 = arith.constant 240 : index
        %swap3A_654 = tpu.vector_load %arg16[%swap3A_652, %swap3A_653] {strides = array<i32>} : memref<320x256xf32, #tpu.memory_space<vmem>>, vector<16xf32>,
        tpu.vector_store %arg16[%swap3A_652, %swap3A_653], %broadcast_in_dim3A_411 {strides = array<i32>} : memref<320x256xf32, #tpu.memory_space<vmem>>, vector<16xf32>,
      } else {
      }
      %slice3A_438 = vector.extract_strided_slice %convert_element_type3A_432 {offsets = [1], sizes = [1], strides = [1]} : vector<16xi32> to vector<1xi32>
      %squeeze3A_439 = vector.extract %slice3A_438[0] : i32 from vector<1xi32>
      %gt3A_440 = arith.constant 0 : i32
      %gt3A_441 = arith.cmpi sgt, %squeeze3A_439, %gt3A_440 : i32
      %convert_element_type3A_442 = arith.extui %gt3A_441 : i1 to i32
      %cond3A_443 = arith.constant 0 : i32
      %cond3A_444 = arith.cmpi ne, %convert_element_type3A_442, %cond3A_443 : i32
      scf.if %cond3A_444 {
        %mul3A_543 = arith.constant 16 : i32
        %mul3A_544 = arith.muli %scan3A_424, %mul3A_543 : i32
        %add3A_545 = arith.constant 1 : i32
        %add3A_546 = arith.addi %mul3A_544, %add3A_545 : i32
        %swap3A_547 = arith.index_cast %add3A_546 : i32 to index
        %swap3A_548 = arith.constant 0 : index
        %swap3A_549 = tpu.vector_load %arg16[%swap3A_547, %swap3A_548] {strides = array<i32>} : memref<320x256xf32, #tpu.memory_space<vmem>>, vector<16xf32>,
        tpu.vector_store %arg16[%swap3A_547, %swap3A_548], %broadcast_in_dim3A_411 {strides = array<i32>} : memref<320x256xf32, #tpu.memory_space<vmem>>, vector<16xf32>,
        %mul3A_550 = arith.constant 16 : i32
        %mul3A_551 = arith.muli %scan3A_424, %mul3A_550 : i32
        %add3A_552 = arith.constant 1 : i32
        %add3A_553 = arith.addi %mul3A_551, %add3A_552 : i32
        %swap3A_554 = arith.index_cast %add3A_553 : i32 to index
        %swap3A_555 = arith.constant 16 : index
        %swap3A_556 = tpu.vector_load %arg16[%swap3A_554, %swap3A_555] {strides = array<i32>} : memref<320x256xf32, #tpu.memory_space<vmem>>, vector<16xf32>,
        tpu.vector_store %arg16[%swap3A_554, %swap3A_555], %broadcast_in_dim3A_411 {strides = array<i32>} : memref<320x256xf32, #tpu.memory_space<vmem>>, vector<16xf32>,
        %mul3A_557 = arith.constant 16 : i32
        %mul3A_558 = arith.muli %scan3A_424, %mul3A_557 : i32
        %add3A_559 = arith.constant 1 : i32
        %add3A_560 = arith.addi %mul3A_558, %add3A_559 : i32
        %swap3A_561 = arith.index_cast %add3A_560 : i32 to index
        %swap3A_562 = arith.constant 32 : index
        %swap3A_563 = tpu.vector_load %arg16[%swap3A_561, %swap3A_562] {strides = array<i32>} : memref<320x256xf32, #tpu.memory_space<vmem>>, vector<16xf32>,
        tpu.vector_store %arg16[%swap3A_561, %swap3A_562], %broadcast_in_dim3A_411 {strides = array<i32>} : memref<320x256xf32, #tpu.memory_space<vmem>>, vector<16xf32>,
        %mul3A_564 = arith.constant 16 : i32
        %mul3A_565 = arith.muli %scan3A_424, %mul3A_564 : i32
        %add3A_566 = arith.constant 1 : i32
        %add3A_567 = arith.addi %mul3A_565, %add3A_566 : i32
        %swap3A_568 = arith.index_cast %add3A_567 : i32 to index
        %swap3A_569 = arith.constant 48 : index
        %swap3A_570 = tpu.vector_load %arg16[%swap3A_568, %swap3A_569] {strides = array<i32>} : memref<320x256xf32, #tpu.memory_space<vmem>>, vector<16xf32>,
        tpu.vector_store %arg16[%swap3A_568, %swap3A_569], %broadcast_in_dim3A_411 {strides = array<i32>} : memref<320x256xf32, #tpu.memory_space<vmem>>, vector<16xf32>,
        %mul3A_571 = arith.constant 16 : i32
        %mul3A_572 = arith.muli %scan3A_424, %mul3A_571 : i32
        %add3A_573 = arith.constant 1 : i32
        %add3A_574 = arith.addi %mul3A_572, %add3A_573 : i32
        %swap3A_575 = arith.index_cast %add3A_574 : i32 to index
        %swap3A_576 = arith.constant 64 : index
        %swap3A_577 = tpu.vector_load %arg16[%swap3A_575, %swap3A_576] {strides = array<i32>} : memref<320x256xf32, #tpu.memory_space<vmem>>, vector<16xf32>,
        tpu.vector_store %arg16[%swap3A_575, %swap3A_576], %broadcast_in_dim3A_411 {strides = array<i32>} : memref<320x256xf32, #tpu.memory_space<vmem>>, vector<16xf32>,
        %mul3A_578 = arith.constant 16 : i32
        %mul3A_579 = arith.muli %scan3A_424, %mul3A_578 : i32
        %add3A_580 = arith.constant 1 : i32
        %add3A_581 = arith.addi %mul3A_579, %add3A_580 : i32
        %swap3A_582 = arith.index_cast %add3A_581 : i32 to index
        %swap3A_583 = arith.constant 80 : index
        %swap3A_584 = tpu.vector_load %arg16[%swap3A_582, %swap3A_583] {strides = array<i32>} : memref<320x256xf32, #tpu.memory_space<vmem>>, vector<16xf32>,
        tpu.vector_store %arg16[%swap3A_582, %swap3A_583], %broadcast_in_dim3A_411 {strides = array<i32>} : memref<320x256xf32, #tpu.memory_space<vmem>>, vector<16xf32>,
        %mul3A_585 = arith.constant 16 : i32
        %mul3A_586 = arith.muli %scan3A_424, %mul3A_585 : i32
        %add3A_587 = arith.constant 1 : i32
        %add3A_588 = arith.addi %mul3A_586, %add3A_587 : i32
        %swap3A_589 = arith.index_cast %add3A_588 : i32 to index
        %swap3A_590 = arith.constant 96 : index
        %swap3A_591 = tpu.vector_load %arg16[%swap3A_589, %swap3A_590] {strides = array<i32>} : memref<320x256xf32, #tpu.memory_space<vmem>>, vector<16xf32>,
        tpu.vector_store %arg16[%swap3A_589, %swap3A_590], %broadcast_in_dim3A_411 {strides = array<i32>} : memref<320x256xf32, #tpu.memory_space<vmem>>, vector<16xf32>,
        %mul3A_592 = arith.constant 16 : i32
        %mul3A_593 = arith.muli %scan3A_424, %mul3A_592 : i32
        %add3A_594 = arith.constant 1 : i32
        %add3A_595 = arith.addi %mul3A_593, %add3A_594 : i32
        %swap3A_596 = arith.index_cast %add3A_595 : i32 to index
        %swap3A_597 = arith.constant 112 : index
        %swap3A_598 = tpu.vector_load %arg16[%swap3A_596, %swap3A_597] {strides = array<i32>} : memref<320x256xf32, #tpu.memory_space<vmem>>, vector<16xf32>,
        tpu.vector_store %arg16[%swap3A_596, %swap3A_597], %broadcast_in_dim3A_411 {strides = array<i32>} : memref<320x256xf32, #tpu.memory_space<vmem>>, vector<16xf32>,
        %mul3A_599 = arith.constant 16 : i32
        %mul3A_600 = arith.muli %scan3A_424, %mul3A_599 : i32
        %add3A_601 = arith.constant 1 : i32
        %add3A_602 = arith.addi %mul3A_600, %add3A_601 : i32
        %swap3A_603 = arith.index_cast %add3A_602 : i32 to index
        %swap3A_604 = arith.constant 128 : index
        %swap3A_605 = tpu.vector_load %arg16[%swap3A_603, %swap3A_604] {strides = array<i32>} : memref<320x256xf32, #tpu.memory_space<vmem>>, vector<16xf32>,
        tpu.vector_store %arg16[%swap3A_603, %swap3A_604], %broadcast_in_dim3A_411 {strides = array<i32>} : memref<320x256xf32, #tpu.memory_space<vmem>>, vector<16xf32>,
        %mul3A_606 = arith.constant 16 : i32
        %mul3A_607 = arith.muli %scan3A_424, %mul3A_606 : i32
        %add3A_608 = arith.constant 1 : i32
        %add3A_609 = arith.addi %mul3A_607, %add3A_608 : i32
        %swap3A_610 = arith.index_cast %add3A_609 : i32 to index
        %swap3A_611 = arith.constant 144 : index
        %swap3A_612 = tpu.vector_load %arg16[%swap3A_610, %swap3A_611] {strides = array<i32>} : memref<320x256xf32, #tpu.memory_space<vmem>>, vector<16xf32>,
        tpu.vector_store %arg16[%swap3A_610, %swap3A_611], %broadcast_in_dim3A_411 {strides = array<i32>} : memref<320x256xf32, #tpu.memory_space<vmem>>, vector<16xf32>,
        %mul3A_613 = arith.constant 16 : i32
        %mul3A_614 = arith.muli %scan3A_424, %mul3A_613 : i32
        %add3A_615 = arith.constant 1 : i32
        %add3A_616 = arith.addi %mul3A_614, %add3A_615 : i32
        %swap3A_617 = arith.index_cast %add3A_616 : i32 to index
        %swap3A_618 = arith.constant 160 : index
        %swap3A_619 = tpu.vector_load %arg16[%swap3A_617, %swap3A_618] {strides = array<i32>} : memref<320x256xf32, #tpu.memory_space<vmem>>, vector<16xf32>,
        tpu.vector_store %arg16[%swap3A_617, %swap3A_618], %broadcast_in_dim3A_411 {strides = array<i32>} : memref<320x256xf32, #tpu.memory_space<vmem>>, vector<16xf32>,
        %mul3A_620 = arith.constant 16 : i32
        %mul3A_621 = arith.muli %scan3A_424, %mul3A_620 : i32
        %add3A_622 = arith.constant 1 : i32
        %add3A_623 = arith.addi %mul3A_621, %add3A_622 : i32
        %swap3A_624 = arith.index_cast %add3A_623 : i32 to index
        %swap3A_625 = arith.constant 176 : index
        %swap3A_626 = tpu.vector_load %arg16[%swap3A_624, %swap3A_625] {strides = array<i32>} : memref<320x256xf32, #tpu.memory_space<vmem>>, vector<16xf32>,
        tpu.vector_store %arg16[%swap3A_624, %swap3A_625], %broadcast_in_dim3A_411 {strides = array<i32>} : memref<320x256xf32, #tpu.memory_space<vmem>>, vector<16xf32>,
        %mul3A_627 = arith.constant 16 : i32
        %mul3A_628 = arith.muli %scan3A_424, %mul3A_627 : i32
        %add3A_629 = arith.constant 1 : i32
        %add3A_630 = arith.addi %mul3A_628, %add3A_629 : i32
        %swap3A_631 = arith.index_cast %add3A_630 : i32 to index
        %swap3A_632 = arith.constant 192 : index
        %swap3A_633 = tpu.vector_load %arg16[%swap3A_631, %swap3A_632] {strides = array<i32>} : memref<320x256xf32, #tpu.memory_space<vmem>>, vector<16xf32>,
        tpu.vector_store %arg16[%swap3A_631, %swap3A_632], %broadcast_in_dim3A_411 {strides = array<i32>} : memref<320x256xf32, #tpu.memory_space<vmem>>, vector<16xf32>,
        %mul3A_634 = arith.constant 16 : i32
        %mul3A_635 = arith.muli %scan3A_424, %mul3A_634 : i32
        %add3A_636 = arith.constant 1 : i32
        %add3A_637 = arith.addi %mul3A_635, %add3A_636 : i32
        %swap3A_638 = arith.index_cast %add3A_637 : i32 to index
        %swap3A_639 = arith.constant 208 : index
        %swap3A_640 = tpu.vector_load %arg16[%swap3A_638, %swap3A_639] {strides = array<i32>} : memref<320x256xf32, #tpu.memory_space<vmem>>, vector<16xf32>,
        tpu.vector_store %arg16[%swap3A_638, %swap3A_639], %broadcast_in_dim3A_411 {strides = array<i32>} : memref<320x256xf32, #tpu.memory_space<vmem>>, vector<16xf32>,
        %mul3A_641 = arith.constant 16 : i32
        %mul3A_642 = arith.muli %scan3A_424, %mul3A_641 : i32
        %add3A_643 = arith.constant 1 : i32
        %add3A_644 = arith.addi %mul3A_642, %add3A_643 : i32
        %swap3A_645 = arith.index_cast %add3A_644 : i32 to index
        %swap3A_646 = arith.constant 224 : index
        %swap3A_647 = tpu.vector_load %arg16[%swap3A_645, %swap3A_646] {strides = array<i32>} : memref<320x256xf32, #tpu.memory_space<vmem>>, vector<16xf32>,
        tpu.vector_store %arg16[%swap3A_645, %swap3A_646], %broadcast_in_dim3A_411 {strides = array<i32>} : memref<320x256xf32, #tpu.memory_space<vmem>>, vector<16xf32>,
        %mul3A_648 = arith.constant 16 : i32
        %mul3A_649 = arith.muli %scan3A_424, %mul3A_648 : i32
        %add3A_650 = arith.constant 1 : i32
        %add3A_651 = arith.addi %mul3A_649, %add3A_650 : i32
        %swap3A_652 = arith.index_cast %add3A_651 : i32 to index
        %swap3A_653 = arith.constant 240 : index
        %swap3A_654 = tpu.vector_load %arg16[%swap3A_652, %swap3A_653] {strides = array<i32>} : memref<320x256xf32, #tpu.memory_space<vmem>>, vector<16xf32>,
        tpu.vector_store %arg16[%swap3A_652, %swap3A_653], %broadcast_in_dim3A_411 {strides = array<i32>} : memref<320x256xf32, #tpu.memory_space<vmem>>, vector<16xf32>,
      } else {
      }
      %slice3A_445 = vector.extract_strided_slice %convert_element_type3A_432 {offsets = [2], sizes = [1], strides = [1]} : vector<16xi32> to vector<1xi32>
      %squeeze3A_446 = vector.extract %slice3A_445[0] : i32 from vector<1xi32>
      %gt3A_447 = arith.constant 0 : i32
      %gt3A_448 = arith.cmpi sgt, %squeeze3A_446, %gt3A_447 : i32
      %convert_element_type3A_449 = arith.extui %gt3A_448 : i1 to i32
      %cond3A_450 = arith.constant 0 : i32
      %cond3A_451 = arith.cmpi ne, %convert_element_type3A_449, %cond3A_450 : i32
      scf.if %cond3A_451 {
        %mul3A_543 = arith.constant 16 : i32
        %mul3A_544 = arith.muli %scan3A_424, %mul3A_543 : i32
        %add3A_545 = arith.constant 2 : i32
        %add3A_546 = arith.addi %mul3A_544, %add3A_545 : i32
        %swap3A_547 = arith.index_cast %add3A_546 : i32 to index
        %swap3A_548 = arith.constant 0 : index
        %swap3A_549 = tpu.vector_load %arg16[%swap3A_547, %swap3A_548] {strides = array<i32>} : memref<320x256xf32, #tpu.memory_space<vmem>>, vector<16xf32>,
        tpu.vector_store %arg16[%swap3A_547, %swap3A_548], %broadcast_in_dim3A_411 {strides = array<i32>} : memref<320x256xf32, #tpu.memory_space<vmem>>, vector<16xf32>,
        %mul3A_550 = arith.constant 16 : i32
        %mul3A_551 = arith.muli %scan3A_424, %mul3A_550 : i32
        %add3A_552 = arith.constant 2 : i32
        %add3A_553 = arith.addi %mul3A_551, %add3A_552 : i32
        %swap3A_554 = arith.index_cast %add3A_553 : i32 to index
        %swap3A_555 = arith.constant 16 : index
        %swap3A_556 = tpu.vector_load %arg16[%swap3A_554, %swap3A_555] {strides = array<i32>} : memref<320x256xf32, #tpu.memory_space<vmem>>, vector<16xf32>,
        tpu.vector_store %arg16[%swap3A_554, %swap3A_555], %broadcast_in_dim3A_411 {strides = array<i32>} : memref<320x256xf32, #tpu.memory_space<vmem>>, vector<16xf32>,
        %mul3A_557 = arith.constant 16 : i32
        %mul3A_558 = arith.muli %scan3A_424, %mul3A_557 : i32
        %add3A_559 = arith.constant 2 : i32
        %add3A_560 = arith.addi %mul3A_558, %add3A_559 : i32
        %swap3A_561 = arith.index_cast %add3A_560 : i32 to index
        %swap3A_562 = arith.constant 32 : index
        %swap3A_563 = tpu.vector_load %arg16[%swap3A_561, %swap3A_562] {strides = array<i32>} : memref<320x256xf32, #tpu.memory_space<vmem>>, vector<16xf32>,
        tpu.vector_store %arg16[%swap3A_561, %swap3A_562], %broadcast_in_dim3A_411 {strides = array<i32>} : memref<320x256xf32, #tpu.memory_space<vmem>>, vector<16xf32>,
        %mul3A_564 = arith.constant 16 : i32
        %mul3A_565 = arith.muli %scan3A_424, %mul3A_564 : i32
        %add3A_566 = arith.constant 2 : i32
        %add3A_567 = arith.addi %mul3A_565, %add3A_566 : i32
        %swap3A_568 = arith.index_cast %add3A_567 : i32 to index
        %swap3A_569 = arith.constant 48 : index
        %swap3A_570 = tpu.vector_load %arg16[%swap3A_568, %swap3A_569] {strides = array<i32>} : memref<320x256xf32, #tpu.memory_space<vmem>>, vector<16xf32>,
        tpu.vector_store %arg16[%swap3A_568, %swap3A_569], %broadcast_in_dim3A_411 {strides = array<i32>} : memref<320x256xf32, #tpu.memory_space<vmem>>, vector<16xf32>,
        %mul3A_571 = arith.constant 16 : i32
        %mul3A_572 = arith.muli %scan3A_424, %mul3A_571 : i32
        %add3A_573 = arith.constant 2 : i32
        %add3A_574 = arith.addi %mul3A_572, %add3A_573 : i32
        %swap3A_575 = arith.index_cast %add3A_574 : i32 to index
        %swap3A_576 = arith.constant 64 : index
        %swap3A_577 = tpu.vector_load %arg16[%swap3A_575, %swap3A_576] {strides = array<i32>} : memref<320x256xf32, #tpu.memory_space<vmem>>, vector<16xf32>,
        tpu.vector_store %arg16[%swap3A_575, %swap3A_576], %broadcast_in_dim3A_411 {strides = array<i32>} : memref<320x256xf32, #tpu.memory_space<vmem>>, vector<16xf32>,
        %mul3A_578 = arith.constant 16 : i32
        %mul3A_579 = arith.muli %scan3A_424, %mul3A_578 : i32
        %add3A_580 = arith.constant 2 : i32
        %add3A_581 = arith.addi %mul3A_579, %add3A_580 : i32
        %swap3A_582 = arith.index_cast %add3A_581 : i32 to index
        %swap3A_583 = arith.constant 80 : index
        %swap3A_584 = tpu.vector_load %arg16[%swap3A_582, %swap3A_583] {strides = array<i32>} : memref<320x256xf32, #tpu.memory_space<vmem>>, vector<16xf32>,
        tpu.vector_store %arg16[%swap3A_582, %swap3A_583], %broadcast_in_dim3A_411 {strides = array<i32>} : memref<320x256xf32, #tpu.memory_space<vmem>>, vector<16xf32>,
        %mul3A_585 = arith.constant 16 : i32
        %mul3A_586 = arith.muli %scan3A_424, %mul3A_585 : i32
        %add3A_587 = arith.constant 2 : i32
        %add3A_588 = arith.addi %mul3A_586, %add3A_587 : i32
        %swap3A_589 = arith.index_cast %add3A_588 : i32 to index
        %swap3A_590 = arith.constant 96 : index
        %swap3A_591 = tpu.vector_load %arg16[%swap3A_589, %swap3A_590] {strides = array<i32>} : memref<320x256xf32, #tpu.memory_space<vmem>>, vector<16xf32>,
        tpu.vector_store %arg16[%swap3A_589, %swap3A_590], %broadcast_in_dim3A_411 {strides = array<i32>} : memref<320x256xf32, #tpu.memory_space<vmem>>, vector<16xf32>,
        %mul3A_592 = arith.constant 16 : i32
        %mul3A_593 = arith.muli %scan3A_424, %mul3A_592 : i32
        %add3A_594 = arith.constant 2 : i32
        %add3A_595 = arith.addi %mul3A_593, %add3A_594 : i32
        %swap3A_596 = arith.index_cast %add3A_595 : i32 to index
        %swap3A_597 = arith.constant 112 : index
        %swap3A_598 = tpu.vector_load %arg16[%swap3A_596, %swap3A_597] {strides = array<i32>} : memref<320x256xf32, #tpu.memory_space<vmem>>, vector<16xf32>,
        tpu.vector_store %arg16[%swap3A_596, %swap3A_597], %broadcast_in_dim3A_411 {strides = array<i32>} : memref<320x256xf32, #tpu.memory_space<vmem>>, vector<16xf32>,
        %mul3A_599 = arith.constant 16 : i32
        %mul3A_600 = arith.muli %scan3A_424, %mul3A_599 : i32
        %add3A_601 = arith.constant 2 : i32
        %add3A_602 = arith.addi %mul3A_600, %add3A_601 : i32
        %swap3A_603 = arith.index_cast %add3A_602 : i32 to index
        %swap3A_604 = arith.constant 128 : index
        %swap3A_605 = tpu.vector_load %arg16[%swap3A_603, %swap3A_604] {strides = array<i32>} : memref<320x256xf32, #tpu.memory_space<vmem>>, vector<16xf32>,
        tpu.vector_store %arg16[%swap3A_603, %swap3A_604], %broadcast_in_dim3A_411 {strides = array<i32>} : memref<320x256xf32, #tpu.memory_space<vmem>>, vector<16xf32>,
        %mul3A_606 = arith.constant 16 : i32
        %mul3A_607 = arith.muli %scan3A_424, %mul3A_606 : i32
        %add3A_608 = arith.constant 2 : i32
        %add3A_609 = arith.addi %mul3A_607, %add3A_608 : i32
        %swap3A_610 = arith.index_cast %add3A_609 : i32 to index
        %swap3A_611 = arith.constant 144 : index
        %swap3A_612 = tpu.vector_load %arg16[%swap3A_610, %swap3A_611] {strides = array<i32>} : memref<320x256xf32, #tpu.memory_space<vmem>>, vector<16xf32>,
        tpu.vector_store %arg16[%swap3A_610, %swap3A_611], %broadcast_in_dim3A_411 {strides = array<i32>} : memref<320x256xf32, #tpu.memory_space<vmem>>, vector<16xf32>,
        %mul3A_613 = arith.constant 16 : i32
        %mul3A_614 = arith.muli %scan3A_424, %mul3A_613 : i32
        %add3A_615 = arith.constant 2 : i32
        %add3A_616 = arith.addi %mul3A_614, %add3A_615 : i32
        %swap3A_617 = arith.index_cast %add3A_616 : i32 to index
        %swap3A_618 = arith.constant 160 : index
        %swap3A_619 = tpu.vector_load %arg16[%swap3A_617, %swap3A_618] {strides = array<i32>} : memref<320x256xf32, #tpu.memory_space<vmem>>, vector<16xf32>,
        tpu.vector_store %arg16[%swap3A_617, %swap3A_618], %broadcast_in_dim3A_411 {strides = array<i32>} : memref<320x256xf32, #tpu.memory_space<vmem>>, vector<16xf32>,
        %mul3A_620 = arith.constant 16 : i32
        %mul3A_621 = arith.muli %scan3A_424, %mul3A_620 : i32
        %add3A_622 = arith.constant 2 : i32
        %add3A_623 = arith.addi %mul3A_621, %add3A_622 : i32
        %swap3A_624 = arith.index_cast %add3A_623 : i32 to index
        %swap3A_625 = arith.constant 176 : index
        %swap3A_626 = tpu.vector_load %arg16[%swap3A_624, %swap3A_625] {strides = array<i32>} : memref<320x256xf32, #tpu.memory_space<vmem>>, vector<16xf32>,
        tpu.vector_store %arg16[%swap3A_624, %swap3A_625], %broadcast_in_dim3A_411 {strides = array<i32>} : memref<320x256xf32, #tpu.memory_space<vmem>>, vector<16xf32>,
        %mul3A_627 = arith.constant 16 : i32
        %mul3A_628 = arith.muli %scan3A_424, %mul3A_627 : i32
        %add3A_629 = arith.constant 2 : i32
        %add3A_630 = arith.addi %mul3A_628, %add3A_629 : i32
        %swap3A_631 = arith.index_cast %add3A_630 : i32 to index
        %swap3A_632 = arith.constant 192 : index
        %swap3A_633 = tpu.vector_load %arg16[%swap3A_631, %swap3A_632] {strides = array<i32>} : memref<320x256xf32, #tpu.memory_space<vmem>>, vector<16xf32>,
        tpu.vector_store %arg16[%swap3A_631, %swap3A_632], %broadcast_in_dim3A_411 {strides = array<i32>} : memref<320x256xf32, #tpu.memory_space<vmem>>, vector<16xf32>,
        %mul3A_634 = arith.constant 16 : i32
        %mul3A_635 = arith.muli %scan3A_424, %mul3A_634 : i32
        %add3A_636 = arith.constant 2 : i32
        %add3A_637 = arith.addi %mul3A_635, %add3A_636 : i32
        %swap3A_638 = arith.index_cast %add3A_637 : i32 to index
        %swap3A_639 = arith.constant 208 : index
        %swap3A_640 = tpu.vector_load %arg16[%swap3A_638, %swap3A_639] {strides = array<i32>} : memref<320x256xf32, #tpu.memory_space<vmem>>, vector<16xf32>,
        tpu.vector_store %arg16[%swap3A_638, %swap3A_639], %broadcast_in_dim3A_411 {strides = array<i32>} : memref<320x256xf32, #tpu.memory_space<vmem>>, vector<16xf32>,
        %mul3A_641 = arith.constant 16 : i32
        %mul3A_642 = arith.muli %scan3A_424, %mul3A_641 : i32
        %add3A_643 = arith.constant 2 : i32
        %add3A_644 = arith.addi %mul3A_642, %add3A_643 : i32
        %swap3A_645 = arith.index_cast %add3A_644 : i32 to index
        %swap3A_646 = arith.constant 224 : index
        %swap3A_647 = tpu.vector_load %arg16[%swap3A_645, %swap3A_646] {strides = array<i32>} : memref<320x256xf32, #tpu.memory_space<vmem>>, vector<16xf32>,
        tpu.vector_store %arg16[%swap3A_645, %swap3A_646], %broadcast_in_dim3A_411 {strides = array<i32>} : memref<320x256xf32, #tpu.memory_space<vmem>>, vector<16xf32>,
        %mul3A_648 = arith.constant 16 : i32
        %mul3A_649 = arith.muli %scan3A_424, %mul3A_648 : i32
        %add3A_650 = arith.constant 2 : i32
        %add3A_651 = arith.addi %mul3A_649, %add3A_650 : i32
        %swap3A_652 = arith.index_cast %add3A_651 : i32 to index
        %swap3A_653 = arith.constant 240 : index
        %swap3A_654 = tpu.vector_load %arg16[%swap3A_652, %swap3A_653] {strides = array<i32>} : memref<320x256xf32, #tpu.memory_space<vmem>>, vector<16xf32>,
        tpu.vector_store %arg16[%swap3A_652, %swap3A_653], %broadcast_in_dim3A_411 {strides = array<i32>} : memref<320x256xf32, #tpu.memory_space<vmem>>, vector<16xf32>,
      } else {
      }
      %slice3A_452 = vector.extract_strided_slice %convert_element_type3A_432 {offsets = [3], sizes = [1], strides = [1]} : vector<16xi32> to vector<1xi32>
      %squeeze3A_453 = vector.extract %slice3A_452[0] : i32 from vector<1xi32>
      %gt3A_454 = arith.constant 0 : i32
      %gt3A_455 = arith.cmpi sgt, %squeeze3A_453, %gt3A_454 : i32
      %convert_element_type3A_456 = arith.extui %gt3A_455 : i1 to i32
      %cond3A_457 = arith.constant 0 : i32
      %cond3A_458 = arith.cmpi ne, %convert_element_type3A_456, %cond3A_457 : i32
      scf.if %cond3A_458 {
        %mul3A_543 = arith.constant 16 : i32
        %mul3A_544 = arith.muli %scan3A_424, %mul3A_543 : i32
        %add3A_545 = arith.constant 3 : i32
        %add3A_546 = arith.addi %mul3A_544, %add3A_545 : i32
        %swap3A_547 = arith.index_cast %add3A_546 : i32 to index
        %swap3A_548 = arith.constant 0 : index
        %swap3A_549 = tpu.vector_load %arg16[%swap3A_547, %swap3A_548] {strides = array<i32>} : memref<320x256xf32, #tpu.memory_space<vmem>>, vector<16xf32>,
        tpu.vector_store %arg16[%swap3A_547, %swap3A_548], %broadcast_in_dim3A_411 {strides = array<i32>} : memref<320x256xf32, #tpu.memory_space<vmem>>, vector<16xf32>,
        %mul3A_550 = arith.constant 16 : i32
        %mul3A_551 = arith.muli %scan3A_424, %mul3A_550 : i32
        %add3A_552 = arith.constant 3 : i32
        %add3A_553 = arith.addi %mul3A_551, %add3A_552 : i32
        %swap3A_554 = arith.index_cast %add3A_553 : i32 to index
        %swap3A_555 = arith.constant 16 : index
        %swap3A_556 = tpu.vector_load %arg16[%swap3A_554, %swap3A_555] {strides = array<i32>} : memref<320x256xf32, #tpu.memory_space<vmem>>, vector<16xf32>,
        tpu.vector_store %arg16[%swap3A_554, %swap3A_555], %broadcast_in_dim3A_411 {strides = array<i32>} : memref<320x256xf32, #tpu.memory_space<vmem>>, vector<16xf32>,
        %mul3A_557 = arith.constant 16 : i32
        %mul3A_558 = arith.muli %scan3A_424, %mul3A_557 : i32
        %add3A_559 = arith.constant 3 : i32
        %add3A_560 = arith.addi %mul3A_558, %add3A_559 : i32
        %swap3A_561 = arith.index_cast %add3A_560 : i32 to index
        %swap3A_562 = arith.constant 32 : index
        %swap3A_563 = tpu.vector_load %arg16[%swap3A_561, %swap3A_562] {strides = array<i32>} : memref<320x256xf32, #tpu.memory_space<vmem>>, vector<16xf32>,
        tpu.vector_store %arg16[%swap3A_561, %swap3A_562], %broadcast_in_dim3A_411 {strides = array<i32>} : memref<320x256xf32, #tpu.memory_space<vmem>>, vector<16xf32>,
        %mul3A_564 = arith.constant 16 : i32
        %mul3A_565 = arith.muli %scan3A_424, %mul3A_564 : i32
        %add3A_566 = arith.constant 3 : i32
        %add3A_567 = arith.addi %mul3A_565, %add3A_566 : i32
        %swap3A_568 = arith.index_cast %add3A_567 : i32 to index
        %swap3A_569 = arith.constant 48 : index
        %swap3A_570 = tpu.vector_load %arg16[%swap3A_568, %swap3A_569] {strides = array<i32>} : memref<320x256xf32, #tpu.memory_space<vmem>>, vector<16xf32>,
        tpu.vector_store %arg16[%swap3A_568, %swap3A_569], %broadcast_in_dim3A_411 {strides = array<i32>} : memref<320x256xf32, #tpu.memory_space<vmem>>, vector<16xf32>,
        %mul3A_571 = arith.constant 16 : i32
        %mul3A_572 = arith.muli %scan3A_424, %mul3A_571 : i32
        %add3A_573 = arith.constant 3 : i32
        %add3A_574 = arith.addi %mul3A_572, %add3A_573 : i32
        %swap3A_575 = arith.index_cast %add3A_574 : i32 to index
        %swap3A_576 = arith.constant 64 : index
        %swap3A_577 = tpu.vector_load %arg16[%swap3A_575, %swap3A_576] {strides = array<i32>} : memref<320x256xf32, #tpu.memory_space<vmem>>, vector<16xf32>,
        tpu.vector_store %arg16[%swap3A_575, %swap3A_576], %broadcast_in_dim3A_411 {strides = array<i32>} : memref<320x256xf32, #tpu.memory_space<vmem>>, vector<16xf32>,
        %mul3A_578 = arith.constant 16 : i32
        %mul3A_579 = arith.muli %scan3A_424, %mul3A_578 : i32
        %add3A_580 = arith.constant 3 : i32
        %add3A_581 = arith.addi %mul3A_579, %add3A_580 : i32
        %swap3A_582 = arith.index_cast %add3A_581 : i32 to index
        %swap3A_583 = arith.constant 80 : index
        %swap3A_584 = tpu.vector_load %arg16[%swap3A_582, %swap3A_583] {strides = array<i32>} : memref<320x256xf32, #tpu.memory_space<vmem>>, vector<16xf32>,
        tpu.vector_store %arg16[%swap3A_582, %swap3A_583], %broadcast_in_dim3A_411 {strides = array<i32>} : memref<320x256xf32, #tpu.memory_space<vmem>>, vector<16xf32>,
        %mul3A_585 = arith.constant 16 : i32
        %mul3A_586 = arith.muli %scan3A_424, %mul3A_585 : i32
        %add3A_587 = arith.constant 3 : i32
        %add3A_588 = arith.addi %mul3A_586, %add3A_587 : i32
        %swap3A_589 = arith.index_cast %add3A_588 : i32 to index
        %swap3A_590 = arith.constant 96 : index
        %swap3A_591 = tpu.vector_load %arg16[%swap3A_589, %swap3A_590] {strides = array<i32>} : memref<320x256xf32, #tpu.memory_space<vmem>>, vector<16xf32>,
        tpu.vector_store %arg16[%swap3A_589, %swap3A_590], %broadcast_in_dim3A_411 {strides = array<i32>} : memref<320x256xf32, #tpu.memory_space<vmem>>, vector<16xf32>,
        %mul3A_592 = arith.constant 16 : i32
        %mul3A_593 = arith.muli %scan3A_424, %mul3A_592 : i32
        %add3A_594 = arith.constant 3 : i32
        %add3A_595 = arith.addi %mul3A_593, %add3A_594 : i32
        %swap3A_596 = arith.index_cast %add3A_595 : i32 to index
        %swap3A_597 = arith.constant 112 : index
        %swap3A_598 = tpu.vector_load %arg16[%swap3A_596, %swap3A_597] {strides = array<i32>} : memref<320x256xf32, #tpu.memory_space<vmem>>, vector<16xf32>,
        tpu.vector_store %arg16[%swap3A_596, %swap3A_597], %broadcast_in_dim3A_411 {strides = array<i32>} : memref<320x256xf32, #tpu.memory_space<vmem>>, vector<16xf32>,
        %mul3A_599 = arith.constant 16 : i32
        %mul3A_600 = arith.muli %scan3A_424, %mul3A_599 : i32
        %add3A_601 = arith.constant 3 : i32
        %add3A_602 = arith.addi %mul3A_600, %add3A_601 : i32
        %swap3A_603 = arith.index_cast %add3A_602 : i32 to index
        %swap3A_604 = arith.constant 128 : index
        %swap3A_605 = tpu.vector_load %arg16[%swap3A_603, %swap3A_604] {strides = array<i32>} : memref<320x256xf32, #tpu.memory_space<vmem>>, vector<16xf32>,
        tpu.vector_store %arg16[%swap3A_603, %swap3A_604], %broadcast_in_dim3A_411 {strides = array<i32>} : memref<320x256xf32, #tpu.memory_space<vmem>>, vector<16xf32>,
        %mul3A_606 = arith.constant 16 : i32
        %mul3A_607 = arith.muli %scan3A_424, %mul3A_606 : i32
        %add3A_608 = arith.constant 3 : i32
        %add3A_609 = arith.addi %mul3A_607, %add3A_608 : i32
        %swap3A_610 = arith.index_cast %add3A_609 : i32 to index
        %swap3A_611 = arith.constant 144 : index
        %swap3A_612 = tpu.vector_load %arg16[%swap3A_610, %swap3A_611] {strides = array<i32>} : memref<320x256xf32, #tpu.memory_space<vmem>>, vector<16xf32>,
        tpu.vector_store %arg16[%swap3A_610, %swap3A_611], %broadcast_in_dim3A_411 {strides = array<i32>} : memref<320x256xf32, #tpu.memory_space<vmem>>, vector<16xf32>,
        %mul3A_613 = arith.constant 16 : i32
        %mul3A_614 = arith.muli %scan3A_424, %mul3A_613 : i32
        %add3A_615 = arith.constant 3 : i32
        %add3A_616 = arith.addi %mul3A_614, %add3A_615 : i32
        %swap3A_617 = arith.index_cast %add3A_616 : i32 to index
        %swap3A_618 = arith.constant 160 : index
        %swap3A_619 = tpu.vector_load %arg16[%swap3A_617, %swap3A_618] {strides = array<i32>} : memref<320x256xf32, #tpu.memory_space<vmem>>, vector<16xf32>,
        tpu.vector_store %arg16[%swap3A_617, %swap3A_618], %broadcast_in_dim3A_411 {strides = array<i32>} : memref<320x256xf32, #tpu.memory_space<vmem>>, vector<16xf32>,
        %mul3A_620 = arith.constant 16 : i32
        %mul3A_621 = arith.muli %scan3A_424, %mul3A_620 : i32
        %add3A_622 = arith.constant 3 : i32
        %add3A_623 = arith.addi %mul3A_621, %add3A_622 : i32
        %swap3A_624 = arith.index_cast %add3A_623 : i32 to index
        %swap3A_625 = arith.constant 176 : index
        %swap3A_626 = tpu.vector_load %arg16[%swap3A_624, %swap3A_625] {strides = array<i32>} : memref<320x256xf32, #tpu.memory_space<vmem>>, vector<16xf32>,
        tpu.vector_store %arg16[%swap3A_624, %swap3A_625], %broadcast_in_dim3A_411 {strides = array<i32>} : memref<320x256xf32, #tpu.memory_space<vmem>>, vector<16xf32>,
        %mul3A_627 = arith.constant 16 : i32
        %mul3A_628 = arith.muli %scan3A_424, %mul3A_627 : i32
        %add3A_629 = arith.constant 3 : i32
        %add3A_630 = arith.addi %mul3A_628, %add3A_629 : i32
        %swap3A_631 = arith.index_cast %add3A_630 : i32 to index
        %swap3A_632 = arith.constant 192 : index
        %swap3A_633 = tpu.vector_load %arg16[%swap3A_631, %swap3A_632] {strides = array<i32>} : memref<320x256xf32, #tpu.memory_space<vmem>>, vector<16xf32>,
        tpu.vector_store %arg16[%swap3A_631, %swap3A_632], %broadcast_in_dim3A_411 {strides = array<i32>} : memref<320x256xf32, #tpu.memory_space<vmem>>, vector<16xf32>,
        %mul3A_634 = arith.constant 16 : i32
        %mul3A_635 = arith.muli %scan3A_424, %mul3A_634 : i32
        %add3A_636 = arith.constant 3 : i32
        %add3A_637 = arith.addi %mul3A_635, %add3A_636 : i32
        %swap3A_638 = arith.index_cast %add3A_637 : i32 to index
        %swap3A_639 = arith.constant 208 : index
        %swap3A_640 = tpu.vector_load %arg16[%swap3A_638, %swap3A_639] {strides = array<i32>} : memref<320x256xf32, #tpu.memory_space<vmem>>, vector<16xf32>,
        tpu.vector_store %arg16[%swap3A_638, %swap3A_639], %broadcast_in_dim3A_411 {strides = array<i32>} : memref<320x256xf32, #tpu.memory_space<vmem>>, vector<16xf32>,
        %mul3A_641 = arith.constant 16 : i32
        %mul3A_642 = arith.muli %scan3A_424, %mul3A_641 : i32
        %add3A_643 = arith.constant 3 : i32
        %add3A_644 = arith.addi %mul3A_642, %add3A_643 : i32
        %swap3A_645 = arith.index_cast %add3A_644 : i32 to index
        %swap3A_646 = arith.constant 224 : index
        %swap3A_647 = tpu.vector_load %arg16[%swap3A_645, %swap3A_646] {strides = array<i32>} : memref<320x256xf32, #tpu.memory_space<vmem>>, vector<16xf32>,
        tpu.vector_store %arg16[%swap3A_645, %swap3A_646], %broadcast_in_dim3A_411 {strides = array<i32>} : memref<320x256xf32, #tpu.memory_space<vmem>>, vector<16xf32>,
        %mul3A_648 = arith.constant 16 : i32
        %mul3A_649 = arith.muli %scan3A_424, %mul3A_648 : i32
        %add3A_650 = arith.constant 3 : i32
        %add3A_651 = arith.addi %mul3A_649, %add3A_650 : i32
        %swap3A_652 = arith.index_cast %add3A_651 : i32 to index
        %swap3A_653 = arith.constant 240 : index
        %swap3A_654 = tpu.vector_load %arg16[%swap3A_652, %swap3A_653] {strides = array<i32>} : memref<320x256xf32, #tpu.memory_space<vmem>>, vector<16xf32>,
        tpu.vector_store %arg16[%swap3A_652, %swap3A_653], %broadcast_in_dim3A_411 {strides = array<i32>} : memref<320x256xf32, #tpu.memory_space<vmem>>, vector<16xf32>,
      } else {
      }
      %slice3A_459 = vector.extract_strided_slice %convert_element_type3A_432 {offsets = [4], sizes = [1], strides = [1]} : vector<16xi32> to vector<1xi32>
      %squeeze3A_460 = vector.extract %slice3A_459[0] : i32 from vector<1xi32>
      %gt3A_461 = arith.constant 0 : i32
      %gt3A_462 = arith.cmpi sgt, %squeeze3A_460, %gt3A_461 : i32
      %convert_element_type3A_463 = arith.extui %gt3A_462 : i1 to i32
      %cond3A_464 = arith.constant 0 : i32
      %cond3A_465 = arith.cmpi ne, %convert_element_type3A_463, %cond3A_464 : i32
      scf.if %cond3A_465 {
        %mul3A_543 = arith.constant 16 : i32
        %mul3A_544 = arith.muli %scan3A_424, %mul3A_543 : i32
        %add3A_545 = arith.constant 4 : i32
        %add3A_546 = arith.addi %mul3A_544, %add3A_545 : i32
        %swap3A_547 = arith.index_cast %add3A_546 : i32 to index
        %swap3A_548 = arith.constant 0 : index
        %swap3A_549 = tpu.vector_load %arg16[%swap3A_547, %swap3A_548] {strides = array<i32>} : memref<320x256xf32, #tpu.memory_space<vmem>>, vector<16xf32>,
        tpu.vector_store %arg16[%swap3A_547, %swap3A_548], %broadcast_in_dim3A_411 {strides = array<i32>} : memref<320x256xf32, #tpu.memory_space<vmem>>, vector<16xf32>,
        %mul3A_550 = arith.constant 16 : i32
        %mul3A_551 = arith.muli %scan3A_424, %mul3A_550 : i32
        %add3A_552 = arith.constant 4 : i32
        %add3A_553 = arith.addi %mul3A_551, %add3A_552 : i32
        %swap3A_554 = arith.index_cast %add3A_553 : i32 to index
        %swap3A_555 = arith.constant 16 : index
        %swap3A_556 = tpu.vector_load %arg16[%swap3A_554, %swap3A_555] {strides = array<i32>} : memref<320x256xf32, #tpu.memory_space<vmem>>, vector<16xf32>,
        tpu.vector_store %arg16[%swap3A_554, %swap3A_555], %broadcast_in_dim3A_411 {strides = array<i32>} : memref<320x256xf32, #tpu.memory_space<vmem>>, vector<16xf32>,
        %mul3A_557 = arith.constant 16 : i32
        %mul3A_558 = arith.muli %scan3A_424, %mul3A_557 : i32
        %add3A_559 = arith.constant 4 : i32
        %add3A_560 = arith.addi %mul3A_558, %add3A_559 : i32
        %swap3A_561 = arith.index_cast %add3A_560 : i32 to index
        %swap3A_562 = arith.constant 32 : index
        %swap3A_563 = tpu.vector_load %arg16[%swap3A_561, %swap3A_562] {strides = array<i32>} : memref<320x256xf32, #tpu.memory_space<vmem>>, vector<16xf32>,
        tpu.vector_store %arg16[%swap3A_561, %swap3A_562], %broadcast_in_dim3A_411 {strides = array<i32>} : memref<320x256xf32, #tpu.memory_space<vmem>>, vector<16xf32>,
        %mul3A_564 = arith.constant 16 : i32
        %mul3A_565 = arith.muli %scan3A_424, %mul3A_564 : i32
        %add3A_566 = arith.constant 4 : i32
        %add3A_567 = arith.addi %mul3A_565, %add3A_566 : i32
        %swap3A_568 = arith.index_cast %add3A_567 : i32 to index
        %swap3A_569 = arith.constant 48 : index
        %swap3A_570 = tpu.vector_load %arg16[%swap3A_568, %swap3A_569] {strides = array<i32>} : memref<320x256xf32, #tpu.memory_space<vmem>>, vector<16xf32>,
        tpu.vector_store %arg16[%swap3A_568, %swap3A_569], %broadcast_in_dim3A_411 {strides = array<i32>} : memref<320x256xf32, #tpu.memory_space<vmem>>, vector<16xf32>,
        %mul3A_571 = arith.constant 16 : i32
        %mul3A_572 = arith.muli %scan3A_424, %mul3A_571 : i32
        %add3A_573 = arith.constant 4 : i32
        %add3A_574 = arith.addi %mul3A_572, %add3A_573 : i32
        %swap3A_575 = arith.index_cast %add3A_574 : i32 to index
        %swap3A_576 = arith.constant 64 : index
        %swap3A_577 = tpu.vector_load %arg16[%swap3A_575, %swap3A_576] {strides = array<i32>} : memref<320x256xf32, #tpu.memory_space<vmem>>, vector<16xf32>,
        tpu.vector_store %arg16[%swap3A_575, %swap3A_576], %broadcast_in_dim3A_411 {strides = array<i32>} : memref<320x256xf32, #tpu.memory_space<vmem>>, vector<16xf32>,
        %mul3A_578 = arith.constant 16 : i32
        %mul3A_579 = arith.muli %scan3A_424, %mul3A_578 : i32
        %add3A_580 = arith.constant 4 : i32
        %add3A_581 = arith.addi %mul3A_579, %add3A_580 : i32
        %swap3A_582 = arith.index_cast %add3A_581 : i32 to index
        %swap3A_583 = arith.constant 80 : index
        %swap3A_584 = tpu.vector_load %arg16[%swap3A_582, %swap3A_583] {strides = array<i32>} : memref<320x256xf32, #tpu.memory_space<vmem>>, vector<16xf32>,
        tpu.vector_store %arg16[%swap3A_582, %swap3A_583], %broadcast_in_dim3A_411 {strides = array<i32>} : memref<320x256xf32, #tpu.memory_space<vmem>>, vector<16xf32>,
        %mul3A_585 = arith.constant 16 : i32
        %mul3A_586 = arith.muli %scan3A_424, %mul3A_585 : i32
        %add3A_587 = arith.constant 4 : i32
        %add3A_588 = arith.addi %mul3A_586, %add3A_587 : i32
        %swap3A_589 = arith.index_cast %add3A_588 : i32 to index
        %swap3A_590 = arith.constant 96 : index
        %swap3A_591 = tpu.vector_load %arg16[%swap3A_589, %swap3A_590] {strides = array<i32>} : memref<320x256xf32, #tpu.memory_space<vmem>>, vector<16xf32>,
        tpu.vector_store %arg16[%swap3A_589, %swap3A_590], %broadcast_in_dim3A_411 {strides = array<i32>} : memref<320x256xf32, #tpu.memory_space<vmem>>, vector<16xf32>,
        %mul3A_592 = arith.constant 16 : i32
        %mul3A_593 = arith.muli %scan3A_424, %mul3A_592 : i32
        %add3A_594 = arith.constant 4 : i32
        %add3A_595 = arith.addi %mul3A_593, %add3A_594 : i32
        %swap3A_596 = arith.index_cast %add3A_595 : i32 to index
        %swap3A_597 = arith.constant 112 : index
        %swap3A_598 = tpu.vector_load %arg16[%swap3A_596, %swap3A_597] {strides = array<i32>} : memref<320x256xf32, #tpu.memory_space<vmem>>, vector<16xf32>,
        tpu.vector_store %arg16[%swap3A_596, %swap3A_597], %broadcast_in_dim3A_411 {strides = array<i32>} : memref<320x256xf32, #tpu.memory_space<vmem>>, vector<16xf32>,
        %mul3A_599 = arith.constant 16 : i32
        %mul3A_600 = arith.muli %scan3A_424, %mul3A_599 : i32
        %add3A_601 = arith.constant 4 : i32
        %add3A_602 = arith.addi %mul3A_600, %add3A_601 : i32
        %swap3A_603 = arith.index_cast %add3A_602 : i32 to index
        %swap3A_604 = arith.constant 128 : index
        %swap3A_605 = tpu.vector_load %arg16[%swap3A_603, %swap3A_604] {strides = array<i32>} : memref<320x256xf32, #tpu.memory_space<vmem>>, vector<16xf32>,
        tpu.vector_store %arg16[%swap3A_603, %swap3A_604], %broadcast_in_dim3A_411 {strides = array<i32>} : memref<320x256xf32, #tpu.memory_space<vmem>>, vector<16xf32>,
        %mul3A_606 = arith.constant 16 : i32
        %mul3A_607 = arith.muli %scan3A_424, %mul3A_606 : i32
        %add3A_608 = arith.constant 4 : i32
        %add3A_609 = arith.addi %mul3A_607, %add3A_608 : i32
        %swap3A_610 = arith.index_cast %add3A_609 : i32 to index
        %swap3A_611 = arith.constant 144 : index
        %swap3A_612 = tpu.vector_load %arg16[%swap3A_610, %swap3A_611] {strides = array<i32>} : memref<320x256xf32, #tpu.memory_space<vmem>>, vector<16xf32>,
        tpu.vector_store %arg16[%swap3A_610, %swap3A_611], %broadcast_in_dim3A_411 {strides = array<i32>} : memref<320x256xf32, #tpu.memory_space<vmem>>, vector<16xf32>,
        %mul3A_613 = arith.constant 16 : i32
        %mul3A_614 = arith.muli %scan3A_424, %mul3A_613 : i32
        %add3A_615 = arith.constant 4 : i32
        %add3A_616 = arith.addi %mul3A_614, %add3A_615 : i32
        %swap3A_617 = arith.index_cast %add3A_616 : i32 to index
        %swap3A_618 = arith.constant 160 : index
        %swap3A_619 = tpu.vector_load %arg16[%swap3A_617, %swap3A_618] {strides = array<i32>} : memref<320x256xf32, #tpu.memory_space<vmem>>, vector<16xf32>,
        tpu.vector_store %arg16[%swap3A_617, %swap3A_618], %broadcast_in_dim3A_411 {strides = array<i32>} : memref<320x256xf32, #tpu.memory_space<vmem>>, vector<16xf32>,
        %mul3A_620 = arith.constant 16 : i32
        %mul3A_621 = arith.muli %scan3A_424, %mul3A_620 : i32
        %add3A_622 = arith.constant 4 : i32
        %add3A_623 = arith.addi %mul3A_621, %add3A_622 : i32
        %swap3A_624 = arith.index_cast %add3A_623 : i32 to index
        %swap3A_625 = arith.constant 176 : index
        %swap3A_626 = tpu.vector_load %arg16[%swap3A_624, %swap3A_625] {strides = array<i32>} : memref<320x256xf32, #tpu.memory_space<vmem>>, vector<16xf32>,
        tpu.vector_store %arg16[%swap3A_624, %swap3A_625], %broadcast_in_dim3A_411 {strides = array<i32>} : memref<320x256xf32, #tpu.memory_space<vmem>>, vector<16xf32>,
        %mul3A_627 = arith.constant 16 : i32
        %mul3A_628 = arith.muli %scan3A_424, %mul3A_627 : i32
        %add3A_629 = arith.constant 4 : i32
        %add3A_630 = arith.addi %mul3A_628, %add3A_629 : i32
        %swap3A_631 = arith.index_cast %add3A_630 : i32 to index
        %swap3A_632 = arith.constant 192 : index
        %swap3A_633 = tpu.vector_load %arg16[%swap3A_631, %swap3A_632] {strides = array<i32>} : memref<320x256xf32, #tpu.memory_space<vmem>>, vector<16xf32>,
        tpu.vector_store %arg16[%swap3A_631, %swap3A_632], %broadcast_in_dim3A_411 {strides = array<i32>} : memref<320x256xf32, #tpu.memory_space<vmem>>, vector<16xf32>,
        %mul3A_634 = arith.constant 16 : i32
        %mul3A_635 = arith.muli %scan3A_424, %mul3A_634 : i32
        %add3A_636 = arith.constant 4 : i32
        %add3A_637 = arith.addi %mul3A_635, %add3A_636 : i32
        %swap3A_638 = arith.index_cast %add3A_637 : i32 to index
        %swap3A_639 = arith.constant 208 : index
        %swap3A_640 = tpu.vector_load %arg16[%swap3A_638, %swap3A_639] {strides = array<i32>} : memref<320x256xf32, #tpu.memory_space<vmem>>, vector<16xf32>,
        tpu.vector_store %arg16[%swap3A_638, %swap3A_639], %broadcast_in_dim3A_411 {strides = array<i32>} : memref<320x256xf32, #tpu.memory_space<vmem>>, vector<16xf32>,
        %mul3A_641 = arith.constant 16 : i32
        %mul3A_642 = arith.muli %scan3A_424, %mul3A_641 : i32
        %add3A_643 = arith.constant 4 : i32
        %add3A_644 = arith.addi %mul3A_642, %add3A_643 : i32
        %swap3A_645 = arith.index_cast %add3A_644 : i32 to index
        %swap3A_646 = arith.constant 224 : index
        %swap3A_647 = tpu.vector_load %arg16[%swap3A_645, %swap3A_646] {strides = array<i32>} : memref<320x256xf32, #tpu.memory_space<vmem>>, vector<16xf32>,
        tpu.vector_store %arg16[%swap3A_645, %swap3A_646], %broadcast_in_dim3A_411 {strides = array<i32>} : memref<320x256xf32, #tpu.memory_space<vmem>>, vector<16xf32>,
        %mul3A_648 = arith.constant 16 : i32
        %mul3A_649 = arith.muli %scan3A_424, %mul3A_648 : i32
        %add3A_650 = arith.constant 4 : i32
        %add3A_651 = arith.addi %mul3A_649, %add3A_650 : i32
        %swap3A_652 = arith.index_cast %add3A_651 : i32 to index
        %swap3A_653 = arith.constant 240 : index
        %swap3A_654 = tpu.vector_load %arg16[%swap3A_652, %swap3A_653] {strides = array<i32>} : memref<320x256xf32, #tpu.memory_space<vmem>>, vector<16xf32>,
        tpu.vector_store %arg16[%swap3A_652, %swap3A_653], %broadcast_in_dim3A_411 {strides = array<i32>} : memref<320x256xf32, #tpu.memory_space<vmem>>, vector<16xf32>,
      } else {
      }
      %slice3A_466 = vector.extract_strided_slice %convert_element_type3A_432 {offsets = [5], sizes = [1], strides = [1]} : vector<16xi32> to vector<1xi32>
      %squeeze3A_467 = vector.extract %slice3A_466[0] : i32 from vector<1xi32>
      %gt3A_468 = arith.constant 0 : i32
      %gt3A_469 = arith.cmpi sgt, %squeeze3A_467, %gt3A_468 : i32
      %convert_element_type3A_470 = arith.extui %gt3A_469 : i1 to i32
      %cond3A_471 = arith.constant 0 : i32
      %cond3A_472 = arith.cmpi ne, %convert_element_type3A_470, %cond3A_471 : i32
      scf.if %cond3A_472 {
        %mul3A_543 = arith.constant 16 : i32
        %mul3A_544 = arith.muli %scan3A_424, %mul3A_543 : i32
        %add3A_545 = arith.constant 5 : i32
        %add3A_546 = arith.addi %mul3A_544, %add3A_545 : i32
        %swap3A_547 = arith.index_cast %add3A_546 : i32 to index
        %swap3A_548 = arith.constant 0 : index
        %swap3A_549 = tpu.vector_load %arg16[%swap3A_547, %swap3A_548] {strides = array<i32>} : memref<320x256xf32, #tpu.memory_space<vmem>>, vector<16xf32>,
        tpu.vector_store %arg16[%swap3A_547, %swap3A_548], %broadcast_in_dim3A_411 {strides = array<i32>} : memref<320x256xf32, #tpu.memory_space<vmem>>, vector<16xf32>,
        %mul3A_550 = arith.constant 16 : i32
        %mul3A_551 = arith.muli %scan3A_424, %mul3A_550 : i32
        %add3A_552 = arith.constant 5 : i32
        %add3A_553 = arith.addi %mul3A_551, %add3A_552 : i32
        %swap3A_554 = arith.index_cast %add3A_553 : i32 to index
        %swap3A_555 = arith.constant 16 : index
        %swap3A_556 = tpu.vector_load %arg16[%swap3A_554, %swap3A_555] {strides = array<i32>} : memref<320x256xf32, #tpu.memory_space<vmem>>, vector<16xf32>,
        tpu.vector_store %arg16[%swap3A_554, %swap3A_555], %broadcast_in_dim3A_411 {strides = array<i32>} : memref<320x256xf32, #tpu.memory_space<vmem>>, vector<16xf32>,
        %mul3A_557 = arith.constant 16 : i32
        %mul3A_558 = arith.muli %scan3A_424, %mul3A_557 : i32
        %add3A_559 = arith.constant 5 : i32
        %add3A_560 = arith.addi %mul3A_558, %add3A_559 : i32
        %swap3A_561 = arith.index_cast %add3A_560 : i32 to index
        %swap3A_562 = arith.constant 32 : index
        %swap3A_563 = tpu.vector_load %arg16[%swap3A_561, %swap3A_562] {strides = array<i32>} : memref<320x256xf32, #tpu.memory_space<vmem>>, vector<16xf32>,
        tpu.vector_store %arg16[%swap3A_561, %swap3A_562], %broadcast_in_dim3A_411 {strides = array<i32>} : memref<320x256xf32, #tpu.memory_space<vmem>>, vector<16xf32>,
        %mul3A_564 = arith.constant 16 : i32
        %mul3A_565 = arith.muli %scan3A_424, %mul3A_564 : i32
        %add3A_566 = arith.constant 5 : i32
        %add3A_567 = arith.addi %mul3A_565, %add3A_566 : i32
        %swap3A_568 = arith.index_cast %add3A_567 : i32 to index
        %swap3A_569 = arith.constant 48 : index
        %swap3A_570 = tpu.vector_load %arg16[%swap3A_568, %swap3A_569] {strides = array<i32>} : memref<320x256xf32, #tpu.memory_space<vmem>>, vector<16xf32>,
        tpu.vector_store %arg16[%swap3A_568, %swap3A_569], %broadcast_in_dim3A_411 {strides = array<i32>} : memref<320x256xf32, #tpu.memory_space<vmem>>, vector<16xf32>,
        %mul3A_571 = arith.constant 16 : i32
        %mul3A_572 = arith.muli %scan3A_424, %mul3A_571 : i32
        %add3A_573 = arith.constant 5 : i32
        %add3A_574 = arith.addi %mul3A_572, %add3A_573 : i32
        %swap3A_575 = arith.index_cast %add3A_574 : i32 to index
        %swap3A_576 = arith.constant 64 : index
        %swap3A_577 = tpu.vector_load %arg16[%swap3A_575, %swap3A_576] {strides = array<i32>} : memref<320x256xf32, #tpu.memory_space<vmem>>, vector<16xf32>,
        tpu.vector_store %arg16[%swap3A_575, %swap3A_576], %broadcast_in_dim3A_411 {strides = array<i32>} : memref<320x256xf32, #tpu.memory_space<vmem>>, vector<16xf32>,
        %mul3A_578 = arith.constant 16 : i32
        %mul3A_579 = arith.muli %scan3A_424, %mul3A_578 : i32
        %add3A_580 = arith.constant 5 : i32
        %add3A_581 = arith.addi %mul3A_579, %add3A_580 : i32
        %swap3A_582 = arith.index_cast %add3A_581 : i32 to index
        %swap3A_583 = arith.constant 80 : index
        %swap3A_584 = tpu.vector_load %arg16[%swap3A_582, %swap3A_583] {strides = array<i32>} : memref<320x256xf32, #tpu.memory_space<vmem>>, vector<16xf32>,
        tpu.vector_store %arg16[%swap3A_582, %swap3A_583], %broadcast_in_dim3A_411 {strides = array<i32>} : memref<320x256xf32, #tpu.memory_space<vmem>>, vector<16xf32>,
        %mul3A_585 = arith.constant 16 : i32
        %mul3A_586 = arith.muli %scan3A_424, %mul3A_585 : i32
        %add3A_587 = arith.constant 5 : i32
        %add3A_588 = arith.addi %mul3A_586, %add3A_587 : i32
        %swap3A_589 = arith.index_cast %add3A_588 : i32 to index
        %swap3A_590 = arith.constant 96 : index
        %swap3A_591 = tpu.vector_load %arg16[%swap3A_589, %swap3A_590] {strides = array<i32>} : memref<320x256xf32, #tpu.memory_space<vmem>>, vector<16xf32>,
        tpu.vector_store %arg16[%swap3A_589, %swap3A_590], %broadcast_in_dim3A_411 {strides = array<i32>} : memref<320x256xf32, #tpu.memory_space<vmem>>, vector<16xf32>,
        %mul3A_592 = arith.constant 16 : i32
        %mul3A_593 = arith.muli %scan3A_424, %mul3A_592 : i32
        %add3A_594 = arith.constant 5 : i32
        %add3A_595 = arith.addi %mul3A_593, %add3A_594 : i32
        %swap3A_596 = arith.index_cast %add3A_595 : i32 to index
        %swap3A_597 = arith.constant 112 : index
        %swap3A_598 = tpu.vector_load %arg16[%swap3A_596, %swap3A_597] {strides = array<i32>} : memref<320x256xf32, #tpu.memory_space<vmem>>, vector<16xf32>,
        tpu.vector_store %arg16[%swap3A_596, %swap3A_597], %broadcast_in_dim3A_411 {strides = array<i32>} : memref<320x256xf32, #tpu.memory_space<vmem>>, vector<16xf32>,
        %mul3A_599 = arith.constant 16 : i32
        %mul3A_600 = arith.muli %scan3A_424, %mul3A_599 : i32
        %add3A_601 = arith.constant 5 : i32
        %add3A_602 = arith.addi %mul3A_600, %add3A_601 : i32
        %swap3A_603 = arith.index_cast %add3A_602 : i32 to index
        %swap3A_604 = arith.constant 128 : index
        %swap3A_605 = tpu.vector_load %arg16[%swap3A_603, %swap3A_604] {strides = array<i32>} : memref<320x256xf32, #tpu.memory_space<vmem>>, vector<16xf32>,
        tpu.vector_store %arg16[%swap3A_603, %swap3A_604], %broadcast_in_dim3A_411 {strides = array<i32>} : memref<320x256xf32, #tpu.memory_space<vmem>>, vector<16xf32>,
        %mul3A_606 = arith.constant 16 : i32
        %mul3A_607 = arith.muli %scan3A_424, %mul3A_606 : i32
        %add3A_608 = arith.constant 5 : i32
        %add3A_609 = arith.addi %mul3A_607, %add3A_608 : i32
        %swap3A_610 = arith.index_cast %add3A_609 : i32 to index
        %swap3A_611 = arith.constant 144 : index
        %swap3A_612 = tpu.vector_load %arg16[%swap3A_610, %swap3A_611] {strides = array<i32>} : memref<320x256xf32, #tpu.memory_space<vmem>>, vector<16xf32>,
        tpu.vector_store %arg16[%swap3A_610, %swap3A_611], %broadcast_in_dim3A_411 {strides = array<i32>} : memref<320x256xf32, #tpu.memory_space<vmem>>, vector<16xf32>,
        %mul3A_613 = arith.constant 16 : i32
        %mul3A_614 = arith.muli %scan3A_424, %mul3A_613 : i32
        %add3A_615 = arith.constant 5 : i32
        %add3A_616 = arith.addi %mul3A_614, %add3A_615 : i32
        %swap3A_617 = arith.index_cast %add3A_616 : i32 to index
        %swap3A_618 = arith.constant 160 : index
        %swap3A_619 = tpu.vector_load %arg16[%swap3A_617, %swap3A_618] {strides = array<i32>} : memref<320x256xf32, #tpu.memory_space<vmem>>, vector<16xf32>,
        tpu.vector_store %arg16[%swap3A_617, %swap3A_618], %broadcast_in_dim3A_411 {strides = array<i32>} : memref<320x256xf32, #tpu.memory_space<vmem>>, vector<16xf32>,
        %mul3A_620 = arith.constant 16 : i32
        %mul3A_621 = arith.muli %scan3A_424, %mul3A_620 : i32
        %add3A_622 = arith.constant 5 : i32
        %add3A_623 = arith.addi %mul3A_621, %add3A_622 : i32
        %swap3A_624 = arith.index_cast %add3A_623 : i32 to index
        %swap3A_625 = arith.constant 176 : index
        %swap3A_626 = tpu.vector_load %arg16[%swap3A_624, %swap3A_625] {strides = array<i32>} : memref<320x256xf32, #tpu.memory_space<vmem>>, vector<16xf32>,
        tpu.vector_store %arg16[%swap3A_624, %swap3A_625], %broadcast_in_dim3A_411 {strides = array<i32>} : memref<320x256xf32, #tpu.memory_space<vmem>>, vector<16xf32>,
        %mul3A_627 = arith.constant 16 : i32
        %mul3A_628 = arith.muli %scan3A_424, %mul3A_627 : i32
        %add3A_629 = arith.constant 5 : i32
        %add3A_630 = arith.addi %mul3A_628, %add3A_629 : i32
        %swap3A_631 = arith.index_cast %add3A_630 : i32 to index
        %swap3A_632 = arith.constant 192 : index
        %swap3A_633 = tpu.vector_load %arg16[%swap3A_631, %swap3A_632] {strides = array<i32>} : memref<320x256xf32, #tpu.memory_space<vmem>>, vector<16xf32>,
        tpu.vector_store %arg16[%swap3A_631, %swap3A_632], %broadcast_in_dim3A_411 {strides = array<i32>} : memref<320x256xf32, #tpu.memory_space<vmem>>, vector<16xf32>,
        %mul3A_634 = arith.constant 16 : i32
        %mul3A_635 = arith.muli %scan3A_424, %mul3A_634 : i32
        %add3A_636 = arith.constant 5 : i32
        %add3A_637 = arith.addi %mul3A_635, %add3A_636 : i32
        %swap3A_638 = arith.index_cast %add3A_637 : i32 to index
        %swap3A_639 = arith.constant 208 : index
        %swap3A_640 = tpu.vector_load %arg16[%swap3A_638, %swap3A_639] {strides = array<i32>} : memref<320x256xf32, #tpu.memory_space<vmem>>, vector<16xf32>,
        tpu.vector_store %arg16[%swap3A_638, %swap3A_639], %broadcast_in_dim3A_411 {strides = array<i32>} : memref<320x256xf32, #tpu.memory_space<vmem>>, vector<16xf32>,
        %mul3A_641 = arith.constant 16 : i32
        %mul3A_642 = arith.muli %scan3A_424, %mul3A_641 : i32
        %add3A_643 = arith.constant 5 : i32
        %add3A_644 = arith.addi %mul3A_642, %add3A_643 : i32
        %swap3A_645 = arith.index_cast %add3A_644 : i32 to index
        %swap3A_646 = arith.constant 224 : index
        %swap3A_647 = tpu.vector_load %arg16[%swap3A_645, %swap3A_646] {strides = array<i32>} : memref<320x256xf32, #tpu.memory_space<vmem>>, vector<16xf32>,
        tpu.vector_store %arg16[%swap3A_645, %swap3A_646], %broadcast_in_dim3A_411 {strides = array<i32>} : memref<320x256xf32, #tpu.memory_space<vmem>>, vector<16xf32>,
        %mul3A_648 = arith.constant 16 : i32
        %mul3A_649 = arith.muli %scan3A_424, %mul3A_648 : i32
        %add3A_650 = arith.constant 5 : i32
        %add3A_651 = arith.addi %mul3A_649, %add3A_650 : i32
        %swap3A_652 = arith.index_cast %add3A_651 : i32 to index
        %swap3A_653 = arith.constant 240 : index
        %swap3A_654 = tpu.vector_load %arg16[%swap3A_652, %swap3A_653] {strides = array<i32>} : memref<320x256xf32, #tpu.memory_space<vmem>>, vector<16xf32>,
        tpu.vector_store %arg16[%swap3A_652, %swap3A_653], %broadcast_in_dim3A_411 {strides = array<i32>} : memref<320x256xf32, #tpu.memory_space<vmem>>, vector<16xf32>,
      } else {
      }
      %slice3A_473 = vector.extract_strided_slice %convert_element_type3A_432 {offsets = [6], sizes = [1], strides = [1]} : vector<16xi32> to vector<1xi32>
      %squeeze3A_474 = vector.extract %slice3A_473[0] : i32 from vector<1xi32>
      %gt3A_475 = arith.constant 0 : i32
      %gt3A_476 = arith.cmpi sgt, %squeeze3A_474, %gt3A_475 : i32
      %convert_element_type3A_477 = arith.extui %gt3A_476 : i1 to i32
      %cond3A_478 = arith.constant 0 : i32
      %cond3A_479 = arith.cmpi ne, %convert_element_type3A_477, %cond3A_478 : i32
      scf.if %cond3A_479 {
        %mul3A_543 = arith.constant 16 : i32
        %mul3A_544 = arith.muli %scan3A_424, %mul3A_543 : i32
        %add3A_545 = arith.constant 6 : i32
        %add3A_546 = arith.addi %mul3A_544, %add3A_545 : i32
        %swap3A_547 = arith.index_cast %add3A_546 : i32 to index
        %swap3A_548 = arith.constant 0 : index
        %swap3A_549 = tpu.vector_load %arg16[%swap3A_547, %swap3A_548] {strides = array<i32>} : memref<320x256xf32, #tpu.memory_space<vmem>>, vector<16xf32>,
        tpu.vector_store %arg16[%swap3A_547, %swap3A_548], %broadcast_in_dim3A_411 {strides = array<i32>} : memref<320x256xf32, #tpu.memory_space<vmem>>, vector<16xf32>,
        %mul3A_550 = arith.constant 16 : i32
        %mul3A_551 = arith.muli %scan3A_424, %mul3A_550 : i32
        %add3A_552 = arith.constant 6 : i32
        %add3A_553 = arith.addi %mul3A_551, %add3A_552 : i32
        %swap3A_554 = arith.index_cast %add3A_553 : i32 to index
        %swap3A_555 = arith.constant 16 : index
        %swap3A_556 = tpu.vector_load %arg16[%swap3A_554, %swap3A_555] {strides = array<i32>} : memref<320x256xf32, #tpu.memory_space<vmem>>, vector<16xf32>,
        tpu.vector_store %arg16[%swap3A_554, %swap3A_555], %broadcast_in_dim3A_411 {strides = array<i32>} : memref<320x256xf32, #tpu.memory_space<vmem>>, vector<16xf32>,
        %mul3A_557 = arith.constant 16 : i32
        %mul3A_558 = arith.muli %scan3A_424, %mul3A_557 : i32
        %add3A_559 = arith.constant 6 : i32
        %add3A_560 = arith.addi %mul3A_558, %add3A_559 : i32
        %swap3A_561 = arith.index_cast %add3A_560 : i32 to index
        %swap3A_562 = arith.constant 32 : index
        %swap3A_563 = tpu.vector_load %arg16[%swap3A_561, %swap3A_562] {strides = array<i32>} : memref<320x256xf32, #tpu.memory_space<vmem>>, vector<16xf32>,
        tpu.vector_store %arg16[%swap3A_561, %swap3A_562], %broadcast_in_dim3A_411 {strides = array<i32>} : memref<320x256xf32, #tpu.memory_space<vmem>>, vector<16xf32>,
        %mul3A_564 = arith.constant 16 : i32
        %mul3A_565 = arith.muli %scan3A_424, %mul3A_564 : i32
        %add3A_566 = arith.constant 6 : i32
        %add3A_567 = arith.addi %mul3A_565, %add3A_566 : i32
        %swap3A_568 = arith.index_cast %add3A_567 : i32 to index
        %swap3A_569 = arith.constant 48 : index
        %swap3A_570 = tpu.vector_load %arg16[%swap3A_568, %swap3A_569] {strides = array<i32>} : memref<320x256xf32, #tpu.memory_space<vmem>>, vector<16xf32>,
        tpu.vector_store %arg16[%swap3A_568, %swap3A_569], %broadcast_in_dim3A_411 {strides = array<i32>} : memref<320x256xf32, #tpu.memory_space<vmem>>, vector<16xf32>,
        %mul3A_571 = arith.constant 16 : i32
        %mul3A_572 = arith.muli %scan3A_424, %mul3A_571 : i32
        %add3A_573 = arith.constant 6 : i32
        %add3A_574 = arith.addi %mul3A_572, %add3A_573 : i32
        %swap3A_575 = arith.index_cast %add3A_574 : i32 to index
        %swap3A_576 = arith.constant 64 : index
        %swap3A_577 = tpu.vector_load %arg16[%swap3A_575, %swap3A_576] {strides = array<i32>} : memref<320x256xf32, #tpu.memory_space<vmem>>, vector<16xf32>,
        tpu.vector_store %arg16[%swap3A_575, %swap3A_576], %broadcast_in_dim3A_411 {strides = array<i32>} : memref<320x256xf32, #tpu.memory_space<vmem>>, vector<16xf32>,
        %mul3A_578 = arith.constant 16 : i32
        %mul3A_579 = arith.muli %scan3A_424, %mul3A_578 : i32
        %add3A_580 = arith.constant 6 : i32
        %add3A_581 = arith.addi %mul3A_579, %add3A_580 : i32
        %swap3A_582 = arith.index_cast %add3A_581 : i32 to index
        %swap3A_583 = arith.constant 80 : index
        %swap3A_584 = tpu.vector_load %arg16[%swap3A_582, %swap3A_583] {strides = array<i32>} : memref<320x256xf32, #tpu.memory_space<vmem>>, vector<16xf32>,
        tpu.vector_store %arg16[%swap3A_582, %swap3A_583], %broadcast_in_dim3A_411 {strides = array<i32>} : memref<320x256xf32, #tpu.memory_space<vmem>>, vector<16xf32>,
        %mul3A_585 = arith.constant 16 : i32
        %mul3A_586 = arith.muli %scan3A_424, %mul3A_585 : i32
        %add3A_587 = arith.constant 6 : i32
        %add3A_588 = arith.addi %mul3A_586, %add3A_587 : i32
        %swap3A_589 = arith.index_cast %add3A_588 : i32 to index
        %swap3A_590 = arith.constant 96 : index
        %swap3A_591 = tpu.vector_load %arg16[%swap3A_589, %swap3A_590] {strides = array<i32>} : memref<320x256xf32, #tpu.memory_space<vmem>>, vector<16xf32>,
        tpu.vector_store %arg16[%swap3A_589, %swap3A_590], %broadcast_in_dim3A_411 {strides = array<i32>} : memref<320x256xf32, #tpu.memory_space<vmem>>, vector<16xf32>,
        %mul3A_592 = arith.constant 16 : i32
        %mul3A_593 = arith.muli %scan3A_424, %mul3A_592 : i32
        %add3A_594 = arith.constant 6 : i32
        %add3A_595 = arith.addi %mul3A_593, %add3A_594 : i32
        %swap3A_596 = arith.index_cast %add3A_595 : i32 to index
        %swap3A_597 = arith.constant 112 : index
        %swap3A_598 = tpu.vector_load %arg16[%swap3A_596, %swap3A_597] {strides = array<i32>} : memref<320x256xf32, #tpu.memory_space<vmem>>, vector<16xf32>,
        tpu.vector_store %arg16[%swap3A_596, %swap3A_597], %broadcast_in_dim3A_411 {strides = array<i32>} : memref<320x256xf32, #tpu.memory_space<vmem>>, vector<16xf32>,
        %mul3A_599 = arith.constant 16 : i32
        %mul3A_600 = arith.muli %scan3A_424, %mul3A_599 : i32
        %add3A_601 = arith.constant 6 : i32
        %add3A_602 = arith.addi %mul3A_600, %add3A_601 : i32
        %swap3A_603 = arith.index_cast %add3A_602 : i32 to index
        %swap3A_604 = arith.constant 128 : index
        %swap3A_605 = tpu.vector_load %arg16[%swap3A_603, %swap3A_604] {strides = array<i32>} : memref<320x256xf32, #tpu.memory_space<vmem>>, vector<16xf32>,
        tpu.vector_store %arg16[%swap3A_603, %swap3A_604], %broadcast_in_dim3A_411 {strides = array<i32>} : memref<320x256xf32, #tpu.memory_space<vmem>>, vector<16xf32>,
        %mul3A_606 = arith.constant 16 : i32
        %mul3A_607 = arith.muli %scan3A_424, %mul3A_606 : i32
        %add3A_608 = arith.constant 6 : i32
        %add3A_609 = arith.addi %mul3A_607, %add3A_608 : i32
        %swap3A_610 = arith.index_cast %add3A_609 : i32 to index
        %swap3A_611 = arith.constant 144 : index
        %swap3A_612 = tpu.vector_load %arg16[%swap3A_610, %swap3A_611] {strides = array<i32>} : memref<320x256xf32, #tpu.memory_space<vmem>>, vector<16xf32>,
        tpu.vector_store %arg16[%swap3A_610, %swap3A_611], %broadcast_in_dim3A_411 {strides = array<i32>} : memref<320x256xf32, #tpu.memory_space<vmem>>, vector<16xf32>,
        %mul3A_613 = arith.constant 16 : i32
        %mul3A_614 = arith.muli %scan3A_424, %mul3A_613 : i32
        %add3A_615 = arith.constant 6 : i32
        %add3A_616 = arith.addi %mul3A_614, %add3A_615 : i32
        %swap3A_617 = arith.index_cast %add3A_616 : i32 to index
        %swap3A_618 = arith.constant 160 : index
        %swap3A_619 = tpu.vector_load %arg16[%swap3A_617, %swap3A_618] {strides = array<i32>} : memref<320x256xf32, #tpu.memory_space<vmem>>, vector<16xf32>,
        tpu.vector_store %arg16[%swap3A_617, %swap3A_618], %broadcast_in_dim3A_411 {strides = array<i32>} : memref<320x256xf32, #tpu.memory_space<vmem>>, vector<16xf32>,
        %mul3A_620 = arith.constant 16 : i32
        %mul3A_621 = arith.muli %scan3A_424, %mul3A_620 : i32
        %add3A_622 = arith.constant 6 : i32
        %add3A_623 = arith.addi %mul3A_621, %add3A_622 : i32
        %swap3A_624 = arith.index_cast %add3A_623 : i32 to index
        %swap3A_625 = arith.constant 176 : index
        %swap3A_626 = tpu.vector_load %arg16[%swap3A_624, %swap3A_625] {strides = array<i32>} : memref<320x256xf32, #tpu.memory_space<vmem>>, vector<16xf32>,
        tpu.vector_store %arg16[%swap3A_624, %swap3A_625], %broadcast_in_dim3A_411 {strides = array<i32>} : memref<320x256xf32, #tpu.memory_space<vmem>>, vector<16xf32>,
        %mul3A_627 = arith.constant 16 : i32
        %mul3A_628 = arith.muli %scan3A_424, %mul3A_627 : i32
        %add3A_629 = arith.constant 6 : i32
        %add3A_630 = arith.addi %mul3A_628, %add3A_629 : i32
        %swap3A_631 = arith.index_cast %add3A_630 : i32 to index
        %swap3A_632 = arith.constant 192 : index
        %swap3A_633 = tpu.vector_load %arg16[%swap3A_631, %swap3A_632] {strides = array<i32>} : memref<320x256xf32, #tpu.memory_space<vmem>>, vector<16xf32>,
        tpu.vector_store %arg16[%swap3A_631, %swap3A_632], %broadcast_in_dim3A_411 {strides = array<i32>} : memref<320x256xf32, #tpu.memory_space<vmem>>, vector<16xf32>,
        %mul3A_634 = arith.constant 16 : i32
        %mul3A_635 = arith.muli %scan3A_424, %mul3A_634 : i32
        %add3A_636 = arith.constant 6 : i32
        %add3A_637 = arith.addi %mul3A_635, %add3A_636 : i32
        %swap3A_638 = arith.index_cast %add3A_637 : i32 to index
        %swap3A_639 = arith.constant 208 : index
        %swap3A_640 = tpu.vector_load %arg16[%swap3A_638, %swap3A_639] {strides = array<i32>} : memref<320x256xf32, #tpu.memory_space<vmem>>, vector<16xf32>,
        tpu.vector_store %arg16[%swap3A_638, %swap3A_639], %broadcast_in_dim3A_411 {strides = array<i32>} : memref<320x256xf32, #tpu.memory_space<vmem>>, vector<16xf32>,
        %mul3A_641 = arith.constant 16 : i32
        %mul3A_642 = arith.muli %scan3A_424, %mul3A_641 : i32
        %add3A_643 = arith.constant 6 : i32
        %add3A_644 = arith.addi %mul3A_642, %add3A_643 : i32
        %swap3A_645 = arith.index_cast %add3A_644 : i32 to index
        %swap3A_646 = arith.constant 224 : index
        %swap3A_647 = tpu.vector_load %arg16[%swap3A_645, %swap3A_646] {strides = array<i32>} : memref<320x256xf32, #tpu.memory_space<vmem>>, vector<16xf32>,
        tpu.vector_store %arg16[%swap3A_645, %swap3A_646], %broadcast_in_dim3A_411 {strides = array<i32>} : memref<320x256xf32, #tpu.memory_space<vmem>>, vector<16xf32>,
        %mul3A_648 = arith.constant 16 : i32
        %mul3A_649 = arith.muli %scan3A_424, %mul3A_648 : i32
        %add3A_650 = arith.constant 6 : i32
        %add3A_651 = arith.addi %mul3A_649, %add3A_650 : i32
        %swap3A_652 = arith.index_cast %add3A_651 : i32 to index
        %swap3A_653 = arith.constant 240 : index
        %swap3A_654 = tpu.vector_load %arg16[%swap3A_652, %swap3A_653] {strides = array<i32>} : memref<320x256xf32, #tpu.memory_space<vmem>>, vector<16xf32>,
        tpu.vector_store %arg16[%swap3A_652, %swap3A_653], %broadcast_in_dim3A_411 {strides = array<i32>} : memref<320x256xf32, #tpu.memory_space<vmem>>, vector<16xf32>,
      } else {
      }
      %slice3A_480 = vector.extract_strided_slice %convert_element_type3A_432 {offsets = [7], sizes = [1], strides = [1]} : vector<16xi32> to vector<1xi32>
      %squeeze3A_481 = vector.extract %slice3A_480[0] : i32 from vector<1xi32>
      %gt3A_482 = arith.constant 0 : i32
      %gt3A_483 = arith.cmpi sgt, %squeeze3A_481, %gt3A_482 : i32
      %convert_element_type3A_484 = arith.extui %gt3A_483 : i1 to i32
      %cond3A_485 = arith.constant 0 : i32
      %cond3A_486 = arith.cmpi ne, %convert_element_type3A_484, %cond3A_485 : i32
      scf.if %cond3A_486 {
        %mul3A_543 = arith.constant 16 : i32
        %mul3A_544 = arith.muli %scan3A_424, %mul3A_543 : i32
        %add3A_545 = arith.constant 7 : i32
        %add3A_546 = arith.addi %mul3A_544, %add3A_545 : i32
        %swap3A_547 = arith.index_cast %add3A_546 : i32 to index
        %swap3A_548 = arith.constant 0 : index
        %swap3A_549 = tpu.vector_load %arg16[%swap3A_547, %swap3A_548] {strides = array<i32>} : memref<320x256xf32, #tpu.memory_space<vmem>>, vector<16xf32>,
        tpu.vector_store %arg16[%swap3A_547, %swap3A_548], %broadcast_in_dim3A_411 {strides = array<i32>} : memref<320x256xf32, #tpu.memory_space<vmem>>, vector<16xf32>,
        %mul3A_550 = arith.constant 16 : i32
        %mul3A_551 = arith.muli %scan3A_424, %mul3A_550 : i32
        %add3A_552 = arith.constant 7 : i32
        %add3A_553 = arith.addi %mul3A_551, %add3A_552 : i32
        %swap3A_554 = arith.index_cast %add3A_553 : i32 to index
        %swap3A_555 = arith.constant 16 : index
        %swap3A_556 = tpu.vector_load %arg16[%swap3A_554, %swap3A_555] {strides = array<i32>} : memref<320x256xf32, #tpu.memory_space<vmem>>, vector<16xf32>,
        tpu.vector_store %arg16[%swap3A_554, %swap3A_555], %broadcast_in_dim3A_411 {strides = array<i32>} : memref<320x256xf32, #tpu.memory_space<vmem>>, vector<16xf32>,
        %mul3A_557 = arith.constant 16 : i32
        %mul3A_558 = arith.muli %scan3A_424, %mul3A_557 : i32
        %add3A_559 = arith.constant 7 : i32
        %add3A_560 = arith.addi %mul3A_558, %add3A_559 : i32
        %swap3A_561 = arith.index_cast %add3A_560 : i32 to index
        %swap3A_562 = arith.constant 32 : index
        %swap3A_563 = tpu.vector_load %arg16[%swap3A_561, %swap3A_562] {strides = array<i32>} : memref<320x256xf32, #tpu.memory_space<vmem>>, vector<16xf32>,
        tpu.vector_store %arg16[%swap3A_561, %swap3A_562], %broadcast_in_dim3A_411 {strides = array<i32>} : memref<320x256xf32, #tpu.memory_space<vmem>>, vector<16xf32>,
        %mul3A_564 = arith.constant 16 : i32
        %mul3A_565 = arith.muli %scan3A_424, %mul3A_564 : i32
        %add3A_566 = arith.constant 7 : i32
        %add3A_567 = arith.addi %mul3A_565, %add3A_566 : i32
        %swap3A_568 = arith.index_cast %add3A_567 : i32 to index
        %swap3A_569 = arith.constant 48 : index
        %swap3A_570 = tpu.vector_load %arg16[%swap3A_568, %swap3A_569] {strides = array<i32>} : memref<320x256xf32, #tpu.memory_space<vmem>>, vector<16xf32>,
        tpu.vector_store %arg16[%swap3A_568, %swap3A_569], %broadcast_in_dim3A_411 {strides = array<i32>} : memref<320x256xf32, #tpu.memory_space<vmem>>, vector<16xf32>,
        %mul3A_571 = arith.constant 16 : i32
        %mul3A_572 = arith.muli %scan3A_424, %mul3A_571 : i32
        %add3A_573 = arith.constant 7 : i32
        %add3A_574 = arith.addi %mul3A_572, %add3A_573 : i32
        %swap3A_575 = arith.index_cast %add3A_574 : i32 to index
        %swap3A_576 = arith.constant 64 : index
        %swap3A_577 = tpu.vector_load %arg16[%swap3A_575, %swap3A_576] {strides = array<i32>} : memref<320x256xf32, #tpu.memory_space<vmem>>, vector<16xf32>,
        tpu.vector_store %arg16[%swap3A_575, %swap3A_576], %broadcast_in_dim3A_411 {strides = array<i32>} : memref<320x256xf32, #tpu.memory_space<vmem>>, vector<16xf32>,
        %mul3A_578 = arith.constant 16 : i32
        %mul3A_579 = arith.muli %scan3A_424, %mul3A_578 : i32
        %add3A_580 = arith.constant 7 : i32
        %add3A_581 = arith.addi %mul3A_579, %add3A_580 : i32
        %swap3A_582 = arith.index_cast %add3A_581 : i32 to index
        %swap3A_583 = arith.constant 80 : index
        %swap3A_584 = tpu.vector_load %arg16[%swap3A_582, %swap3A_583] {strides = array<i32>} : memref<320x256xf32, #tpu.memory_space<vmem>>, vector<16xf32>,
        tpu.vector_store %arg16[%swap3A_582, %swap3A_583], %broadcast_in_dim3A_411 {strides = array<i32>} : memref<320x256xf32, #tpu.memory_space<vmem>>, vector<16xf32>,
        %mul3A_585 = arith.constant 16 : i32
        %mul3A_586 = arith.muli %scan3A_424, %mul3A_585 : i32
        %add3A_587 = arith.constant 7 : i32
        %add3A_588 = arith.addi %mul3A_586, %add3A_587 : i32
        %swap3A_589 = arith.index_cast %add3A_588 : i32 to index
        %swap3A_590 = arith.constant 96 : index
        %swap3A_591 = tpu.vector_load %arg16[%swap3A_589, %swap3A_590] {strides = array<i32>} : memref<320x256xf32, #tpu.memory_space<vmem>>, vector<16xf32>,
        tpu.vector_store %arg16[%swap3A_589, %swap3A_590], %broadcast_in_dim3A_411 {strides = array<i32>} : memref<320x256xf32, #tpu.memory_space<vmem>>, vector<16xf32>,
        %mul3A_592 = arith.constant 16 : i32
        %mul3A_593 = arith.muli %scan3A_424, %mul3A_592 : i32
        %add3A_594 = arith.constant 7 : i32
        %add3A_595 = arith.addi %mul3A_593, %add3A_594 : i32
        %swap3A_596 = arith.index_cast %add3A_595 : i32 to index
        %swap3A_597 = arith.constant 112 : index
        %swap3A_598 = tpu.vector_load %arg16[%swap3A_596, %swap3A_597] {strides = array<i32>} : memref<320x256xf32, #tpu.memory_space<vmem>>, vector<16xf32>,
        tpu.vector_store %arg16[%swap3A_596, %swap3A_597], %broadcast_in_dim3A_411 {strides = array<i32>} : memref<320x256xf32, #tpu.memory_space<vmem>>, vector<16xf32>,
        %mul3A_599 = arith.constant 16 : i32
        %mul3A_600 = arith.muli %scan3A_424, %mul3A_599 : i32
        %add3A_601 = arith.constant 7 : i32
        %add3A_602 = arith.addi %mul3A_600, %add3A_601 : i32
        %swap3A_603 = arith.index_cast %add3A_602 : i32 to index
        %swap3A_604 = arith.constant 128 : index
        %swap3A_605 = tpu.vector_load %arg16[%swap3A_603, %swap3A_604] {strides = array<i32>} : memref<320x256xf32, #tpu.memory_space<vmem>>, vector<16xf32>,
        tpu.vector_store %arg16[%swap3A_603, %swap3A_604], %broadcast_in_dim3A_411 {strides = array<i32>} : memref<320x256xf32, #tpu.memory_space<vmem>>, vector<16xf32>,
        %mul3A_606 = arith.constant 16 : i32
        %mul3A_607 = arith.muli %scan3A_424, %mul3A_606 : i32
        %add3A_608 = arith.constant 7 : i32
        %add3A_609 = arith.addi %mul3A_607, %add3A_608 : i32
        %swap3A_610 = arith.index_cast %add3A_609 : i32 to index
        %swap3A_611 = arith.constant 144 : index
        %swap3A_612 = tpu.vector_load %arg16[%swap3A_610, %swap3A_611] {strides = array<i32>} : memref<320x256xf32, #tpu.memory_space<vmem>>, vector<16xf32>,
        tpu.vector_store %arg16[%swap3A_610, %swap3A_611], %broadcast_in_dim3A_411 {strides = array<i32>} : memref<320x256xf32, #tpu.memory_space<vmem>>, vector<16xf32>,
        %mul3A_613 = arith.constant 16 : i32
        %mul3A_614 = arith.muli %scan3A_424, %mul3A_613 : i32
        %add3A_615 = arith.constant 7 : i32
        %add3A_616 = arith.addi %mul3A_614, %add3A_615 : i32
        %swap3A_617 = arith.index_cast %add3A_616 : i32 to index
        %swap3A_618 = arith.constant 160 : index
        %swap3A_619 = tpu.vector_load %arg16[%swap3A_617, %swap3A_618] {strides = array<i32>} : memref<320x256xf32, #tpu.memory_space<vmem>>, vector<16xf32>,
        tpu.vector_store %arg16[%swap3A_617, %swap3A_618], %broadcast_in_dim3A_411 {strides = array<i32>} : memref<320x256xf32, #tpu.memory_space<vmem>>, vector<16xf32>,
        %mul3A_620 = arith.constant 16 : i32
        %mul3A_621 = arith.muli %scan3A_424, %mul3A_620 : i32
        %add3A_622 = arith.constant 7 : i32
        %add3A_623 = arith.addi %mul3A_621, %add3A_622 : i32
        %swap3A_624 = arith.index_cast %add3A_623 : i32 to index
        %swap3A_625 = arith.constant 176 : index
        %swap3A_626 = tpu.vector_load %arg16[%swap3A_624, %swap3A_625] {strides = array<i32>} : memref<320x256xf32, #tpu.memory_space<vmem>>, vector<16xf32>,
        tpu.vector_store %arg16[%swap3A_624, %swap3A_625], %broadcast_in_dim3A_411 {strides = array<i32>} : memref<320x256xf32, #tpu.memory_space<vmem>>, vector<16xf32>,
        %mul3A_627 = arith.constant 16 : i32
        %mul3A_628 = arith.muli %scan3A_424, %mul3A_627 : i32
        %add3A_629 = arith.constant 7 : i32
        %add3A_630 = arith.addi %mul3A_628, %add3A_629 : i32
        %swap3A_631 = arith.index_cast %add3A_630 : i32 to index
        %swap3A_632 = arith.constant 192 : index
        %swap3A_633 = tpu.vector_load %arg16[%swap3A_631, %swap3A_632] {strides = array<i32>} : memref<320x256xf32, #tpu.memory_space<vmem>>, vector<16xf32>,
        tpu.vector_store %arg16[%swap3A_631, %swap3A_632], %broadcast_in_dim3A_411 {strides = array<i32>} : memref<320x256xf32, #tpu.memory_space<vmem>>, vector<16xf32>,
        %mul3A_634 = arith.constant 16 : i32
        %mul3A_635 = arith.muli %scan3A_424, %mul3A_634 : i32
        %add3A_636 = arith.constant 7 : i32
        %add3A_637 = arith.addi %mul3A_635, %add3A_636 : i32
        %swap3A_638 = arith.index_cast %add3A_637 : i32 to index
        %swap3A_639 = arith.constant 208 : index
        %swap3A_640 = tpu.vector_load %arg16[%swap3A_638, %swap3A_639] {strides = array<i32>} : memref<320x256xf32, #tpu.memory_space<vmem>>, vector<16xf32>,
        tpu.vector_store %arg16[%swap3A_638, %swap3A_639], %broadcast_in_dim3A_411 {strides = array<i32>} : memref<320x256xf32, #tpu.memory_space<vmem>>, vector<16xf32>,
        %mul3A_641 = arith.constant 16 : i32
        %mul3A_642 = arith.muli %scan3A_424, %mul3A_641 : i32
        %add3A_643 = arith.constant 7 : i32
        %add3A_644 = arith.addi %mul3A_642, %add3A_643 : i32
        %swap3A_645 = arith.index_cast %add3A_644 : i32 to index
        %swap3A_646 = arith.constant 224 : index
        %swap3A_647 = tpu.vector_load %arg16[%swap3A_645, %swap3A_646] {strides = array<i32>} : memref<320x256xf32, #tpu.memory_space<vmem>>, vector<16xf32>,
        tpu.vector_store %arg16[%swap3A_645, %swap3A_646], %broadcast_in_dim3A_411 {strides = array<i32>} : memref<320x256xf32, #tpu.memory_space<vmem>>, vector<16xf32>,
        %mul3A_648 = arith.constant 16 : i32
        %mul3A_649 = arith.muli %scan3A_424, %mul3A_648 : i32
        %add3A_650 = arith.constant 7 : i32
        %add3A_651 = arith.addi %mul3A_649, %add3A_650 : i32
        %swap3A_652 = arith.index_cast %add3A_651 : i32 to index
        %swap3A_653 = arith.constant 240 : index
        %swap3A_654 = tpu.vector_load %arg16[%swap3A_652, %swap3A_653] {strides = array<i32>} : memref<320x256xf32, #tpu.memory_space<vmem>>, vector<16xf32>,
        tpu.vector_store %arg16[%swap3A_652, %swap3A_653], %broadcast_in_dim3A_411 {strides = array<i32>} : memref<320x256xf32, #tpu.memory_space<vmem>>, vector<16xf32>,
      } else {
      }
      %slice3A_487 = vector.extract_strided_slice %convert_element_type3A_432 {offsets = [8], sizes = [1], strides = [1]} : vector<16xi32> to vector<1xi32>
      %squeeze3A_488 = vector.extract %slice3A_487[0] : i32 from vector<1xi32>
      %gt3A_489 = arith.constant 0 : i32
      %gt3A_490 = arith.cmpi sgt, %squeeze3A_488, %gt3A_489 : i32
      %convert_element_type3A_491 = arith.extui %gt3A_490 : i1 to i32
      %cond3A_492 = arith.constant 0 : i32
      %cond3A_493 = arith.cmpi ne, %convert_element_type3A_491, %cond3A_492 : i32
      scf.if %cond3A_493 {
        %mul3A_543 = arith.constant 16 : i32
        %mul3A_544 = arith.muli %scan3A_424, %mul3A_543 : i32
        %add3A_545 = arith.constant 8 : i32
        %add3A_546 = arith.addi %mul3A_544, %add3A_545 : i32
        %swap3A_547 = arith.index_cast %add3A_546 : i32 to index
        %swap3A_548 = arith.constant 0 : index
        %swap3A_549 = tpu.vector_load %arg16[%swap3A_547, %swap3A_548] {strides = array<i32>} : memref<320x256xf32, #tpu.memory_space<vmem>>, vector<16xf32>,
        tpu.vector_store %arg16[%swap3A_547, %swap3A_548], %broadcast_in_dim3A_411 {strides = array<i32>} : memref<320x256xf32, #tpu.memory_space<vmem>>, vector<16xf32>,
        %mul3A_550 = arith.constant 16 : i32
        %mul3A_551 = arith.muli %scan3A_424, %mul3A_550 : i32
        %add3A_552 = arith.constant 8 : i32
        %add3A_553 = arith.addi %mul3A_551, %add3A_552 : i32
        %swap3A_554 = arith.index_cast %add3A_553 : i32 to index
        %swap3A_555 = arith.constant 16 : index
        %swap3A_556 = tpu.vector_load %arg16[%swap3A_554, %swap3A_555] {strides = array<i32>} : memref<320x256xf32, #tpu.memory_space<vmem>>, vector<16xf32>,
        tpu.vector_store %arg16[%swap3A_554, %swap3A_555], %broadcast_in_dim3A_411 {strides = array<i32>} : memref<320x256xf32, #tpu.memory_space<vmem>>, vector<16xf32>,
        %mul3A_557 = arith.constant 16 : i32
        %mul3A_558 = arith.muli %scan3A_424, %mul3A_557 : i32
        %add3A_559 = arith.constant 8 : i32
        %add3A_560 = arith.addi %mul3A_558, %add3A_559 : i32
        %swap3A_561 = arith.index_cast %add3A_560 : i32 to index
        %swap3A_562 = arith.constant 32 : index
        %swap3A_563 = tpu.vector_load %arg16[%swap3A_561, %swap3A_562] {strides = array<i32>} : memref<320x256xf32, #tpu.memory_space<vmem>>, vector<16xf32>,
        tpu.vector_store %arg16[%swap3A_561, %swap3A_562], %broadcast_in_dim3A_411 {strides = array<i32>} : memref<320x256xf32, #tpu.memory_space<vmem>>, vector<16xf32>,
        %mul3A_564 = arith.constant 16 : i32
        %mul3A_565 = arith.muli %scan3A_424, %mul3A_564 : i32
        %add3A_566 = arith.constant 8 : i32
        %add3A_567 = arith.addi %mul3A_565, %add3A_566 : i32
        %swap3A_568 = arith.index_cast %add3A_567 : i32 to index
        %swap3A_569 = arith.constant 48 : index
        %swap3A_570 = tpu.vector_load %arg16[%swap3A_568, %swap3A_569] {strides = array<i32>} : memref<320x256xf32, #tpu.memory_space<vmem>>, vector<16xf32>,
        tpu.vector_store %arg16[%swap3A_568, %swap3A_569], %broadcast_in_dim3A_411 {strides = array<i32>} : memref<320x256xf32, #tpu.memory_space<vmem>>, vector<16xf32>,
        %mul3A_571 = arith.constant 16 : i32
        %mul3A_572 = arith.muli %scan3A_424, %mul3A_571 : i32
        %add3A_573 = arith.constant 8 : i32
        %add3A_574 = arith.addi %mul3A_572, %add3A_573 : i32
        %swap3A_575 = arith.index_cast %add3A_574 : i32 to index
        %swap3A_576 = arith.constant 64 : index
        %swap3A_577 = tpu.vector_load %arg16[%swap3A_575, %swap3A_576] {strides = array<i32>} : memref<320x256xf32, #tpu.memory_space<vmem>>, vector<16xf32>,
        tpu.vector_store %arg16[%swap3A_575, %swap3A_576], %broadcast_in_dim3A_411 {strides = array<i32>} : memref<320x256xf32, #tpu.memory_space<vmem>>, vector<16xf32>,
        %mul3A_578 = arith.constant 16 : i32
        %mul3A_579 = arith.muli %scan3A_424, %mul3A_578 : i32
        %add3A_580 = arith.constant 8 : i32
        %add3A_581 = arith.addi %mul3A_579, %add3A_580 : i32
        %swap3A_582 = arith.index_cast %add3A_581 : i32 to index
        %swap3A_583 = arith.constant 80 : index
        %swap3A_584 = tpu.vector_load %arg16[%swap3A_582, %swap3A_583] {strides = array<i32>} : memref<320x256xf32, #tpu.memory_space<vmem>>, vector<16xf32>,
        tpu.vector_store %arg16[%swap3A_582, %swap3A_583], %broadcast_in_dim3A_411 {strides = array<i32>} : memref<320x256xf32, #tpu.memory_space<vmem>>, vector<16xf32>,
        %mul3A_585 = arith.constant 16 : i32
        %mul3A_586 = arith.muli %scan3A_424, %mul3A_585 : i32
        %add3A_587 = arith.constant 8 : i32
        %add3A_588 = arith.addi %mul3A_586, %add3A_587 : i32
        %swap3A_589 = arith.index_cast %add3A_588 : i32 to index
        %swap3A_590 = arith.constant 96 : index
        %swap3A_591 = tpu.vector_load %arg16[%swap3A_589, %swap3A_590] {strides = array<i32>} : memref<320x256xf32, #tpu.memory_space<vmem>>, vector<16xf32>,
        tpu.vector_store %arg16[%swap3A_589, %swap3A_590], %broadcast_in_dim3A_411 {strides = array<i32>} : memref<320x256xf32, #tpu.memory_space<vmem>>, vector<16xf32>,
        %mul3A_592 = arith.constant 16 : i32
        %mul3A_593 = arith.muli %scan3A_424, %mul3A_592 : i32
        %add3A_594 = arith.constant 8 : i32
        %add3A_595 = arith.addi %mul3A_593, %add3A_594 : i32
        %swap3A_596 = arith.index_cast %add3A_595 : i32 to index
        %swap3A_597 = arith.constant 112 : index
        %swap3A_598 = tpu.vector_load %arg16[%swap3A_596, %swap3A_597] {strides = array<i32>} : memref<320x256xf32, #tpu.memory_space<vmem>>, vector<16xf32>,
        tpu.vector_store %arg16[%swap3A_596, %swap3A_597], %broadcast_in_dim3A_411 {strides = array<i32>} : memref<320x256xf32, #tpu.memory_space<vmem>>, vector<16xf32>,
        %mul3A_599 = arith.constant 16 : i32
        %mul3A_600 = arith.muli %scan3A_424, %mul3A_599 : i32
        %add3A_601 = arith.constant 8 : i32
        %add3A_602 = arith.addi %mul3A_600, %add3A_601 : i32
        %swap3A_603 = arith.index_cast %add3A_602 : i32 to index
        %swap3A_604 = arith.constant 128 : index
        %swap3A_605 = tpu.vector_load %arg16[%swap3A_603, %swap3A_604] {strides = array<i32>} : memref<320x256xf32, #tpu.memory_space<vmem>>, vector<16xf32>,
        tpu.vector_store %arg16[%swap3A_603, %swap3A_604], %broadcast_in_dim3A_411 {strides = array<i32>} : memref<320x256xf32, #tpu.memory_space<vmem>>, vector<16xf32>,
        %mul3A_606 = arith.constant 16 : i32
        %mul3A_607 = arith.muli %scan3A_424, %mul3A_606 : i32
        %add3A_608 = arith.constant 8 : i32
        %add3A_609 = arith.addi %mul3A_607, %add3A_608 : i32
        %swap3A_610 = arith.index_cast %add3A_609 : i32 to index
        %swap3A_611 = arith.constant 144 : index
        %swap3A_612 = tpu.vector_load %arg16[%swap3A_610, %swap3A_611] {strides = array<i32>} : memref<320x256xf32, #tpu.memory_space<vmem>>, vector<16xf32>,
        tpu.vector_store %arg16[%swap3A_610, %swap3A_611], %broadcast_in_dim3A_411 {strides = array<i32>} : memref<320x256xf32, #tpu.memory_space<vmem>>, vector<16xf32>,
        %mul3A_613 = arith.constant 16 : i32
        %mul3A_614 = arith.muli %scan3A_424, %mul3A_613 : i32
        %add3A_615 = arith.constant 8 : i32
        %add3A_616 = arith.addi %mul3A_614, %add3A_615 : i32
        %swap3A_617 = arith.index_cast %add3A_616 : i32 to index
        %swap3A_618 = arith.constant 160 : index
        %swap3A_619 = tpu.vector_load %arg16[%swap3A_617, %swap3A_618] {strides = array<i32>} : memref<320x256xf32, #tpu.memory_space<vmem>>, vector<16xf32>,
        tpu.vector_store %arg16[%swap3A_617, %swap3A_618], %broadcast_in_dim3A_411 {strides = array<i32>} : memref<320x256xf32, #tpu.memory_space<vmem>>, vector<16xf32>,
        %mul3A_620 = arith.constant 16 : i32
        %mul3A_621 = arith.muli %scan3A_424, %mul3A_620 : i32
        %add3A_622 = arith.constant 8 : i32
        %add3A_623 = arith.addi %mul3A_621, %add3A_622 : i32
        %swap3A_624 = arith.index_cast %add3A_623 : i32 to index
        %swap3A_625 = arith.constant 176 : index
        %swap3A_626 = tpu.vector_load %arg16[%swap3A_624, %swap3A_625] {strides = array<i32>} : memref<320x256xf32, #tpu.memory_space<vmem>>, vector<16xf32>,
        tpu.vector_store %arg16[%swap3A_624, %swap3A_625], %broadcast_in_dim3A_411 {strides = array<i32>} : memref<320x256xf32, #tpu.memory_space<vmem>>, vector<16xf32>,
        %mul3A_627 = arith.constant 16 : i32
        %mul3A_628 = arith.muli %scan3A_424, %mul3A_627 : i32
        %add3A_629 = arith.constant 8 : i32
        %add3A_630 = arith.addi %mul3A_628, %add3A_629 : i32
        %swap3A_631 = arith.index_cast %add3A_630 : i32 to index
        %swap3A_632 = arith.constant 192 : index
        %swap3A_633 = tpu.vector_load %arg16[%swap3A_631, %swap3A_632] {strides = array<i32>} : memref<320x256xf32, #tpu.memory_space<vmem>>, vector<16xf32>,
        tpu.vector_store %arg16[%swap3A_631, %swap3A_632], %broadcast_in_dim3A_411 {strides = array<i32>} : memref<320x256xf32, #tpu.memory_space<vmem>>, vector<16xf32>,
        %mul3A_634 = arith.constant 16 : i32
        %mul3A_635 = arith.muli %scan3A_424, %mul3A_634 : i32
        %add3A_636 = arith.constant 8 : i32
        %add3A_637 = arith.addi %mul3A_635, %add3A_636 : i32
        %swap3A_638 = arith.index_cast %add3A_637 : i32 to index
        %swap3A_639 = arith.constant 208 : index
        %swap3A_640 = tpu.vector_load %arg16[%swap3A_638, %swap3A_639] {strides = array<i32>} : memref<320x256xf32, #tpu.memory_space<vmem>>, vector<16xf32>,
        tpu.vector_store %arg16[%swap3A_638, %swap3A_639], %broadcast_in_dim3A_411 {strides = array<i32>} : memref<320x256xf32, #tpu.memory_space<vmem>>, vector<16xf32>,
        %mul3A_641 = arith.constant 16 : i32
        %mul3A_642 = arith.muli %scan3A_424, %mul3A_641 : i32
        %add3A_643 = arith.constant 8 : i32
        %add3A_644 = arith.addi %mul3A_642, %add3A_643 : i32
        %swap3A_645 = arith.index_cast %add3A_644 : i32 to index
        %swap3A_646 = arith.constant 224 : index
        %swap3A_647 = tpu.vector_load %arg16[%swap3A_645, %swap3A_646] {strides = array<i32>} : memref<320x256xf32, #tpu.memory_space<vmem>>, vector<16xf32>,
        tpu.vector_store %arg16[%swap3A_645, %swap3A_646], %broadcast_in_dim3A_411 {strides = array<i32>} : memref<320x256xf32, #tpu.memory_space<vmem>>, vector<16xf32>,
        %mul3A_648 = arith.constant 16 : i32
        %mul3A_649 = arith.muli %scan3A_424, %mul3A_648 : i32
        %add3A_650 = arith.constant 8 : i32
        %add3A_651 = arith.addi %mul3A_649, %add3A_650 : i32
        %swap3A_652 = arith.index_cast %add3A_651 : i32 to index
        %swap3A_653 = arith.constant 240 : index
        %swap3A_654 = tpu.vector_load %arg16[%swap3A_652, %swap3A_653] {strides = array<i32>} : memref<320x256xf32, #tpu.memory_space<vmem>>, vector<16xf32>,
        tpu.vector_store %arg16[%swap3A_652, %swap3A_653], %broadcast_in_dim3A_411 {strides = array<i32>} : memref<320x256xf32, #tpu.memory_space<vmem>>, vector<16xf32>,
      } else {
      }
      %slice3A_494 = vector.extract_strided_slice %convert_element_type3A_432 {offsets = [9], sizes = [1], strides = [1]} : vector<16xi32> to vector<1xi32>
      %squeeze3A_495 = vector.extract %slice3A_494[0] : i32 from vector<1xi32>
      %gt3A_496 = arith.constant 0 : i32
      %gt3A_497 = arith.cmpi sgt, %squeeze3A_495, %gt3A_496 : i32
      %convert_element_type3A_498 = arith.extui %gt3A_497 : i1 to i32
      %cond3A_499 = arith.constant 0 : i32
      %cond3A_500 = arith.cmpi ne, %convert_element_type3A_498, %cond3A_499 : i32
      scf.if %cond3A_500 {
        %mul3A_543 = arith.constant 16 : i32
        %mul3A_544 = arith.muli %scan3A_424, %mul3A_543 : i32
        %add3A_545 = arith.constant 9 : i32
        %add3A_546 = arith.addi %mul3A_544, %add3A_545 : i32
        %swap3A_547 = arith.index_cast %add3A_546 : i32 to index
        %swap3A_548 = arith.constant 0 : index
        %swap3A_549 = tpu.vector_load %arg16[%swap3A_547, %swap3A_548] {strides = array<i32>} : memref<320x256xf32, #tpu.memory_space<vmem>>, vector<16xf32>,
        tpu.vector_store %arg16[%swap3A_547, %swap3A_548], %broadcast_in_dim3A_411 {strides = array<i32>} : memref<320x256xf32, #tpu.memory_space<vmem>>, vector<16xf32>,
        %mul3A_550 = arith.constant 16 : i32
        %mul3A_551 = arith.muli %scan3A_424, %mul3A_550 : i32
        %add3A_552 = arith.constant 9 : i32
        %add3A_553 = arith.addi %mul3A_551, %add3A_552 : i32
        %swap3A_554 = arith.index_cast %add3A_553 : i32 to index
        %swap3A_555 = arith.constant 16 : index
        %swap3A_556 = tpu.vector_load %arg16[%swap3A_554, %swap3A_555] {strides = array<i32>} : memref<320x256xf32, #tpu.memory_space<vmem>>, vector<16xf32>,
        tpu.vector_store %arg16[%swap3A_554, %swap3A_555], %broadcast_in_dim3A_411 {strides = array<i32>} : memref<320x256xf32, #tpu.memory_space<vmem>>, vector<16xf32>,
        %mul3A_557 = arith.constant 16 : i32
        %mul3A_558 = arith.muli %scan3A_424, %mul3A_557 : i32
        %add3A_559 = arith.constant 9 : i32
        %add3A_560 = arith.addi %mul3A_558, %add3A_559 : i32
        %swap3A_561 = arith.index_cast %add3A_560 : i32 to index
        %swap3A_562 = arith.constant 32 : index
        %swap3A_563 = tpu.vector_load %arg16[%swap3A_561, %swap3A_562] {strides = array<i32>} : memref<320x256xf32, #tpu.memory_space<vmem>>, vector<16xf32>,
        tpu.vector_store %arg16[%swap3A_561, %swap3A_562], %broadcast_in_dim3A_411 {strides = array<i32>} : memref<320x256xf32, #tpu.memory_space<vmem>>, vector<16xf32>,
        %mul3A_564 = arith.constant 16 : i32
        %mul3A_565 = arith.muli %scan3A_424, %mul3A_564 : i32
        %add3A_566 = arith.constant 9 : i32
        %add3A_567 = arith.addi %mul3A_565, %add3A_566 : i32
        %swap3A_568 = arith.index_cast %add3A_567 : i32 to index
        %swap3A_569 = arith.constant 48 : index
        %swap3A_570 = tpu.vector_load %arg16[%swap3A_568, %swap3A_569] {strides = array<i32>} : memref<320x256xf32, #tpu.memory_space<vmem>>, vector<16xf32>,
        tpu.vector_store %arg16[%swap3A_568, %swap3A_569], %broadcast_in_dim3A_411 {strides = array<i32>} : memref<320x256xf32, #tpu.memory_space<vmem>>, vector<16xf32>,
        %mul3A_571 = arith.constant 16 : i32
        %mul3A_572 = arith.muli %scan3A_424, %mul3A_571 : i32
        %add3A_573 = arith.constant 9 : i32
        %add3A_574 = arith.addi %mul3A_572, %add3A_573 : i32
        %swap3A_575 = arith.index_cast %add3A_574 : i32 to index
        %swap3A_576 = arith.constant 64 : index
        %swap3A_577 = tpu.vector_load %arg16[%swap3A_575, %swap3A_576] {strides = array<i32>} : memref<320x256xf32, #tpu.memory_space<vmem>>, vector<16xf32>,
        tpu.vector_store %arg16[%swap3A_575, %swap3A_576], %broadcast_in_dim3A_411 {strides = array<i32>} : memref<320x256xf32, #tpu.memory_space<vmem>>, vector<16xf32>,
        %mul3A_578 = arith.constant 16 : i32
        %mul3A_579 = arith.muli %scan3A_424, %mul3A_578 : i32
        %add3A_580 = arith.constant 9 : i32
        %add3A_581 = arith.addi %mul3A_579, %add3A_580 : i32
        %swap3A_582 = arith.index_cast %add3A_581 : i32 to index
        %swap3A_583 = arith.constant 80 : index
        %swap3A_584 = tpu.vector_load %arg16[%swap3A_582, %swap3A_583] {strides = array<i32>} : memref<320x256xf32, #tpu.memory_space<vmem>>, vector<16xf32>,
        tpu.vector_store %arg16[%swap3A_582, %swap3A_583], %broadcast_in_dim3A_411 {strides = array<i32>} : memref<320x256xf32, #tpu.memory_space<vmem>>, vector<16xf32>,
        %mul3A_585 = arith.constant 16 : i32
        %mul3A_586 = arith.muli %scan3A_424, %mul3A_585 : i32
        %add3A_587 = arith.constant 9 : i32
        %add3A_588 = arith.addi %mul3A_586, %add3A_587 : i32
        %swap3A_589 = arith.index_cast %add3A_588 : i32 to index
        %swap3A_590 = arith.constant 96 : index
        %swap3A_591 = tpu.vector_load %arg16[%swap3A_589, %swap3A_590] {strides = array<i32>} : memref<320x256xf32, #tpu.memory_space<vmem>>, vector<16xf32>,
        tpu.vector_store %arg16[%swap3A_589, %swap3A_590], %broadcast_in_dim3A_411 {strides = array<i32>} : memref<320x256xf32, #tpu.memory_space<vmem>>, vector<16xf32>,
        %mul3A_592 = arith.constant 16 : i32
        %mul3A_593 = arith.muli %scan3A_424, %mul3A_592 : i32
        %add3A_594 = arith.constant 9 : i32
        %add3A_595 = arith.addi %mul3A_593, %add3A_594 : i32
        %swap3A_596 = arith.index_cast %add3A_595 : i32 to index
        %swap3A_597 = arith.constant 112 : index
        %swap3A_598 = tpu.vector_load %arg16[%swap3A_596, %swap3A_597] {strides = array<i32>} : memref<320x256xf32, #tpu.memory_space<vmem>>, vector<16xf32>,
        tpu.vector_store %arg16[%swap3A_596, %swap3A_597], %broadcast_in_dim3A_411 {strides = array<i32>} : memref<320x256xf32, #tpu.memory_space<vmem>>, vector<16xf32>,
        %mul3A_599 = arith.constant 16 : i32
        %mul3A_600 = arith.muli %scan3A_424, %mul3A_599 : i32
        %add3A_601 = arith.constant 9 : i32
        %add3A_602 = arith.addi %mul3A_600, %add3A_601 : i32
        %swap3A_603 = arith.index_cast %add3A_602 : i32 to index
        %swap3A_604 = arith.constant 128 : index
        %swap3A_605 = tpu.vector_load %arg16[%swap3A_603, %swap3A_604] {strides = array<i32>} : memref<320x256xf32, #tpu.memory_space<vmem>>, vector<16xf32>,
        tpu.vector_store %arg16[%swap3A_603, %swap3A_604], %broadcast_in_dim3A_411 {strides = array<i32>} : memref<320x256xf32, #tpu.memory_space<vmem>>, vector<16xf32>,
        %mul3A_606 = arith.constant 16 : i32
        %mul3A_607 = arith.muli %scan3A_424, %mul3A_606 : i32
        %add3A_608 = arith.constant 9 : i32
        %add3A_609 = arith.addi %mul3A_607, %add3A_608 : i32
        %swap3A_610 = arith.index_cast %add3A_609 : i32 to index
        %swap3A_611 = arith.constant 144 : index
        %swap3A_612 = tpu.vector_load %arg16[%swap3A_610, %swap3A_611] {strides = array<i32>} : memref<320x256xf32, #tpu.memory_space<vmem>>, vector<16xf32>,
        tpu.vector_store %arg16[%swap3A_610, %swap3A_611], %broadcast_in_dim3A_411 {strides = array<i32>} : memref<320x256xf32, #tpu.memory_space<vmem>>, vector<16xf32>,
        %mul3A_613 = arith.constant 16 : i32
        %mul3A_614 = arith.muli %scan3A_424, %mul3A_613 : i32
        %add3A_615 = arith.constant 9 : i32
        %add3A_616 = arith.addi %mul3A_614, %add3A_615 : i32
        %swap3A_617 = arith.index_cast %add3A_616 : i32 to index
        %swap3A_618 = arith.constant 160 : index
        %swap3A_619 = tpu.vector_load %arg16[%swap3A_617, %swap3A_618] {strides = array<i32>} : memref<320x256xf32, #tpu.memory_space<vmem>>, vector<16xf32>,
        tpu.vector_store %arg16[%swap3A_617, %swap3A_618], %broadcast_in_dim3A_411 {strides = array<i32>} : memref<320x256xf32, #tpu.memory_space<vmem>>, vector<16xf32>,
        %mul3A_620 = arith.constant 16 : i32
        %mul3A_621 = arith.muli %scan3A_424, %mul3A_620 : i32
        %add3A_622 = arith.constant 9 : i32
        %add3A_623 = arith.addi %mul3A_621, %add3A_622 : i32
        %swap3A_624 = arith.index_cast %add3A_623 : i32 to index
        %swap3A_625 = arith.constant 176 : index
        %swap3A_626 = tpu.vector_load %arg16[%swap3A_624, %swap3A_625] {strides = array<i32>} : memref<320x256xf32, #tpu.memory_space<vmem>>, vector<16xf32>,
        tpu.vector_store %arg16[%swap3A_624, %swap3A_625], %broadcast_in_dim3A_411 {strides = array<i32>} : memref<320x256xf32, #tpu.memory_space<vmem>>, vector<16xf32>,
        %mul3A_627 = arith.constant 16 : i32
        %mul3A_628 = arith.muli %scan3A_424, %mul3A_627 : i32
        %add3A_629 = arith.constant 9 : i32
        %add3A_630 = arith.addi %mul3A_628, %add3A_629 : i32
        %swap3A_631 = arith.index_cast %add3A_630 : i32 to index
        %swap3A_632 = arith.constant 192 : index
        %swap3A_633 = tpu.vector_load %arg16[%swap3A_631, %swap3A_632] {strides = array<i32>} : memref<320x256xf32, #tpu.memory_space<vmem>>, vector<16xf32>,
        tpu.vector_store %arg16[%swap3A_631, %swap3A_632], %broadcast_in_dim3A_411 {strides = array<i32>} : memref<320x256xf32, #tpu.memory_space<vmem>>, vector<16xf32>,
        %mul3A_634 = arith.constant 16 : i32
        %mul3A_635 = arith.muli %scan3A_424, %mul3A_634 : i32
        %add3A_636 = arith.constant 9 : i32
        %add3A_637 = arith.addi %mul3A_635, %add3A_636 : i32
        %swap3A_638 = arith.index_cast %add3A_637 : i32 to index
        %swap3A_639 = arith.constant 208 : index
        %swap3A_640 = tpu.vector_load %arg16[%swap3A_638, %swap3A_639] {strides = array<i32>} : memref<320x256xf32, #tpu.memory_space<vmem>>, vector<16xf32>,
        tpu.vector_store %arg16[%swap3A_638, %swap3A_639], %broadcast_in_dim3A_411 {strides = array<i32>} : memref<320x256xf32, #tpu.memory_space<vmem>>, vector<16xf32>,
        %mul3A_641 = arith.constant 16 : i32
        %mul3A_642 = arith.muli %scan3A_424, %mul3A_641 : i32
        %add3A_643 = arith.constant 9 : i32
        %add3A_644 = arith.addi %mul3A_642, %add3A_643 : i32
        %swap3A_645 = arith.index_cast %add3A_644 : i32 to index
        %swap3A_646 = arith.constant 224 : index
        %swap3A_647 = tpu.vector_load %arg16[%swap3A_645, %swap3A_646] {strides = array<i32>} : memref<320x256xf32, #tpu.memory_space<vmem>>, vector<16xf32>,
        tpu.vector_store %arg16[%swap3A_645, %swap3A_646], %broadcast_in_dim3A_411 {strides = array<i32>} : memref<320x256xf32, #tpu.memory_space<vmem>>, vector<16xf32>,
        %mul3A_648 = arith.constant 16 : i32
        %mul3A_649 = arith.muli %scan3A_424, %mul3A_648 : i32
        %add3A_650 = arith.constant 9 : i32
        %add3A_651 = arith.addi %mul3A_649, %add3A_650 : i32
        %swap3A_652 = arith.index_cast %add3A_651 : i32 to index
        %swap3A_653 = arith.constant 240 : index
        %swap3A_654 = tpu.vector_load %arg16[%swap3A_652, %swap3A_653] {strides = array<i32>} : memref<320x256xf32, #tpu.memory_space<vmem>>, vector<16xf32>,
        tpu.vector_store %arg16[%swap3A_652, %swap3A_653], %broadcast_in_dim3A_411 {strides = array<i32>} : memref<320x256xf32, #tpu.memory_space<vmem>>, vector<16xf32>,
      } else {
      }
      %slice3A_501 = vector.extract_strided_slice %convert_element_type3A_432 {offsets = [10], sizes = [1], strides = [1]} : vector<16xi32> to vector<1xi32>
      %squeeze3A_502 = vector.extract %slice3A_501[0] : i32 from vector<1xi32>
      %gt3A_503 = arith.constant 0 : i32
      %gt3A_504 = arith.cmpi sgt, %squeeze3A_502, %gt3A_503 : i32
      %convert_element_type3A_505 = arith.extui %gt3A_504 : i1 to i32
      %cond3A_506 = arith.constant 0 : i32
      %cond3A_507 = arith.cmpi ne, %convert_element_type3A_505, %cond3A_506 : i32
      scf.if %cond3A_507 {
        %mul3A_543 = arith.constant 16 : i32
        %mul3A_544 = arith.muli %scan3A_424, %mul3A_543 : i32
        %add3A_545 = arith.constant 10 : i32
        %add3A_546 = arith.addi %mul3A_544, %add3A_545 : i32
        %swap3A_547 = arith.index_cast %add3A_546 : i32 to index
        %swap3A_548 = arith.constant 0 : index
        %swap3A_549 = tpu.vector_load %arg16[%swap3A_547, %swap3A_548] {strides = array<i32>} : memref<320x256xf32, #tpu.memory_space<vmem>>, vector<16xf32>,
        tpu.vector_store %arg16[%swap3A_547, %swap3A_548], %broadcast_in_dim3A_411 {strides = array<i32>} : memref<320x256xf32, #tpu.memory_space<vmem>>, vector<16xf32>,
        %mul3A_550 = arith.constant 16 : i32
        %mul3A_551 = arith.muli %scan3A_424, %mul3A_550 : i32
        %add3A_552 = arith.constant 10 : i32
        %add3A_553 = arith.addi %mul3A_551, %add3A_552 : i32
        %swap3A_554 = arith.index_cast %add3A_553 : i32 to index
        %swap3A_555 = arith.constant 16 : index
        %swap3A_556 = tpu.vector_load %arg16[%swap3A_554, %swap3A_555] {strides = array<i32>} : memref<320x256xf32, #tpu.memory_space<vmem>>, vector<16xf32>,
        tpu.vector_store %arg16[%swap3A_554, %swap3A_555], %broadcast_in_dim3A_411 {strides = array<i32>} : memref<320x256xf32, #tpu.memory_space<vmem>>, vector<16xf32>,
        %mul3A_557 = arith.constant 16 : i32
        %mul3A_558 = arith.muli %scan3A_424, %mul3A_557 : i32
        %add3A_559 = arith.constant 10 : i32
        %add3A_560 = arith.addi %mul3A_558, %add3A_559 : i32
        %swap3A_561 = arith.index_cast %add3A_560 : i32 to index
        %swap3A_562 = arith.constant 32 : index
        %swap3A_563 = tpu.vector_load %arg16[%swap3A_561, %swap3A_562] {strides = array<i32>} : memref<320x256xf32, #tpu.memory_space<vmem>>, vector<16xf32>,
        tpu.vector_store %arg16[%swap3A_561, %swap3A_562], %broadcast_in_dim3A_411 {strides = array<i32>} : memref<320x256xf32, #tpu.memory_space<vmem>>, vector<16xf32>,
        %mul3A_564 = arith.constant 16 : i32
        %mul3A_565 = arith.muli %scan3A_424, %mul3A_564 : i32
        %add3A_566 = arith.constant 10 : i32
        %add3A_567 = arith.addi %mul3A_565, %add3A_566 : i32
        %swap3A_568 = arith.index_cast %add3A_567 : i32 to index
        %swap3A_569 = arith.constant 48 : index
        %swap3A_570 = tpu.vector_load %arg16[%swap3A_568, %swap3A_569] {strides = array<i32>} : memref<320x256xf32, #tpu.memory_space<vmem>>, vector<16xf32>,
        tpu.vector_store %arg16[%swap3A_568, %swap3A_569], %broadcast_in_dim3A_411 {strides = array<i32>} : memref<320x256xf32, #tpu.memory_space<vmem>>, vector<16xf32>,
        %mul3A_571 = arith.constant 16 : i32
        %mul3A_572 = arith.muli %scan3A_424, %mul3A_571 : i32
        %add3A_573 = arith.constant 10 : i32
        %add3A_574 = arith.addi %mul3A_572, %add3A_573 : i32
        %swap3A_575 = arith.index_cast %add3A_574 : i32 to index
        %swap3A_576 = arith.constant 64 : index
        %swap3A_577 = tpu.vector_load %arg16[%swap3A_575, %swap3A_576] {strides = array<i32>} : memref<320x256xf32, #tpu.memory_space<vmem>>, vector<16xf32>,
        tpu.vector_store %arg16[%swap3A_575, %swap3A_576], %broadcast_in_dim3A_411 {strides = array<i32>} : memref<320x256xf32, #tpu.memory_space<vmem>>, vector<16xf32>,
        %mul3A_578 = arith.constant 16 : i32
        %mul3A_579 = arith.muli %scan3A_424, %mul3A_578 : i32
        %add3A_580 = arith.constant 10 : i32
        %add3A_581 = arith.addi %mul3A_579, %add3A_580 : i32
        %swap3A_582 = arith.index_cast %add3A_581 : i32 to index
        %swap3A_583 = arith.constant 80 : index
        %swap3A_584 = tpu.vector_load %arg16[%swap3A_582, %swap3A_583] {strides = array<i32>} : memref<320x256xf32, #tpu.memory_space<vmem>>, vector<16xf32>,
        tpu.vector_store %arg16[%swap3A_582, %swap3A_583], %broadcast_in_dim3A_411 {strides = array<i32>} : memref<320x256xf32, #tpu.memory_space<vmem>>, vector<16xf32>,
        %mul3A_585 = arith.constant 16 : i32
        %mul3A_586 = arith.muli %scan3A_424, %mul3A_585 : i32
        %add3A_587 = arith.constant 10 : i32
        %add3A_588 = arith.addi %mul3A_586, %add3A_587 : i32
        %swap3A_589 = arith.index_cast %add3A_588 : i32 to index
        %swap3A_590 = arith.constant 96 : index
        %swap3A_591 = tpu.vector_load %arg16[%swap3A_589, %swap3A_590] {strides = array<i32>} : memref<320x256xf32, #tpu.memory_space<vmem>>, vector<16xf32>,
        tpu.vector_store %arg16[%swap3A_589, %swap3A_590], %broadcast_in_dim3A_411 {strides = array<i32>} : memref<320x256xf32, #tpu.memory_space<vmem>>, vector<16xf32>,
        %mul3A_592 = arith.constant 16 : i32
        %mul3A_593 = arith.muli %scan3A_424, %mul3A_592 : i32
        %add3A_594 = arith.constant 10 : i32
        %add3A_595 = arith.addi %mul3A_593, %add3A_594 : i32
        %swap3A_596 = arith.index_cast %add3A_595 : i32 to index
        %swap3A_597 = arith.constant 112 : index
        %swap3A_598 = tpu.vector_load %arg16[%swap3A_596, %swap3A_597] {strides = array<i32>} : memref<320x256xf32, #tpu.memory_space<vmem>>, vector<16xf32>,
        tpu.vector_store %arg16[%swap3A_596, %swap3A_597], %broadcast_in_dim3A_411 {strides = array<i32>} : memref<320x256xf32, #tpu.memory_space<vmem>>, vector<16xf32>,
        %mul3A_599 = arith.constant 16 : i32
        %mul3A_600 = arith.muli %scan3A_424, %mul3A_599 : i32
        %add3A_601 = arith.constant 10 : i32
        %add3A_602 = arith.addi %mul3A_600, %add3A_601 : i32
        %swap3A_603 = arith.index_cast %add3A_602 : i32 to index
        %swap3A_604 = arith.constant 128 : index
        %swap3A_605 = tpu.vector_load %arg16[%swap3A_603, %swap3A_604] {strides = array<i32>} : memref<320x256xf32, #tpu.memory_space<vmem>>, vector<16xf32>,
        tpu.vector_store %arg16[%swap3A_603, %swap3A_604], %broadcast_in_dim3A_411 {strides = array<i32>} : memref<320x256xf32, #tpu.memory_space<vmem>>, vector<16xf32>,
        %mul3A_606 = arith.constant 16 : i32
        %mul3A_607 = arith.muli %scan3A_424, %mul3A_606 : i32
        %add3A_608 = arith.constant 10 : i32
        %add3A_609 = arith.addi %mul3A_607, %add3A_608 : i32
        %swap3A_610 = arith.index_cast %add3A_609 : i32 to index
        %swap3A_611 = arith.constant 144 : index
        %swap3A_612 = tpu.vector_load %arg16[%swap3A_610, %swap3A_611] {strides = array<i32>} : memref<320x256xf32, #tpu.memory_space<vmem>>, vector<16xf32>,
        tpu.vector_store %arg16[%swap3A_610, %swap3A_611], %broadcast_in_dim3A_411 {strides = array<i32>} : memref<320x256xf32, #tpu.memory_space<vmem>>, vector<16xf32>,
        %mul3A_613 = arith.constant 16 : i32
        %mul3A_614 = arith.muli %scan3A_424, %mul3A_613 : i32
        %add3A_615 = arith.constant 10 : i32
        %add3A_616 = arith.addi %mul3A_614, %add3A_615 : i32
        %swap3A_617 = arith.index_cast %add3A_616 : i32 to index
        %swap3A_618 = arith.constant 160 : index
        %swap3A_619 = tpu.vector_load %arg16[%swap3A_617, %swap3A_618] {strides = array<i32>} : memref<320x256xf32, #tpu.memory_space<vmem>>, vector<16xf32>,
        tpu.vector_store %arg16[%swap3A_617, %swap3A_618], %broadcast_in_dim3A_411 {strides = array<i32>} : memref<320x256xf32, #tpu.memory_space<vmem>>, vector<16xf32>,
        %mul3A_620 = arith.constant 16 : i32
        %mul3A_621 = arith.muli %scan3A_424, %mul3A_620 : i32
        %add3A_622 = arith.constant 10 : i32
        %add3A_623 = arith.addi %mul3A_621, %add3A_622 : i32
        %swap3A_624 = arith.index_cast %add3A_623 : i32 to index
        %swap3A_625 = arith.constant 176 : index
        %swap3A_626 = tpu.vector_load %arg16[%swap3A_624, %swap3A_625] {strides = array<i32>} : memref<320x256xf32, #tpu.memory_space<vmem>>, vector<16xf32>,
        tpu.vector_store %arg16[%swap3A_624, %swap3A_625], %broadcast_in_dim3A_411 {strides = array<i32>} : memref<320x256xf32, #tpu.memory_space<vmem>>, vector<16xf32>,
        %mul3A_627 = arith.constant 16 : i32
        %mul3A_628 = arith.muli %scan3A_424, %mul3A_627 : i32
        %add3A_629 = arith.constant 10 : i32
        %add3A_630 = arith.addi %mul3A_628, %add3A_629 : i32
        %swap3A_631 = arith.index_cast %add3A_630 : i32 to index
        %swap3A_632 = arith.constant 192 : index
        %swap3A_633 = tpu.vector_load %arg16[%swap3A_631, %swap3A_632] {strides = array<i32>} : memref<320x256xf32, #tpu.memory_space<vmem>>, vector<16xf32>,
        tpu.vector_store %arg16[%swap3A_631, %swap3A_632], %broadcast_in_dim3A_411 {strides = array<i32>} : memref<320x256xf32, #tpu.memory_space<vmem>>, vector<16xf32>,
        %mul3A_634 = arith.constant 16 : i32
        %mul3A_635 = arith.muli %scan3A_424, %mul3A_634 : i32
        %add3A_636 = arith.constant 10 : i32
        %add3A_637 = arith.addi %mul3A_635, %add3A_636 : i32
        %swap3A_638 = arith.index_cast %add3A_637 : i32 to index
        %swap3A_639 = arith.constant 208 : index
        %swap3A_640 = tpu.vector_load %arg16[%swap3A_638, %swap3A_639] {strides = array<i32>} : memref<320x256xf32, #tpu.memory_space<vmem>>, vector<16xf32>,
        tpu.vector_store %arg16[%swap3A_638, %swap3A_639], %broadcast_in_dim3A_411 {strides = array<i32>} : memref<320x256xf32, #tpu.memory_space<vmem>>, vector<16xf32>,
        %mul3A_641 = arith.constant 16 : i32
        %mul3A_642 = arith.muli %scan3A_424, %mul3A_641 : i32
        %add3A_643 = arith.constant 10 : i32
        %add3A_644 = arith.addi %mul3A_642, %add3A_643 : i32
        %swap3A_645 = arith.index_cast %add3A_644 : i32 to index
        %swap3A_646 = arith.constant 224 : index
        %swap3A_647 = tpu.vector_load %arg16[%swap3A_645, %swap3A_646] {strides = array<i32>} : memref<320x256xf32, #tpu.memory_space<vmem>>, vector<16xf32>,
        tpu.vector_store %arg16[%swap3A_645, %swap3A_646], %broadcast_in_dim3A_411 {strides = array<i32>} : memref<320x256xf32, #tpu.memory_space<vmem>>, vector<16xf32>,
        %mul3A_648 = arith.constant 16 : i32
        %mul3A_649 = arith.muli %scan3A_424, %mul3A_648 : i32
        %add3A_650 = arith.constant 10 : i32
        %add3A_651 = arith.addi %mul3A_649, %add3A_650 : i32
        %swap3A_652 = arith.index_cast %add3A_651 : i32 to index
        %swap3A_653 = arith.constant 240 : index
        %swap3A_654 = tpu.vector_load %arg16[%swap3A_652, %swap3A_653] {strides = array<i32>} : memref<320x256xf32, #tpu.memory_space<vmem>>, vector<16xf32>,
        tpu.vector_store %arg16[%swap3A_652, %swap3A_653], %broadcast_in_dim3A_411 {strides = array<i32>} : memref<320x256xf32, #tpu.memory_space<vmem>>, vector<16xf32>,
      } else {
      }
      %slice3A_508 = vector.extract_strided_slice %convert_element_type3A_432 {offsets = [11], sizes = [1], strides = [1]} : vector<16xi32> to vector<1xi32>
      %squeeze3A_509 = vector.extract %slice3A_508[0] : i32 from vector<1xi32>
      %gt3A_510 = arith.constant 0 : i32
      %gt3A_511 = arith.cmpi sgt, %squeeze3A_509, %gt3A_510 : i32
      %convert_element_type3A_512 = arith.extui %gt3A_511 : i1 to i32
      %cond3A_513 = arith.constant 0 : i32
      %cond3A_514 = arith.cmpi ne, %convert_element_type3A_512, %cond3A_513 : i32
      scf.if %cond3A_514 {
        %mul3A_543 = arith.constant 16 : i32
        %mul3A_544 = arith.muli %scan3A_424, %mul3A_543 : i32
        %add3A_545 = arith.constant 11 : i32
        %add3A_546 = arith.addi %mul3A_544, %add3A_545 : i32
        %swap3A_547 = arith.index_cast %add3A_546 : i32 to index
        %swap3A_548 = arith.constant 0 : index
        %swap3A_549 = tpu.vector_load %arg16[%swap3A_547, %swap3A_548] {strides = array<i32>} : memref<320x256xf32, #tpu.memory_space<vmem>>, vector<16xf32>,
        tpu.vector_store %arg16[%swap3A_547, %swap3A_548], %broadcast_in_dim3A_411 {strides = array<i32>} : memref<320x256xf32, #tpu.memory_space<vmem>>, vector<16xf32>,
        %mul3A_550 = arith.constant 16 : i32
        %mul3A_551 = arith.muli %scan3A_424, %mul3A_550 : i32
        %add3A_552 = arith.constant 11 : i32
        %add3A_553 = arith.addi %mul3A_551, %add3A_552 : i32
        %swap3A_554 = arith.index_cast %add3A_553 : i32 to index
        %swap3A_555 = arith.constant 16 : index
        %swap3A_556 = tpu.vector_load %arg16[%swap3A_554, %swap3A_555] {strides = array<i32>} : memref<320x256xf32, #tpu.memory_space<vmem>>, vector<16xf32>,
        tpu.vector_store %arg16[%swap3A_554, %swap3A_555], %broadcast_in_dim3A_411 {strides = array<i32>} : memref<320x256xf32, #tpu.memory_space<vmem>>, vector<16xf32>,
        %mul3A_557 = arith.constant 16 : i32
        %mul3A_558 = arith.muli %scan3A_424, %mul3A_557 : i32
        %add3A_559 = arith.constant 11 : i32
        %add3A_560 = arith.addi %mul3A_558, %add3A_559 : i32
        %swap3A_561 = arith.index_cast %add3A_560 : i32 to index
        %swap3A_562 = arith.constant 32 : index
        %swap3A_563 = tpu.vector_load %arg16[%swap3A_561, %swap3A_562] {strides = array<i32>} : memref<320x256xf32, #tpu.memory_space<vmem>>, vector<16xf32>,
        tpu.vector_store %arg16[%swap3A_561, %swap3A_562], %broadcast_in_dim3A_411 {strides = array<i32>} : memref<320x256xf32, #tpu.memory_space<vmem>>, vector<16xf32>,
        %mul3A_564 = arith.constant 16 : i32
        %mul3A_565 = arith.muli %scan3A_424, %mul3A_564 : i32
        %add3A_566 = arith.constant 11 : i32
        %add3A_567 = arith.addi %mul3A_565, %add3A_566 : i32
        %swap3A_568 = arith.index_cast %add3A_567 : i32 to index
        %swap3A_569 = arith.constant 48 : index
        %swap3A_570 = tpu.vector_load %arg16[%swap3A_568, %swap3A_569] {strides = array<i32>} : memref<320x256xf32, #tpu.memory_space<vmem>>, vector<16xf32>,
        tpu.vector_store %arg16[%swap3A_568, %swap3A_569], %broadcast_in_dim3A_411 {strides = array<i32>} : memref<320x256xf32, #tpu.memory_space<vmem>>, vector<16xf32>,
        %mul3A_571 = arith.constant 16 : i32
        %mul3A_572 = arith.muli %scan3A_424, %mul3A_571 : i32
        %add3A_573 = arith.constant 11 : i32
        %add3A_574 = arith.addi %mul3A_572, %add3A_573 : i32
        %swap3A_575 = arith.index_cast %add3A_574 : i32 to index
        %swap3A_576 = arith.constant 64 : index
        %swap3A_577 = tpu.vector_load %arg16[%swap3A_575, %swap3A_576] {strides = array<i32>} : memref<320x256xf32, #tpu.memory_space<vmem>>, vector<16xf32>,
        tpu.vector_store %arg16[%swap3A_575, %swap3A_576], %broadcast_in_dim3A_411 {strides = array<i32>} : memref<320x256xf32, #tpu.memory_space<vmem>>, vector<16xf32>,
        %mul3A_578 = arith.constant 16 : i32
        %mul3A_579 = arith.muli %scan3A_424, %mul3A_578 : i32
        %add3A_580 = arith.constant 11 : i32
        %add3A_581 = arith.addi %mul3A_579, %add3A_580 : i32
        %swap3A_582 = arith.index_cast %add3A_581 : i32 to index
        %swap3A_583 = arith.constant 80 : index
        %swap3A_584 = tpu.vector_load %arg16[%swap3A_582, %swap3A_583] {strides = array<i32>} : memref<320x256xf32, #tpu.memory_space<vmem>>, vector<16xf32>,
        tpu.vector_store %arg16[%swap3A_582, %swap3A_583], %broadcast_in_dim3A_411 {strides = array<i32>} : memref<320x256xf32, #tpu.memory_space<vmem>>, vector<16xf32>,
        %mul3A_585 = arith.constant 16 : i32
        %mul3A_586 = arith.muli %scan3A_424, %mul3A_585 : i32
        %add3A_587 = arith.constant 11 : i32
        %add3A_588 = arith.addi %mul3A_586, %add3A_587 : i32
        %swap3A_589 = arith.index_cast %add3A_588 : i32 to index
        %swap3A_590 = arith.constant 96 : index
        %swap3A_591 = tpu.vector_load %arg16[%swap3A_589, %swap3A_590] {strides = array<i32>} : memref<320x256xf32, #tpu.memory_space<vmem>>, vector<16xf32>,
        tpu.vector_store %arg16[%swap3A_589, %swap3A_590], %broadcast_in_dim3A_411 {strides = array<i32>} : memref<320x256xf32, #tpu.memory_space<vmem>>, vector<16xf32>,
        %mul3A_592 = arith.constant 16 : i32
        %mul3A_593 = arith.muli %scan3A_424, %mul3A_592 : i32
        %add3A_594 = arith.constant 11 : i32
        %add3A_595 = arith.addi %mul3A_593, %add3A_594 : i32
        %swap3A_596 = arith.index_cast %add3A_595 : i32 to index
        %swap3A_597 = arith.constant 112 : index
        %swap3A_598 = tpu.vector_load %arg16[%swap3A_596, %swap3A_597] {strides = array<i32>} : memref<320x256xf32, #tpu.memory_space<vmem>>, vector<16xf32>,
        tpu.vector_store %arg16[%swap3A_596, %swap3A_597], %broadcast_in_dim3A_411 {strides = array<i32>} : memref<320x256xf32, #tpu.memory_space<vmem>>, vector<16xf32>,
        %mul3A_599 = arith.constant 16 : i32
        %mul3A_600 = arith.muli %scan3A_424, %mul3A_599 : i32
        %add3A_601 = arith.constant 11 : i32
        %add3A_602 = arith.addi %mul3A_600, %add3A_601 : i32
        %swap3A_603 = arith.index_cast %add3A_602 : i32 to index
        %swap3A_604 = arith.constant 128 : index
        %swap3A_605 = tpu.vector_load %arg16[%swap3A_603, %swap3A_604] {strides = array<i32>} : memref<320x256xf32, #tpu.memory_space<vmem>>, vector<16xf32>,
        tpu.vector_store %arg16[%swap3A_603, %swap3A_604], %broadcast_in_dim3A_411 {strides = array<i32>} : memref<320x256xf32, #tpu.memory_space<vmem>>, vector<16xf32>,
        %mul3A_606 = arith.constant 16 : i32
        %mul3A_607 = arith.muli %scan3A_424, %mul3A_606 : i32
        %add3A_608 = arith.constant 11 : i32
        %add3A_609 = arith.addi %mul3A_607, %add3A_608 : i32
        %swap3A_610 = arith.index_cast %add3A_609 : i32 to index
        %swap3A_611 = arith.constant 144 : index
        %swap3A_612 = tpu.vector_load %arg16[%swap3A_610, %swap3A_611] {strides = array<i32>} : memref<320x256xf32, #tpu.memory_space<vmem>>, vector<16xf32>,
        tpu.vector_store %arg16[%swap3A_610, %swap3A_611], %broadcast_in_dim3A_411 {strides = array<i32>} : memref<320x256xf32, #tpu.memory_space<vmem>>, vector<16xf32>,
        %mul3A_613 = arith.constant 16 : i32
        %mul3A_614 = arith.muli %scan3A_424, %mul3A_613 : i32
        %add3A_615 = arith.constant 11 : i32
        %add3A_616 = arith.addi %mul3A_614, %add3A_615 : i32
        %swap3A_617 = arith.index_cast %add3A_616 : i32 to index
        %swap3A_618 = arith.constant 160 : index
        %swap3A_619 = tpu.vector_load %arg16[%swap3A_617, %swap3A_618] {strides = array<i32>} : memref<320x256xf32, #tpu.memory_space<vmem>>, vector<16xf32>,
        tpu.vector_store %arg16[%swap3A_617, %swap3A_618], %broadcast_in_dim3A_411 {strides = array<i32>} : memref<320x256xf32, #tpu.memory_space<vmem>>, vector<16xf32>,
        %mul3A_620 = arith.constant 16 : i32
        %mul3A_621 = arith.muli %scan3A_424, %mul3A_620 : i32
        %add3A_622 = arith.constant 11 : i32
        %add3A_623 = arith.addi %mul3A_621, %add3A_622 : i32
        %swap3A_624 = arith.index_cast %add3A_623 : i32 to index
        %swap3A_625 = arith.constant 176 : index
        %swap3A_626 = tpu.vector_load %arg16[%swap3A_624, %swap3A_625] {strides = array<i32>} : memref<320x256xf32, #tpu.memory_space<vmem>>, vector<16xf32>,
        tpu.vector_store %arg16[%swap3A_624, %swap3A_625], %broadcast_in_dim3A_411 {strides = array<i32>} : memref<320x256xf32, #tpu.memory_space<vmem>>, vector<16xf32>,
        %mul3A_627 = arith.constant 16 : i32
        %mul3A_628 = arith.muli %scan3A_424, %mul3A_627 : i32
        %add3A_629 = arith.constant 11 : i32
        %add3A_630 = arith.addi %mul3A_628, %add3A_629 : i32
        %swap3A_631 = arith.index_cast %add3A_630 : i32 to index
        %swap3A_632 = arith.constant 192 : index
        %swap3A_633 = tpu.vector_load %arg16[%swap3A_631, %swap3A_632] {strides = array<i32>} : memref<320x256xf32, #tpu.memory_space<vmem>>, vector<16xf32>,
        tpu.vector_store %arg16[%swap3A_631, %swap3A_632], %broadcast_in_dim3A_411 {strides = array<i32>} : memref<320x256xf32, #tpu.memory_space<vmem>>, vector<16xf32>,
        %mul3A_634 = arith.constant 16 : i32
        %mul3A_635 = arith.muli %scan3A_424, %mul3A_634 : i32
        %add3A_636 = arith.constant 11 : i32
        %add3A_637 = arith.addi %mul3A_635, %add3A_636 : i32
        %swap3A_638 = arith.index_cast %add3A_637 : i32 to index
        %swap3A_639 = arith.constant 208 : index
        %swap3A_640 = tpu.vector_load %arg16[%swap3A_638, %swap3A_639] {strides = array<i32>} : memref<320x256xf32, #tpu.memory_space<vmem>>, vector<16xf32>,
        tpu.vector_store %arg16[%swap3A_638, %swap3A_639], %broadcast_in_dim3A_411 {strides = array<i32>} : memref<320x256xf32, #tpu.memory_space<vmem>>, vector<16xf32>,
        %mul3A_641 = arith.constant 16 : i32
        %mul3A_642 = arith.muli %scan3A_424, %mul3A_641 : i32
        %add3A_643 = arith.constant 11 : i32
        %add3A_644 = arith.addi %mul3A_642, %add3A_643 : i32
        %swap3A_645 = arith.index_cast %add3A_644 : i32 to index
        %swap3A_646 = arith.constant 224 : index
        %swap3A_647 = tpu.vector_load %arg16[%swap3A_645, %swap3A_646] {strides = array<i32>} : memref<320x256xf32, #tpu.memory_space<vmem>>, vector<16xf32>,
        tpu.vector_store %arg16[%swap3A_645, %swap3A_646], %broadcast_in_dim3A_411 {strides = array<i32>} : memref<320x256xf32, #tpu.memory_space<vmem>>, vector<16xf32>,
        %mul3A_648 = arith.constant 16 : i32
        %mul3A_649 = arith.muli %scan3A_424, %mul3A_648 : i32
        %add3A_650 = arith.constant 11 : i32
        %add3A_651 = arith.addi %mul3A_649, %add3A_650 : i32
        %swap3A_652 = arith.index_cast %add3A_651 : i32 to index
        %swap3A_653 = arith.constant 240 : index
        %swap3A_654 = tpu.vector_load %arg16[%swap3A_652, %swap3A_653] {strides = array<i32>} : memref<320x256xf32, #tpu.memory_space<vmem>>, vector<16xf32>,
        tpu.vector_store %arg16[%swap3A_652, %swap3A_653], %broadcast_in_dim3A_411 {strides = array<i32>} : memref<320x256xf32, #tpu.memory_space<vmem>>, vector<16xf32>,
      } else {
      }
      %slice3A_515 = vector.extract_strided_slice %convert_element_type3A_432 {offsets = [12], sizes = [1], strides = [1]} : vector<16xi32> to vector<1xi32>
      %squeeze3A_516 = vector.extract %slice3A_515[0] : i32 from vector<1xi32>
      %gt3A_517 = arith.constant 0 : i32
      %gt3A_518 = arith.cmpi sgt, %squeeze3A_516, %gt3A_517 : i32
      %convert_element_type3A_519 = arith.extui %gt3A_518 : i1 to i32
      %cond3A_520 = arith.constant 0 : i32
      %cond3A_521 = arith.cmpi ne, %convert_element_type3A_519, %cond3A_520 : i32
      scf.if %cond3A_521 {
        %mul3A_543 = arith.constant 16 : i32
        %mul3A_544 = arith.muli %scan3A_424, %mul3A_543 : i32
        %add3A_545 = arith.constant 12 : i32
        %add3A_546 = arith.addi %mul3A_544, %add3A_545 : i32
        %swap3A_547 = arith.index_cast %add3A_546 : i32 to index
        %swap3A_548 = arith.constant 0 : index
        %swap3A_549 = tpu.vector_load %arg16[%swap3A_547, %swap3A_548] {strides = array<i32>} : memref<320x256xf32, #tpu.memory_space<vmem>>, vector<16xf32>,
        tpu.vector_store %arg16[%swap3A_547, %swap3A_548], %broadcast_in_dim3A_411 {strides = array<i32>} : memref<320x256xf32, #tpu.memory_space<vmem>>, vector<16xf32>,
        %mul3A_550 = arith.constant 16 : i32
        %mul3A_551 = arith.muli %scan3A_424, %mul3A_550 : i32
        %add3A_552 = arith.constant 12 : i32
        %add3A_553 = arith.addi %mul3A_551, %add3A_552 : i32
        %swap3A_554 = arith.index_cast %add3A_553 : i32 to index
        %swap3A_555 = arith.constant 16 : index
        %swap3A_556 = tpu.vector_load %arg16[%swap3A_554, %swap3A_555] {strides = array<i32>} : memref<320x256xf32, #tpu.memory_space<vmem>>, vector<16xf32>,
        tpu.vector_store %arg16[%swap3A_554, %swap3A_555], %broadcast_in_dim3A_411 {strides = array<i32>} : memref<320x256xf32, #tpu.memory_space<vmem>>, vector<16xf32>,
        %mul3A_557 = arith.constant 16 : i32
        %mul3A_558 = arith.muli %scan3A_424, %mul3A_557 : i32
        %add3A_559 = arith.constant 12 : i32
        %add3A_560 = arith.addi %mul3A_558, %add3A_559 : i32
        %swap3A_561 = arith.index_cast %add3A_560 : i32 to index
        %swap3A_562 = arith.constant 32 : index
        %swap3A_563 = tpu.vector_load %arg16[%swap3A_561, %swap3A_562] {strides = array<i32>} : memref<320x256xf32, #tpu.memory_space<vmem>>, vector<16xf32>,
        tpu.vector_store %arg16[%swap3A_561, %swap3A_562], %broadcast_in_dim3A_411 {strides = array<i32>} : memref<320x256xf32, #tpu.memory_space<vmem>>, vector<16xf32>,
        %mul3A_564 = arith.constant 16 : i32
        %mul3A_565 = arith.muli %scan3A_424, %mul3A_564 : i32
        %add3A_566 = arith.constant 12 : i32
        %add3A_567 = arith.addi %mul3A_565, %add3A_566 : i32
        %swap3A_568 = arith.index_cast %add3A_567 : i32 to index
        %swap3A_569 = arith.constant 48 : index
        %swap3A_570 = tpu.vector_load %arg16[%swap3A_568, %swap3A_569] {strides = array<i32>} : memref<320x256xf32, #tpu.memory_space<vmem>>, vector<16xf32>,
        tpu.vector_store %arg16[%swap3A_568, %swap3A_569], %broadcast_in_dim3A_411 {strides = array<i32>} : memref<320x256xf32, #tpu.memory_space<vmem>>, vector<16xf32>,
        %mul3A_571 = arith.constant 16 : i32
        %mul3A_572 = arith.muli %scan3A_424, %mul3A_571 : i32
        %add3A_573 = arith.constant 12 : i32
        %add3A_574 = arith.addi %mul3A_572, %add3A_573 : i32
        %swap3A_575 = arith.index_cast %add3A_574 : i32 to index
        %swap3A_576 = arith.constant 64 : index
        %swap3A_577 = tpu.vector_load %arg16[%swap3A_575, %swap3A_576] {strides = array<i32>} : memref<320x256xf32, #tpu.memory_space<vmem>>, vector<16xf32>,
        tpu.vector_store %arg16[%swap3A_575, %swap3A_576], %broadcast_in_dim3A_411 {strides = array<i32>} : memref<320x256xf32, #tpu.memory_space<vmem>>, vector<16xf32>,
        %mul3A_578 = arith.constant 16 : i32
        %mul3A_579 = arith.muli %scan3A_424, %mul3A_578 : i32
        %add3A_580 = arith.constant 12 : i32
        %add3A_581 = arith.addi %mul3A_579, %add3A_580 : i32
        %swap3A_582 = arith.index_cast %add3A_581 : i32 to index
        %swap3A_583 = arith.constant 80 : index
        %swap3A_584 = tpu.vector_load %arg16[%swap3A_582, %swap3A_583] {strides = array<i32>} : memref<320x256xf32, #tpu.memory_space<vmem>>, vector<16xf32>,
        tpu.vector_store %arg16[%swap3A_582, %swap3A_583], %broadcast_in_dim3A_411 {strides = array<i32>} : memref<320x256xf32, #tpu.memory_space<vmem>>, vector<16xf32>,
        %mul3A_585 = arith.constant 16 : i32
        %mul3A_586 = arith.muli %scan3A_424, %mul3A_585 : i32
        %add3A_587 = arith.constant 12 : i32
        %add3A_588 = arith.addi %mul3A_586, %add3A_587 : i32
        %swap3A_589 = arith.index_cast %add3A_588 : i32 to index
        %swap3A_590 = arith.constant 96 : index
        %swap3A_591 = tpu.vector_load %arg16[%swap3A_589, %swap3A_590] {strides = array<i32>} : memref<320x256xf32, #tpu.memory_space<vmem>>, vector<16xf32>,
        tpu.vector_store %arg16[%swap3A_589, %swap3A_590], %broadcast_in_dim3A_411 {strides = array<i32>} : memref<320x256xf32, #tpu.memory_space<vmem>>, vector<16xf32>,
        %mul3A_592 = arith.constant 16 : i32
        %mul3A_593 = arith.muli %scan3A_424, %mul3A_592 : i32
        %add3A_594 = arith.constant 12 : i32
        %add3A_595 = arith.addi %mul3A_593, %add3A_594 : i32
        %swap3A_596 = arith.index_cast %add3A_595 : i32 to index
        %swap3A_597 = arith.constant 112 : index
        %swap3A_598 = tpu.vector_load %arg16[%swap3A_596, %swap3A_597] {strides = array<i32>} : memref<320x256xf32, #tpu.memory_space<vmem>>, vector<16xf32>,
        tpu.vector_store %arg16[%swap3A_596, %swap3A_597], %broadcast_in_dim3A_411 {strides = array<i32>} : memref<320x256xf32, #tpu.memory_space<vmem>>, vector<16xf32>,
        %mul3A_599 = arith.constant 16 : i32
        %mul3A_600 = arith.muli %scan3A_424, %mul3A_599 : i32
        %add3A_601 = arith.constant 12 : i32
        %add3A_602 = arith.addi %mul3A_600, %add3A_601 : i32
        %swap3A_603 = arith.index_cast %add3A_602 : i32 to index
        %swap3A_604 = arith.constant 128 : index
        %swap3A_605 = tpu.vector_load %arg16[%swap3A_603, %swap3A_604] {strides = array<i32>} : memref<320x256xf32, #tpu.memory_space<vmem>>, vector<16xf32>,
        tpu.vector_store %arg16[%swap3A_603, %swap3A_604], %broadcast_in_dim3A_411 {strides = array<i32>} : memref<320x256xf32, #tpu.memory_space<vmem>>, vector<16xf32>,
        %mul3A_606 = arith.constant 16 : i32
        %mul3A_607 = arith.muli %scan3A_424, %mul3A_606 : i32
        %add3A_608 = arith.constant 12 : i32
        %add3A_609 = arith.addi %mul3A_607, %add3A_608 : i32
        %swap3A_610 = arith.index_cast %add3A_609 : i32 to index
        %swap3A_611 = arith.constant 144 : index
        %swap3A_612 = tpu.vector_load %arg16[%swap3A_610, %swap3A_611] {strides = array<i32>} : memref<320x256xf32, #tpu.memory_space<vmem>>, vector<16xf32>,
        tpu.vector_store %arg16[%swap3A_610, %swap3A_611], %broadcast_in_dim3A_411 {strides = array<i32>} : memref<320x256xf32, #tpu.memory_space<vmem>>, vector<16xf32>,
        %mul3A_613 = arith.constant 16 : i32
        %mul3A_614 = arith.muli %scan3A_424, %mul3A_613 : i32
        %add3A_615 = arith.constant 12 : i32
        %add3A_616 = arith.addi %mul3A_614, %add3A_615 : i32
        %swap3A_617 = arith.index_cast %add3A_616 : i32 to index
        %swap3A_618 = arith.constant 160 : index
        %swap3A_619 = tpu.vector_load %arg16[%swap3A_617, %swap3A_618] {strides = array<i32>} : memref<320x256xf32, #tpu.memory_space<vmem>>, vector<16xf32>,
        tpu.vector_store %arg16[%swap3A_617, %swap3A_618], %broadcast_in_dim3A_411 {strides = array<i32>} : memref<320x256xf32, #tpu.memory_space<vmem>>, vector<16xf32>,
        %mul3A_620 = arith.constant 16 : i32
        %mul3A_621 = arith.muli %scan3A_424, %mul3A_620 : i32
        %add3A_622 = arith.constant 12 : i32
        %add3A_623 = arith.addi %mul3A_621, %add3A_622 : i32
        %swap3A_624 = arith.index_cast %add3A_623 : i32 to index
        %swap3A_625 = arith.constant 176 : index
        %swap3A_626 = tpu.vector_load %arg16[%swap3A_624, %swap3A_625] {strides = array<i32>} : memref<320x256xf32, #tpu.memory_space<vmem>>, vector<16xf32>,
        tpu.vector_store %arg16[%swap3A_624, %swap3A_625], %broadcast_in_dim3A_411 {strides = array<i32>} : memref<320x256xf32, #tpu.memory_space<vmem>>, vector<16xf32>,
        %mul3A_627 = arith.constant 16 : i32
        %mul3A_628 = arith.muli %scan3A_424, %mul3A_627 : i32
        %add3A_629 = arith.constant 12 : i32
        %add3A_630 = arith.addi %mul3A_628, %add3A_629 : i32
        %swap3A_631 = arith.index_cast %add3A_630 : i32 to index
        %swap3A_632 = arith.constant 192 : index
        %swap3A_633 = tpu.vector_load %arg16[%swap3A_631, %swap3A_632] {strides = array<i32>} : memref<320x256xf32, #tpu.memory_space<vmem>>, vector<16xf32>,
        tpu.vector_store %arg16[%swap3A_631, %swap3A_632], %broadcast_in_dim3A_411 {strides = array<i32>} : memref<320x256xf32, #tpu.memory_space<vmem>>, vector<16xf32>,
        %mul3A_634 = arith.constant 16 : i32
        %mul3A_635 = arith.muli %scan3A_424, %mul3A_634 : i32
        %add3A_636 = arith.constant 12 : i32
        %add3A_637 = arith.addi %mul3A_635, %add3A_636 : i32
        %swap3A_638 = arith.index_cast %add3A_637 : i32 to index
        %swap3A_639 = arith.constant 208 : index
        %swap3A_640 = tpu.vector_load %arg16[%swap3A_638, %swap3A_639] {strides = array<i32>} : memref<320x256xf32, #tpu.memory_space<vmem>>, vector<16xf32>,
        tpu.vector_store %arg16[%swap3A_638, %swap3A_639], %broadcast_in_dim3A_411 {strides = array<i32>} : memref<320x256xf32, #tpu.memory_space<vmem>>, vector<16xf32>,
        %mul3A_641 = arith.constant 16 : i32
        %mul3A_642 = arith.muli %scan3A_424, %mul3A_641 : i32
        %add3A_643 = arith.constant 12 : i32
        %add3A_644 = arith.addi %mul3A_642, %add3A_643 : i32
        %swap3A_645 = arith.index_cast %add3A_644 : i32 to index
        %swap3A_646 = arith.constant 224 : index
        %swap3A_647 = tpu.vector_load %arg16[%swap3A_645, %swap3A_646] {strides = array<i32>} : memref<320x256xf32, #tpu.memory_space<vmem>>, vector<16xf32>,
        tpu.vector_store %arg16[%swap3A_645, %swap3A_646], %broadcast_in_dim3A_411 {strides = array<i32>} : memref<320x256xf32, #tpu.memory_space<vmem>>, vector<16xf32>,
        %mul3A_648 = arith.constant 16 : i32
        %mul3A_649 = arith.muli %scan3A_424, %mul3A_648 : i32
        %add3A_650 = arith.constant 12 : i32
        %add3A_651 = arith.addi %mul3A_649, %add3A_650 : i32
        %swap3A_652 = arith.index_cast %add3A_651 : i32 to index
        %swap3A_653 = arith.constant 240 : index
        %swap3A_654 = tpu.vector_load %arg16[%swap3A_652, %swap3A_653] {strides = array<i32>} : memref<320x256xf32, #tpu.memory_space<vmem>>, vector<16xf32>,
        tpu.vector_store %arg16[%swap3A_652, %swap3A_653], %broadcast_in_dim3A_411 {strides = array<i32>} : memref<320x256xf32, #tpu.memory_space<vmem>>, vector<16xf32>,
      } else {
      }
      %slice3A_522 = vector.extract_strided_slice %convert_element_type3A_432 {offsets = [13], sizes = [1], strides = [1]} : vector<16xi32> to vector<1xi32>
      %squeeze3A_523 = vector.extract %slice3A_522[0] : i32 from vector<1xi32>
      %gt3A_524 = arith.constant 0 : i32
      %gt3A_525 = arith.cmpi sgt, %squeeze3A_523, %gt3A_524 : i32
      %convert_element_type3A_526 = arith.extui %gt3A_525 : i1 to i32
      %cond3A_527 = arith.constant 0 : i32
      %cond3A_528 = arith.cmpi ne, %convert_element_type3A_526, %cond3A_527 : i32
      scf.if %cond3A_528 {
        %mul3A_543 = arith.constant 16 : i32
        %mul3A_544 = arith.muli %scan3A_424, %mul3A_543 : i32
        %add3A_545 = arith.constant 13 : i32
        %add3A_546 = arith.addi %mul3A_544, %add3A_545 : i32
        %swap3A_547 = arith.index_cast %add3A_546 : i32 to index
        %swap3A_548 = arith.constant 0 : index
        %swap3A_549 = tpu.vector_load %arg16[%swap3A_547, %swap3A_548] {strides = array<i32>} : memref<320x256xf32, #tpu.memory_space<vmem>>, vector<16xf32>,
        tpu.vector_store %arg16[%swap3A_547, %swap3A_548], %broadcast_in_dim3A_411 {strides = array<i32>} : memref<320x256xf32, #tpu.memory_space<vmem>>, vector<16xf32>,
        %mul3A_550 = arith.constant 16 : i32
        %mul3A_551 = arith.muli %scan3A_424, %mul3A_550 : i32
        %add3A_552 = arith.constant 13 : i32
        %add3A_553 = arith.addi %mul3A_551, %add3A_552 : i32
        %swap3A_554 = arith.index_cast %add3A_553 : i32 to index
        %swap3A_555 = arith.constant 16 : index
        %swap3A_556 = tpu.vector_load %arg16[%swap3A_554, %swap3A_555] {strides = array<i32>} : memref<320x256xf32, #tpu.memory_space<vmem>>, vector<16xf32>,
        tpu.vector_store %arg16[%swap3A_554, %swap3A_555], %broadcast_in_dim3A_411 {strides = array<i32>} : memref<320x256xf32, #tpu.memory_space<vmem>>, vector<16xf32>,
        %mul3A_557 = arith.constant 16 : i32
        %mul3A_558 = arith.muli %scan3A_424, %mul3A_557 : i32
        %add3A_559 = arith.constant 13 : i32
        %add3A_560 = arith.addi %mul3A_558, %add3A_559 : i32
        %swap3A_561 = arith.index_cast %add3A_560 : i32 to index
        %swap3A_562 = arith.constant 32 : index
        %swap3A_563 = tpu.vector_load %arg16[%swap3A_561, %swap3A_562] {strides = array<i32>} : memref<320x256xf32, #tpu.memory_space<vmem>>, vector<16xf32>,
        tpu.vector_store %arg16[%swap3A_561, %swap3A_562], %broadcast_in_dim3A_411 {strides = array<i32>} : memref<320x256xf32, #tpu.memory_space<vmem>>, vector<16xf32>,
        %mul3A_564 = arith.constant 16 : i32
        %mul3A_565 = arith.muli %scan3A_424, %mul3A_564 : i32
        %add3A_566 = arith.constant 13 : i32
        %add3A_567 = arith.addi %mul3A_565, %add3A_566 : i32
        %swap3A_568 = arith.index_cast %add3A_567 : i32 to index
        %swap3A_569 = arith.constant 48 : index
        %swap3A_570 = tpu.vector_load %arg16[%swap3A_568, %swap3A_569] {strides = array<i32>} : memref<320x256xf32, #tpu.memory_space<vmem>>, vector<16xf32>,
        tpu.vector_store %arg16[%swap3A_568, %swap3A_569], %broadcast_in_dim3A_411 {strides = array<i32>} : memref<320x256xf32, #tpu.memory_space<vmem>>, vector<16xf32>,
        %mul3A_571 = arith.constant 16 : i32
        %mul3A_572 = arith.muli %scan3A_424, %mul3A_571 : i32
        %add3A_573 = arith.constant 13 : i32
        %add3A_574 = arith.addi %mul3A_572, %add3A_573 : i32
        %swap3A_575 = arith.index_cast %add3A_574 : i32 to index
        %swap3A_576 = arith.constant 64 : index
        %swap3A_577 = tpu.vector_load %arg16[%swap3A_575, %swap3A_576] {strides = array<i32>} : memref<320x256xf32, #tpu.memory_space<vmem>>, vector<16xf32>,
        tpu.vector_store %arg16[%swap3A_575, %swap3A_576], %broadcast_in_dim3A_411 {strides = array<i32>} : memref<320x256xf32, #tpu.memory_space<vmem>>, vector<16xf32>,
        %mul3A_578 = arith.constant 16 : i32
        %mul3A_579 = arith.muli %scan3A_424, %mul3A_578 : i32
        %add3A_580 = arith.constant 13 : i32
        %add3A_581 = arith.addi %mul3A_579, %add3A_580 : i32
        %swap3A_582 = arith.index_cast %add3A_581 : i32 to index
        %swap3A_583 = arith.constant 80 : index
        %swap3A_584 = tpu.vector_load %arg16[%swap3A_582, %swap3A_583] {strides = array<i32>} : memref<320x256xf32, #tpu.memory_space<vmem>>, vector<16xf32>,
        tpu.vector_store %arg16[%swap3A_582, %swap3A_583], %broadcast_in_dim3A_411 {strides = array<i32>} : memref<320x256xf32, #tpu.memory_space<vmem>>, vector<16xf32>,
        %mul3A_585 = arith.constant 16 : i32
        %mul3A_586 = arith.muli %scan3A_424, %mul3A_585 : i32
        %add3A_587 = arith.constant 13 : i32
        %add3A_588 = arith.addi %mul3A_586, %add3A_587 : i32
        %swap3A_589 = arith.index_cast %add3A_588 : i32 to index
        %swap3A_590 = arith.constant 96 : index
        %swap3A_591 = tpu.vector_load %arg16[%swap3A_589, %swap3A_590] {strides = array<i32>} : memref<320x256xf32, #tpu.memory_space<vmem>>, vector<16xf32>,
        tpu.vector_store %arg16[%swap3A_589, %swap3A_590], %broadcast_in_dim3A_411 {strides = array<i32>} : memref<320x256xf32, #tpu.memory_space<vmem>>, vector<16xf32>,
        %mul3A_592 = arith.constant 16 : i32
        %mul3A_593 = arith.muli %scan3A_424, %mul3A_592 : i32
        %add3A_594 = arith.constant 13 : i32
        %add3A_595 = arith.addi %mul3A_593, %add3A_594 : i32
        %swap3A_596 = arith.index_cast %add3A_595 : i32 to index
        %swap3A_597 = arith.constant 112 : index
        %swap3A_598 = tpu.vector_load %arg16[%swap3A_596, %swap3A_597] {strides = array<i32>} : memref<320x256xf32, #tpu.memory_space<vmem>>, vector<16xf32>,
        tpu.vector_store %arg16[%swap3A_596, %swap3A_597], %broadcast_in_dim3A_411 {strides = array<i32>} : memref<320x256xf32, #tpu.memory_space<vmem>>, vector<16xf32>,
        %mul3A_599 = arith.constant 16 : i32
        %mul3A_600 = arith.muli %scan3A_424, %mul3A_599 : i32
        %add3A_601 = arith.constant 13 : i32
        %add3A_602 = arith.addi %mul3A_600, %add3A_601 : i32
        %swap3A_603 = arith.index_cast %add3A_602 : i32 to index
        %swap3A_604 = arith.constant 128 : index
        %swap3A_605 = tpu.vector_load %arg16[%swap3A_603, %swap3A_604] {strides = array<i32>} : memref<320x256xf32, #tpu.memory_space<vmem>>, vector<16xf32>,
        tpu.vector_store %arg16[%swap3A_603, %swap3A_604], %broadcast_in_dim3A_411 {strides = array<i32>} : memref<320x256xf32, #tpu.memory_space<vmem>>, vector<16xf32>,
        %mul3A_606 = arith.constant 16 : i32
        %mul3A_607 = arith.muli %scan3A_424, %mul3A_606 : i32
        %add3A_608 = arith.constant 13 : i32
        %add3A_609 = arith.addi %mul3A_607, %add3A_608 : i32
        %swap3A_610 = arith.index_cast %add3A_609 : i32 to index
        %swap3A_611 = arith.constant 144 : index
        %swap3A_612 = tpu.vector_load %arg16[%swap3A_610, %swap3A_611] {strides = array<i32>} : memref<320x256xf32, #tpu.memory_space<vmem>>, vector<16xf32>,
        tpu.vector_store %arg16[%swap3A_610, %swap3A_611], %broadcast_in_dim3A_411 {strides = array<i32>} : memref<320x256xf32, #tpu.memory_space<vmem>>, vector<16xf32>,
        %mul3A_613 = arith.constant 16 : i32
        %mul3A_614 = arith.muli %scan3A_424, %mul3A_613 : i32
        %add3A_615 = arith.constant 13 : i32
        %add3A_616 = arith.addi %mul3A_614, %add3A_615 : i32
        %swap3A_617 = arith.index_cast %add3A_616 : i32 to index
        %swap3A_618 = arith.constant 160 : index
        %swap3A_619 = tpu.vector_load %arg16[%swap3A_617, %swap3A_618] {strides = array<i32>} : memref<320x256xf32, #tpu.memory_space<vmem>>, vector<16xf32>,
        tpu.vector_store %arg16[%swap3A_617, %swap3A_618], %broadcast_in_dim3A_411 {strides = array<i32>} : memref<320x256xf32, #tpu.memory_space<vmem>>, vector<16xf32>,
        %mul3A_620 = arith.constant 16 : i32
        %mul3A_621 = arith.muli %scan3A_424, %mul3A_620 : i32
        %add3A_622 = arith.constant 13 : i32
        %add3A_623 = arith.addi %mul3A_621, %add3A_622 : i32
        %swap3A_624 = arith.index_cast %add3A_623 : i32 to index
        %swap3A_625 = arith.constant 176 : index
        %swap3A_626 = tpu.vector_load %arg16[%swap3A_624, %swap3A_625] {strides = array<i32>} : memref<320x256xf32, #tpu.memory_space<vmem>>, vector<16xf32>,
        tpu.vector_store %arg16[%swap3A_624, %swap3A_625], %broadcast_in_dim3A_411 {strides = array<i32>} : memref<320x256xf32, #tpu.memory_space<vmem>>, vector<16xf32>,
        %mul3A_627 = arith.constant 16 : i32
        %mul3A_628 = arith.muli %scan3A_424, %mul3A_627 : i32
        %add3A_629 = arith.constant 13 : i32
        %add3A_630 = arith.addi %mul3A_628, %add3A_629 : i32
        %swap3A_631 = arith.index_cast %add3A_630 : i32 to index
        %swap3A_632 = arith.constant 192 : index
        %swap3A_633 = tpu.vector_load %arg16[%swap3A_631, %swap3A_632] {strides = array<i32>} : memref<320x256xf32, #tpu.memory_space<vmem>>, vector<16xf32>,
        tpu.vector_store %arg16[%swap3A_631, %swap3A_632], %broadcast_in_dim3A_411 {strides = array<i32>} : memref<320x256xf32, #tpu.memory_space<vmem>>, vector<16xf32>,
        %mul3A_634 = arith.constant 16 : i32
        %mul3A_635 = arith.muli %scan3A_424, %mul3A_634 : i32
        %add3A_636 = arith.constant 13 : i32
        %add3A_637 = arith.addi %mul3A_635, %add3A_636 : i32
        %swap3A_638 = arith.index_cast %add3A_637 : i32 to index
        %swap3A_639 = arith.constant 208 : index
        %swap3A_640 = tpu.vector_load %arg16[%swap3A_638, %swap3A_639] {strides = array<i32>} : memref<320x256xf32, #tpu.memory_space<vmem>>, vector<16xf32>,
        tpu.vector_store %arg16[%swap3A_638, %swap3A_639], %broadcast_in_dim3A_411 {strides = array<i32>} : memref<320x256xf32, #tpu.memory_space<vmem>>, vector<16xf32>,
        %mul3A_641 = arith.constant 16 : i32
        %mul3A_642 = arith.muli %scan3A_424, %mul3A_641 : i32
        %add3A_643 = arith.constant 13 : i32
        %add3A_644 = arith.addi %mul3A_642, %add3A_643 : i32
        %swap3A_645 = arith.index_cast %add3A_644 : i32 to index
        %swap3A_646 = arith.constant 224 : index
        %swap3A_647 = tpu.vector_load %arg16[%swap3A_645, %swap3A_646] {strides = array<i32>} : memref<320x256xf32, #tpu.memory_space<vmem>>, vector<16xf32>,
        tpu.vector_store %arg16[%swap3A_645, %swap3A_646], %broadcast_in_dim3A_411 {strides = array<i32>} : memref<320x256xf32, #tpu.memory_space<vmem>>, vector<16xf32>,
        %mul3A_648 = arith.constant 16 : i32
        %mul3A_649 = arith.muli %scan3A_424, %mul3A_648 : i32
        %add3A_650 = arith.constant 13 : i32
        %add3A_651 = arith.addi %mul3A_649, %add3A_650 : i32
        %swap3A_652 = arith.index_cast %add3A_651 : i32 to index
        %swap3A_653 = arith.constant 240 : index
        %swap3A_654 = tpu.vector_load %arg16[%swap3A_652, %swap3A_653] {strides = array<i32>} : memref<320x256xf32, #tpu.memory_space<vmem>>, vector<16xf32>,
        tpu.vector_store %arg16[%swap3A_652, %swap3A_653], %broadcast_in_dim3A_411 {strides = array<i32>} : memref<320x256xf32, #tpu.memory_space<vmem>>, vector<16xf32>,
      } else {
      }
      %slice3A_529 = vector.extract_strided_slice %convert_element_type3A_432 {offsets = [14], sizes = [1], strides = [1]} : vector<16xi32> to vector<1xi32>
      %squeeze3A_530 = vector.extract %slice3A_529[0] : i32 from vector<1xi32>
      %gt3A_531 = arith.constant 0 : i32
      %gt3A_532 = arith.cmpi sgt, %squeeze3A_530, %gt3A_531 : i32
      %convert_element_type3A_533 = arith.extui %gt3A_532 : i1 to i32
      %cond3A_534 = arith.constant 0 : i32
      %cond3A_535 = arith.cmpi ne, %convert_element_type3A_533, %cond3A_534 : i32
      scf.if %cond3A_535 {
        %mul3A_543 = arith.constant 16 : i32
        %mul3A_544 = arith.muli %scan3A_424, %mul3A_543 : i32
        %add3A_545 = arith.constant 14 : i32
        %add3A_546 = arith.addi %mul3A_544, %add3A_545 : i32
        %swap3A_547 = arith.index_cast %add3A_546 : i32 to index
        %swap3A_548 = arith.constant 0 : index
        %swap3A_549 = tpu.vector_load %arg16[%swap3A_547, %swap3A_548] {strides = array<i32>} : memref<320x256xf32, #tpu.memory_space<vmem>>, vector<16xf32>,
        tpu.vector_store %arg16[%swap3A_547, %swap3A_548], %broadcast_in_dim3A_411 {strides = array<i32>} : memref<320x256xf32, #tpu.memory_space<vmem>>, vector<16xf32>,
        %mul3A_550 = arith.constant 16 : i32
        %mul3A_551 = arith.muli %scan3A_424, %mul3A_550 : i32
        %add3A_552 = arith.constant 14 : i32
        %add3A_553 = arith.addi %mul3A_551, %add3A_552 : i32
        %swap3A_554 = arith.index_cast %add3A_553 : i32 to index
        %swap3A_555 = arith.constant 16 : index
        %swap3A_556 = tpu.vector_load %arg16[%swap3A_554, %swap3A_555] {strides = array<i32>} : memref<320x256xf32, #tpu.memory_space<vmem>>, vector<16xf32>,
        tpu.vector_store %arg16[%swap3A_554, %swap3A_555], %broadcast_in_dim3A_411 {strides = array<i32>} : memref<320x256xf32, #tpu.memory_space<vmem>>, vector<16xf32>,
        %mul3A_557 = arith.constant 16 : i32
        %mul3A_558 = arith.muli %scan3A_424, %mul3A_557 : i32
        %add3A_559 = arith.constant 14 : i32
        %add3A_560 = arith.addi %mul3A_558, %add3A_559 : i32
        %swap3A_561 = arith.index_cast %add3A_560 : i32 to index
        %swap3A_562 = arith.constant 32 : index
        %swap3A_563 = tpu.vector_load %arg16[%swap3A_561, %swap3A_562] {strides = array<i32>} : memref<320x256xf32, #tpu.memory_space<vmem>>, vector<16xf32>,
        tpu.vector_store %arg16[%swap3A_561, %swap3A_562], %broadcast_in_dim3A_411 {strides = array<i32>} : memref<320x256xf32, #tpu.memory_space<vmem>>, vector<16xf32>,
        %mul3A_564 = arith.constant 16 : i32
        %mul3A_565 = arith.muli %scan3A_424, %mul3A_564 : i32
        %add3A_566 = arith.constant 14 : i32
        %add3A_567 = arith.addi %mul3A_565, %add3A_566 : i32
        %swap3A_568 = arith.index_cast %add3A_567 : i32 to index
        %swap3A_569 = arith.constant 48 : index
        %swap3A_570 = tpu.vector_load %arg16[%swap3A_568, %swap3A_569] {strides = array<i32>} : memref<320x256xf32, #tpu.memory_space<vmem>>, vector<16xf32>,
        tpu.vector_store %arg16[%swap3A_568, %swap3A_569], %broadcast_in_dim3A_411 {strides = array<i32>} : memref<320x256xf32, #tpu.memory_space<vmem>>, vector<16xf32>,
        %mul3A_571 = arith.constant 16 : i32
        %mul3A_572 = arith.muli %scan3A_424, %mul3A_571 : i32
        %add3A_573 = arith.constant 14 : i32
        %add3A_574 = arith.addi %mul3A_572, %add3A_573 : i32
        %swap3A_575 = arith.index_cast %add3A_574 : i32 to index
        %swap3A_576 = arith.constant 64 : index
        %swap3A_577 = tpu.vector_load %arg16[%swap3A_575, %swap3A_576] {strides = array<i32>} : memref<320x256xf32, #tpu.memory_space<vmem>>, vector<16xf32>,
        tpu.vector_store %arg16[%swap3A_575, %swap3A_576], %broadcast_in_dim3A_411 {strides = array<i32>} : memref<320x256xf32, #tpu.memory_space<vmem>>, vector<16xf32>,
        %mul3A_578 = arith.constant 16 : i32
        %mul3A_579 = arith.muli %scan3A_424, %mul3A_578 : i32
        %add3A_580 = arith.constant 14 : i32
        %add3A_581 = arith.addi %mul3A_579, %add3A_580 : i32
        %swap3A_582 = arith.index_cast %add3A_581 : i32 to index
        %swap3A_583 = arith.constant 80 : index
        %swap3A_584 = tpu.vector_load %arg16[%swap3A_582, %swap3A_583] {strides = array<i32>} : memref<320x256xf32, #tpu.memory_space<vmem>>, vector<16xf32>,
        tpu.vector_store %arg16[%swap3A_582, %swap3A_583], %broadcast_in_dim3A_411 {strides = array<i32>} : memref<320x256xf32, #tpu.memory_space<vmem>>, vector<16xf32>,
        %mul3A_585 = arith.constant 16 : i32
        %mul3A_586 = arith.muli %scan3A_424, %mul3A_585 : i32
        %add3A_587 = arith.constant 14 : i32
        %add3A_588 = arith.addi %mul3A_586, %add3A_587 : i32
        %swap3A_589 = arith.index_cast %add3A_588 : i32 to index
        %swap3A_590 = arith.constant 96 : index
        %swap3A_591 = tpu.vector_load %arg16[%swap3A_589, %swap3A_590] {strides = array<i32>} : memref<320x256xf32, #tpu.memory_space<vmem>>, vector<16xf32>,
        tpu.vector_store %arg16[%swap3A_589, %swap3A_590], %broadcast_in_dim3A_411 {strides = array<i32>} : memref<320x256xf32, #tpu.memory_space<vmem>>, vector<16xf32>,
        %mul3A_592 = arith.constant 16 : i32
        %mul3A_593 = arith.muli %scan3A_424, %mul3A_592 : i32
        %add3A_594 = arith.constant 14 : i32
        %add3A_595 = arith.addi %mul3A_593, %add3A_594 : i32
        %swap3A_596 = arith.index_cast %add3A_595 : i32 to index
        %swap3A_597 = arith.constant 112 : index
        %swap3A_598 = tpu.vector_load %arg16[%swap3A_596, %swap3A_597] {strides = array<i32>} : memref<320x256xf32, #tpu.memory_space<vmem>>, vector<16xf32>,
        tpu.vector_store %arg16[%swap3A_596, %swap3A_597], %broadcast_in_dim3A_411 {strides = array<i32>} : memref<320x256xf32, #tpu.memory_space<vmem>>, vector<16xf32>,
        %mul3A_599 = arith.constant 16 : i32
        %mul3A_600 = arith.muli %scan3A_424, %mul3A_599 : i32
        %add3A_601 = arith.constant 14 : i32
        %add3A_602 = arith.addi %mul3A_600, %add3A_601 : i32
        %swap3A_603 = arith.index_cast %add3A_602 : i32 to index
        %swap3A_604 = arith.constant 128 : index
        %swap3A_605 = tpu.vector_load %arg16[%swap3A_603, %swap3A_604] {strides = array<i32>} : memref<320x256xf32, #tpu.memory_space<vmem>>, vector<16xf32>,
        tpu.vector_store %arg16[%swap3A_603, %swap3A_604], %broadcast_in_dim3A_411 {strides = array<i32>} : memref<320x256xf32, #tpu.memory_space<vmem>>, vector<16xf32>,
        %mul3A_606 = arith.constant 16 : i32
        %mul3A_607 = arith.muli %scan3A_424, %mul3A_606 : i32
        %add3A_608 = arith.constant 14 : i32
        %add3A_609 = arith.addi %mul3A_607, %add3A_608 : i32
        %swap3A_610 = arith.index_cast %add3A_609 : i32 to index
        %swap3A_611 = arith.constant 144 : index
        %swap3A_612 = tpu.vector_load %arg16[%swap3A_610, %swap3A_611] {strides = array<i32>} : memref<320x256xf32, #tpu.memory_space<vmem>>, vector<16xf32>,
        tpu.vector_store %arg16[%swap3A_610, %swap3A_611], %broadcast_in_dim3A_411 {strides = array<i32>} : memref<320x256xf32, #tpu.memory_space<vmem>>, vector<16xf32>,
        %mul3A_613 = arith.constant 16 : i32
        %mul3A_614 = arith.muli %scan3A_424, %mul3A_613 : i32
        %add3A_615 = arith.constant 14 : i32
        %add3A_616 = arith.addi %mul3A_614, %add3A_615 : i32
        %swap3A_617 = arith.index_cast %add3A_616 : i32 to index
        %swap3A_618 = arith.constant 160 : index
        %swap3A_619 = tpu.vector_load %arg16[%swap3A_617, %swap3A_618] {strides = array<i32>} : memref<320x256xf32, #tpu.memory_space<vmem>>, vector<16xf32>,
        tpu.vector_store %arg16[%swap3A_617, %swap3A_618], %broadcast_in_dim3A_411 {strides = array<i32>} : memref<320x256xf32, #tpu.memory_space<vmem>>, vector<16xf32>,
        %mul3A_620 = arith.constant 16 : i32
        %mul3A_621 = arith.muli %scan3A_424, %mul3A_620 : i32
        %add3A_622 = arith.constant 14 : i32
        %add3A_623 = arith.addi %mul3A_621, %add3A_622 : i32
        %swap3A_624 = arith.index_cast %add3A_623 : i32 to index
        %swap3A_625 = arith.constant 176 : index
        %swap3A_626 = tpu.vector_load %arg16[%swap3A_624, %swap3A_625] {strides = array<i32>} : memref<320x256xf32, #tpu.memory_space<vmem>>, vector<16xf32>,
        tpu.vector_store %arg16[%swap3A_624, %swap3A_625], %broadcast_in_dim3A_411 {strides = array<i32>} : memref<320x256xf32, #tpu.memory_space<vmem>>, vector<16xf32>,
        %mul3A_627 = arith.constant 16 : i32
        %mul3A_628 = arith.muli %scan3A_424, %mul3A_627 : i32
        %add3A_629 = arith.constant 14 : i32
        %add3A_630 = arith.addi %mul3A_628, %add3A_629 : i32
        %swap3A_631 = arith.index_cast %add3A_630 : i32 to index
        %swap3A_632 = arith.constant 192 : index
        %swap3A_633 = tpu.vector_load %arg16[%swap3A_631, %swap3A_632] {strides = array<i32>} : memref<320x256xf32, #tpu.memory_space<vmem>>, vector<16xf32>,
        tpu.vector_store %arg16[%swap3A_631, %swap3A_632], %broadcast_in_dim3A_411 {strides = array<i32>} : memref<320x256xf32, #tpu.memory_space<vmem>>, vector<16xf32>,
        %mul3A_634 = arith.constant 16 : i32
        %mul3A_635 = arith.muli %scan3A_424, %mul3A_634 : i32
        %add3A_636 = arith.constant 14 : i32
        %add3A_637 = arith.addi %mul3A_635, %add3A_636 : i32
        %swap3A_638 = arith.index_cast %add3A_637 : i32 to index
        %swap3A_639 = arith.constant 208 : index
        %swap3A_640 = tpu.vector_load %arg16[%swap3A_638, %swap3A_639] {strides = array<i32>} : memref<320x256xf32, #tpu.memory_space<vmem>>, vector<16xf32>,
        tpu.vector_store %arg16[%swap3A_638, %swap3A_639], %broadcast_in_dim3A_411 {strides = array<i32>} : memref<320x256xf32, #tpu.memory_space<vmem>>, vector<16xf32>,
        %mul3A_641 = arith.constant 16 : i32
        %mul3A_642 = arith.muli %scan3A_424, %mul3A_641 : i32
        %add3A_643 = arith.constant 14 : i32
        %add3A_644 = arith.addi %mul3A_642, %add3A_643 : i32
        %swap3A_645 = arith.index_cast %add3A_644 : i32 to index
        %swap3A_646 = arith.constant 224 : index
        %swap3A_647 = tpu.vector_load %arg16[%swap3A_645, %swap3A_646] {strides = array<i32>} : memref<320x256xf32, #tpu.memory_space<vmem>>, vector<16xf32>,
        tpu.vector_store %arg16[%swap3A_645, %swap3A_646], %broadcast_in_dim3A_411 {strides = array<i32>} : memref<320x256xf32, #tpu.memory_space<vmem>>, vector<16xf32>,
        %mul3A_648 = arith.constant 16 : i32
        %mul3A_649 = arith.muli %scan3A_424, %mul3A_648 : i32
        %add3A_650 = arith.constant 14 : i32
        %add3A_651 = arith.addi %mul3A_649, %add3A_650 : i32
        %swap3A_652 = arith.index_cast %add3A_651 : i32 to index
        %swap3A_653 = arith.constant 240 : index
        %swap3A_654 = tpu.vector_load %arg16[%swap3A_652, %swap3A_653] {strides = array<i32>} : memref<320x256xf32, #tpu.memory_space<vmem>>, vector<16xf32>,
        tpu.vector_store %arg16[%swap3A_652, %swap3A_653], %broadcast_in_dim3A_411 {strides = array<i32>} : memref<320x256xf32, #tpu.memory_space<vmem>>, vector<16xf32>,
      } else {
      }
      %slice3A_536 = vector.extract_strided_slice %convert_element_type3A_432 {offsets = [15], sizes = [1], strides = [1]} : vector<16xi32> to vector<1xi32>
      %squeeze3A_537 = vector.extract %slice3A_536[0] : i32 from vector<1xi32>
      %gt3A_538 = arith.constant 0 : i32
      %gt3A_539 = arith.cmpi sgt, %squeeze3A_537, %gt3A_538 : i32
      %convert_element_type3A_540 = arith.extui %gt3A_539 : i1 to i32
      %cond3A_541 = arith.constant 0 : i32
      %cond3A_542 = arith.cmpi ne, %convert_element_type3A_540, %cond3A_541 : i32
      scf.if %cond3A_542 {
        %mul3A_543 = arith.constant 16 : i32
        %mul3A_544 = arith.muli %scan3A_424, %mul3A_543 : i32
        %add3A_545 = arith.constant 15 : i32
        %add3A_546 = arith.addi %mul3A_544, %add3A_545 : i32
        %swap3A_547 = arith.index_cast %add3A_546 : i32 to index
        %swap3A_548 = arith.constant 0 : index
        %swap3A_549 = tpu.vector_load %arg16[%swap3A_547, %swap3A_548] {strides = array<i32>} : memref<320x256xf32, #tpu.memory_space<vmem>>, vector<16xf32>,
        tpu.vector_store %arg16[%swap3A_547, %swap3A_548], %broadcast_in_dim3A_411 {strides = array<i32>} : memref<320x256xf32, #tpu.memory_space<vmem>>, vector<16xf32>,
        %mul3A_550 = arith.constant 16 : i32
        %mul3A_551 = arith.muli %scan3A_424, %mul3A_550 : i32
        %add3A_552 = arith.constant 15 : i32
        %add3A_553 = arith.addi %mul3A_551, %add3A_552 : i32
        %swap3A_554 = arith.index_cast %add3A_553 : i32 to index
        %swap3A_555 = arith.constant 16 : index
        %swap3A_556 = tpu.vector_load %arg16[%swap3A_554, %swap3A_555] {strides = array<i32>} : memref<320x256xf32, #tpu.memory_space<vmem>>, vector<16xf32>,
        tpu.vector_store %arg16[%swap3A_554, %swap3A_555], %broadcast_in_dim3A_411 {strides = array<i32>} : memref<320x256xf32, #tpu.memory_space<vmem>>, vector<16xf32>,
        %mul3A_557 = arith.constant 16 : i32
        %mul3A_558 = arith.muli %scan3A_424, %mul3A_557 : i32
        %add3A_559 = arith.constant 15 : i32
        %add3A_560 = arith.addi %mul3A_558, %add3A_559 : i32
        %swap3A_561 = arith.index_cast %add3A_560 : i32 to index
        %swap3A_562 = arith.constant 32 : index
        %swap3A_563 = tpu.vector_load %arg16[%swap3A_561, %swap3A_562] {strides = array<i32>} : memref<320x256xf32, #tpu.memory_space<vmem>>, vector<16xf32>,
        tpu.vector_store %arg16[%swap3A_561, %swap3A_562], %broadcast_in_dim3A_411 {strides = array<i32>} : memref<320x256xf32, #tpu.memory_space<vmem>>, vector<16xf32>,
        %mul3A_564 = arith.constant 16 : i32
        %mul3A_565 = arith.muli %scan3A_424, %mul3A_564 : i32
        %add3A_566 = arith.constant 15 : i32
        %add3A_567 = arith.addi %mul3A_565, %add3A_566 : i32
        %swap3A_568 = arith.index_cast %add3A_567 : i32 to index
        %swap3A_569 = arith.constant 48 : index
        %swap3A_570 = tpu.vector_load %arg16[%swap3A_568, %swap3A_569] {strides = array<i32>} : memref<320x256xf32, #tpu.memory_space<vmem>>, vector<16xf32>,
        tpu.vector_store %arg16[%swap3A_568, %swap3A_569], %broadcast_in_dim3A_411 {strides = array<i32>} : memref<320x256xf32, #tpu.memory_space<vmem>>, vector<16xf32>,
        %mul3A_571 = arith.constant 16 : i32
        %mul3A_572 = arith.muli %scan3A_424, %mul3A_571 : i32
        %add3A_573 = arith.constant 15 : i32
        %add3A_574 = arith.addi %mul3A_572, %add3A_573 : i32
        %swap3A_575 = arith.index_cast %add3A_574 : i32 to index
        %swap3A_576 = arith.constant 64 : index
        %swap3A_577 = tpu.vector_load %arg16[%swap3A_575, %swap3A_576] {strides = array<i32>} : memref<320x256xf32, #tpu.memory_space<vmem>>, vector<16xf32>,
        tpu.vector_store %arg16[%swap3A_575, %swap3A_576], %broadcast_in_dim3A_411 {strides = array<i32>} : memref<320x256xf32, #tpu.memory_space<vmem>>, vector<16xf32>,
        %mul3A_578 = arith.constant 16 : i32
        %mul3A_579 = arith.muli %scan3A_424, %mul3A_578 : i32
        %add3A_580 = arith.constant 15 : i32
        %add3A_581 = arith.addi %mul3A_579, %add3A_580 : i32
        %swap3A_582 = arith.index_cast %add3A_581 : i32 to index
        %swap3A_583 = arith.constant 80 : index
        %swap3A_584 = tpu.vector_load %arg16[%swap3A_582, %swap3A_583] {strides = array<i32>} : memref<320x256xf32, #tpu.memory_space<vmem>>, vector<16xf32>,
        tpu.vector_store %arg16[%swap3A_582, %swap3A_583], %broadcast_in_dim3A_411 {strides = array<i32>} : memref<320x256xf32, #tpu.memory_space<vmem>>, vector<16xf32>,
        %mul3A_585 = arith.constant 16 : i32
        %mul3A_586 = arith.muli %scan3A_424, %mul3A_585 : i32
        %add3A_587 = arith.constant 15 : i32
        %add3A_588 = arith.addi %mul3A_586, %add3A_587 : i32
        %swap3A_589 = arith.index_cast %add3A_588 : i32 to index
        %swap3A_590 = arith.constant 96 : index
        %swap3A_591 = tpu.vector_load %arg16[%swap3A_589, %swap3A_590] {strides = array<i32>} : memref<320x256xf32, #tpu.memory_space<vmem>>, vector<16xf32>,
        tpu.vector_store %arg16[%swap3A_589, %swap3A_590], %broadcast_in_dim3A_411 {strides = array<i32>} : memref<320x256xf32, #tpu.memory_space<vmem>>, vector<16xf32>,
        %mul3A_592 = arith.constant 16 : i32
        %mul3A_593 = arith.muli %scan3A_424, %mul3A_592 : i32
        %add3A_594 = arith.constant 15 : i32
        %add3A_595 = arith.addi %mul3A_593, %add3A_594 : i32
        %swap3A_596 = arith.index_cast %add3A_595 : i32 to index
        %swap3A_597 = arith.constant 112 : index
        %swap3A_598 = tpu.vector_load %arg16[%swap3A_596, %swap3A_597] {strides = array<i32>} : memref<320x256xf32, #tpu.memory_space<vmem>>, vector<16xf32>,
        tpu.vector_store %arg16[%swap3A_596, %swap3A_597], %broadcast_in_dim3A_411 {strides = array<i32>} : memref<320x256xf32, #tpu.memory_space<vmem>>, vector<16xf32>,
        %mul3A_599 = arith.constant 16 : i32
        %mul3A_600 = arith.muli %scan3A_424, %mul3A_599 : i32
        %add3A_601 = arith.constant 15 : i32
        %add3A_602 = arith.addi %mul3A_600, %add3A_601 : i32
        %swap3A_603 = arith.index_cast %add3A_602 : i32 to index
        %swap3A_604 = arith.constant 128 : index
        %swap3A_605 = tpu.vector_load %arg16[%swap3A_603, %swap3A_604] {strides = array<i32>} : memref<320x256xf32, #tpu.memory_space<vmem>>, vector<16xf32>,
        tpu.vector_store %arg16[%swap3A_603, %swap3A_604], %broadcast_in_dim3A_411 {strides = array<i32>} : memref<320x256xf32, #tpu.memory_space<vmem>>, vector<16xf32>,
        %mul3A_606 = arith.constant 16 : i32
        %mul3A_607 = arith.muli %scan3A_424, %mul3A_606 : i32
        %add3A_608 = arith.constant 15 : i32
        %add3A_609 = arith.addi %mul3A_607, %add3A_608 : i32
        %swap3A_610 = arith.index_cast %add3A_609 : i32 to index
        %swap3A_611 = arith.constant 144 : index
        %swap3A_612 = tpu.vector_load %arg16[%swap3A_610, %swap3A_611] {strides = array<i32>} : memref<320x256xf32, #tpu.memory_space<vmem>>, vector<16xf32>,
        tpu.vector_store %arg16[%swap3A_610, %swap3A_611], %broadcast_in_dim3A_411 {strides = array<i32>} : memref<320x256xf32, #tpu.memory_space<vmem>>, vector<16xf32>,
        %mul3A_613 = arith.constant 16 : i32
        %mul3A_614 = arith.muli %scan3A_424, %mul3A_613 : i32
        %add3A_615 = arith.constant 15 : i32
        %add3A_616 = arith.addi %mul3A_614, %add3A_615 : i32
        %swap3A_617 = arith.index_cast %add3A_616 : i32 to index
        %swap3A_618 = arith.constant 160 : index
        %swap3A_619 = tpu.vector_load %arg16[%swap3A_617, %swap3A_618] {strides = array<i32>} : memref<320x256xf32, #tpu.memory_space<vmem>>, vector<16xf32>,
        tpu.vector_store %arg16[%swap3A_617, %swap3A_618], %broadcast_in_dim3A_411 {strides = array<i32>} : memref<320x256xf32, #tpu.memory_space<vmem>>, vector<16xf32>,
        %mul3A_620 = arith.constant 16 : i32
        %mul3A_621 = arith.muli %scan3A_424, %mul3A_620 : i32
        %add3A_622 = arith.constant 15 : i32
        %add3A_623 = arith.addi %mul3A_621, %add3A_622 : i32
        %swap3A_624 = arith.index_cast %add3A_623 : i32 to index
        %swap3A_625 = arith.constant 176 : index
        %swap3A_626 = tpu.vector_load %arg16[%swap3A_624, %swap3A_625] {strides = array<i32>} : memref<320x256xf32, #tpu.memory_space<vmem>>, vector<16xf32>,
        tpu.vector_store %arg16[%swap3A_624, %swap3A_625], %broadcast_in_dim3A_411 {strides = array<i32>} : memref<320x256xf32, #tpu.memory_space<vmem>>, vector<16xf32>,
        %mul3A_627 = arith.constant 16 : i32
        %mul3A_628 = arith.muli %scan3A_424, %mul3A_627 : i32
        %add3A_629 = arith.constant 15 : i32
        %add3A_630 = arith.addi %mul3A_628, %add3A_629 : i32
        %swap3A_631 = arith.index_cast %add3A_630 : i32 to index
        %swap3A_632 = arith.constant 192 : index
        %swap3A_633 = tpu.vector_load %arg16[%swap3A_631, %swap3A_632] {strides = array<i32>} : memref<320x256xf32, #tpu.memory_space<vmem>>, vector<16xf32>,
        tpu.vector_store %arg16[%swap3A_631, %swap3A_632], %broadcast_in_dim3A_411 {strides = array<i32>} : memref<320x256xf32, #tpu.memory_space<vmem>>, vector<16xf32>,
        %mul3A_634 = arith.constant 16 : i32
        %mul3A_635 = arith.muli %scan3A_424, %mul3A_634 : i32
        %add3A_636 = arith.constant 15 : i32
        %add3A_637 = arith.addi %mul3A_635, %add3A_636 : i32
        %swap3A_638 = arith.index_cast %add3A_637 : i32 to index
        %swap3A_639 = arith.constant 208 : index
        %swap3A_640 = tpu.vector_load %arg16[%swap3A_638, %swap3A_639] {strides = array<i32>} : memref<320x256xf32, #tpu.memory_space<vmem>>, vector<16xf32>,
        tpu.vector_store %arg16[%swap3A_638, %swap3A_639], %broadcast_in_dim3A_411 {strides = array<i32>} : memref<320x256xf32, #tpu.memory_space<vmem>>, vector<16xf32>,
        %mul3A_641 = arith.constant 16 : i32
        %mul3A_642 = arith.muli %scan3A_424, %mul3A_641 : i32
        %add3A_643 = arith.constant 15 : i32
        %add3A_644 = arith.addi %mul3A_642, %add3A_643 : i32
        %swap3A_645 = arith.index_cast %add3A_644 : i32 to index
        %swap3A_646 = arith.constant 224 : index
        %swap3A_647 = tpu.vector_load %arg16[%swap3A_645, %swap3A_646] {strides = array<i32>} : memref<320x256xf32, #tpu.memory_space<vmem>>, vector<16xf32>,
        tpu.vector_store %arg16[%swap3A_645, %swap3A_646], %broadcast_in_dim3A_411 {strides = array<i32>} : memref<320x256xf32, #tpu.memory_space<vmem>>, vector<16xf32>,
        %mul3A_648 = arith.constant 16 : i32
        %mul3A_649 = arith.muli %scan3A_424, %mul3A_648 : i32
        %add3A_650 = arith.constant 15 : i32
        %add3A_651 = arith.addi %mul3A_649, %add3A_650 : i32
        %swap3A_652 = arith.index_cast %add3A_651 : i32 to index
        %swap3A_653 = arith.constant 240 : index
        %swap3A_654 = tpu.vector_load %arg16[%swap3A_652, %swap3A_653] {strides = array<i32>} : memref<320x256xf32, #tpu.memory_space<vmem>>, vector<16xf32>,
        tpu.vector_store %arg16[%swap3A_652, %swap3A_653], %broadcast_in_dim3A_411 {strides = array<i32>} : memref<320x256xf32, #tpu.memory_space<vmem>>, vector<16xf32>,
      } else {
      }
    }
    %scan3A_417 = arith.constant 20 : i32
    %lt3A = arith.constant 31 : i32
    "tpu.trace_stop"() : () -> ()
    %lt3A_418 = arith.cmpi slt, %add3A, %lt3A : i32
    %convert_element_type3A = arith.extui %lt3A_418 : i1 to i32
    %cond3A = arith.constant 0 : i32
    %cond3A_419 = arith.cmpi ne, %convert_element_type3A, %cond3A : i32
    scf.if %cond3A_419 {
      "tpu.region"() ({
        %run_scoped3A = tpu.sem_alloc : memref<!tpu.dma_semaphore, #tpu.memory_space<semaphore_mem>>
        %dma_start3A_424 = arith.constant 0 : i32
        %dma_start3A_425 = tpu.memref_slice %arg5[%mul3A_2, %dma_start3A_424] : memref<10000x256xf32, #tpu.memory_space<hbm>> -> memref<320x256xf32, #tpu.memory_space<hbm>>
        %dma_start3A_426 = arith.constant 0 : i32
        %dma_start3A_427 = tpu.memref_slice %arg5[%mul3A_2, %dma_start3A_426] : memref<10000x256xf32, #tpu.memory_space<hbm>> -> memref<320x256xf32, #tpu.memory_space<hbm>>
        tpu.enqueue_dma source(%arg16 : memref<320x256xf32, #tpu.memory_space<vmem>>) target(%dma_start3A_427 : memref<320x256xf32, #tpu.memory_space<hbm>>) target_semaphore(%run_scoped3A : memref<!tpu.dma_semaphore, #tpu.memory_space<semaphore_mem>>)
        %dma_wait3A_428 = arith.constant 0 : i32
        %dma_wait3A_429 = tpu.memref_slice %arg5[%mul3A_2, %dma_wait3A_428] : memref<10000x256xf32, #tpu.memory_space<hbm>> -> memref<320x256xf32, #tpu.memory_space<hbm>>
        %dma_wait3A_430 = arith.constant 0 : i32
        %dma_wait3A_431 = tpu.memref_slice %arg5[%mul3A_2, %dma_wait3A_430] : memref<10000x256xf32, #tpu.memory_space<hbm>> -> memref<320x256xf32, #tpu.memory_space<hbm>>
        tpu.wait_dma2 semaphore(%run_scoped3A : memref<!tpu.dma_semaphore, #tpu.memory_space<semaphore_mem>>) src(%arg16 : memref<320x256xf32, #tpu.memory_space<vmem>>) dst(%dma_wait3A_431 : memref<320x256xf32, #tpu.memory_space<hbm>>)
        tpu.yield
      }) : () -> ()
    } else {
    }
    %eq3A = arith.constant 31 : i32
    %eq3A_420 = arith.cmpi eq, %add3A, %eq3A : i32
    %convert_element_type3A_421 = arith.extui %eq3A_420 : i1 to i32
    %cond3A_422 = arith.constant 0 : i32
    %cond3A_423 = arith.cmpi ne, %convert_element_type3A_421, %cond3A_422 : i32
    scf.if %cond3A_423 {
      "tpu.region"() ({
        %run_scoped3A = tpu.sem_alloc : memref<!tpu.dma_semaphore, #tpu.memory_space<semaphore_mem>>
        %dma_start3A_424 = arith.constant 0 : i32
        %dma_start3A_425 = arith.constant 0 : i32
        %dma_start3A_426 = tpu.memref_slice %arg16[%dma_start3A_424, %dma_start3A_425] : memref<320x256xf32, #tpu.memory_space<vmem>> -> memref<80x256xf32, #tpu.memory_space<vmem>>
        %dma_start3A_427 = arith.constant 0 : i32
        %dma_start3A_428 = tpu.memref_slice %arg5[%mul3A_2, %dma_start3A_427] : memref<10000x256xf32, #tpu.memory_space<hbm>> -> memref<80x256xf32, #tpu.memory_space<hbm>>
        %dma_start3A_429 = arith.constant 0 : i32
        %dma_start3A_430 = tpu.memref_slice %arg5[%mul3A_2, %dma_start3A_429] : memref<10000x256xf32, #tpu.memory_space<hbm>> -> memref<80x256xf32, #tpu.memory_space<hbm>>
        %dma_start3A_431 = arith.constant 0 : i32
        %dma_start3A_432 = arith.constant 0 : i32
        %dma_start3A_433 = tpu.memref_slice %arg16[%dma_start3A_431, %dma_start3A_432] : memref<320x256xf32, #tpu.memory_space<vmem>> -> memref<80x256xf32, #tpu.memory_space<vmem>>
        tpu.enqueue_dma source(%dma_start3A_433 : memref<80x256xf32, #tpu.memory_space<vmem>>) target(%dma_start3A_430 : memref<80x256xf32, #tpu.memory_space<hbm>>) target_semaphore(%run_scoped3A : memref<!tpu.dma_semaphore, #tpu.memory_space<semaphore_mem>>)
        %dma_wait3A_434 = arith.constant 0 : i32
        %dma_wait3A_435 = arith.constant 0 : i32
        %dma_wait3A_436 = tpu.memref_slice %arg16[%dma_wait3A_434, %dma_wait3A_435] : memref<320x256xf32, #tpu.memory_space<vmem>> -> memref<80x256xf32, #tpu.memory_space<vmem>>
        %dma_wait3A_437 = arith.constant 0 : i32
        %dma_wait3A_438 = tpu.memref_slice %arg5[%mul3A_2, %dma_wait3A_437] : memref<10000x256xf32, #tpu.memory_space<hbm>> -> memref<80x256xf32, #tpu.memory_space<hbm>>
        %dma_wait3A_439 = arith.constant 0 : i32
        %dma_wait3A_440 = tpu.memref_slice %arg5[%mul3A_2, %dma_wait3A_439] : memref<10000x256xf32, #tpu.memory_space<hbm>> -> memref<80x256xf32, #tpu.memory_space<hbm>>
        %dma_wait3A_441 = arith.constant 0 : i32
        %dma_wait3A_442 = arith.constant 0 : i32
        %dma_wait3A_443 = tpu.memref_slice %arg16[%dma_wait3A_441, %dma_wait3A_442] : memref<320x256xf32, #tpu.memory_space<vmem>> -> memref<80x256xf32, #tpu.memory_space<vmem>>
        tpu.wait_dma2 semaphore(%run_scoped3A : memref<!tpu.dma_semaphore, #tpu.memory_space<semaphore_mem>>) src(%dma_wait3A_443 : memref<80x256xf32, #tpu.memory_space<vmem>>) dst(%dma_wait3A_440 : memref<80x256xf32, #tpu.memory_space<hbm>>)
        tpu.yield
      }) : () -> ()
    } else {
    }
    return
  }
}

</mosaic_0001>

<sc_bundles>
// kernel: kernel.3.cloned.1.call-start
scs
__scs_entry_jumppad:
0x0: {  	(pc) =	sbr.rel $0x88, $3  }
0x1: {  	(tag) =	ssettag $0x0;
	lr =	simm.s32 $0x1  }
0x2: {  	[smem:$0x3F9E] =	sst lr;
	_ =	strace $0xD0000000  }
0x3: {  	_ = 	snop  }
0x4: {  	_ = 	snop  }
0x5: {  	_ = 	snop  }
0x6: {  	_ = 	snop  }
0x7: {  	_ = 	snop  }
__scs_overlays_trampoline_lowered:
0x8: {  	[smem:$0x3FAD] =	sst s0  }
0x9: {  	[smem:$0x3FAE] =	sst s1  }
0xa: {  	[smem:$0x3FAF] =	sst s2  }
0xb: {  	[smem:$0x3FB0] =	sst s3  }
0xc: {  	[smem:$0x3FB1] =	sst s4  }
0xd: {  	[smem:$0x3FB2] =	sst s5  }
0xe: {  	[smem:$0x3FB3] =	sst s6  }
0xf: {  	[smem:$0x3FB4] =	sst s7  }
0x10: {  	[smem:$0x3FB5] =	sst s8  }
0x11: {  	[smem:$0x3FB6] =	sst s9;
	s0 =	simm.s32 @!p0 $0x0  }
0x12: {  	s1 =	sld [smem:$0x3F9C];
	s0 =	simm.s32 @p0 $0x1  }
0x13: {  	[smem:$0x3FB7] =	sst s0;
	s0 =	simm.s32 @!p1 $0x0  }
0x14: {  	s2 =	sld [smem:$0x3F9B];
	s0 =	simm.s32 @p1 $0x1  }
0x15: {  	[smem:$0x3FB8] =	sst s0;
	s0 =	simm.s32 @!p2 $0x0  }
0x16: {  	s3 =	sld [smem:$0x3FDB];
	s0 =	simm.s32 @p2 $0x1  }
0x17: {  	s4 =	simm.s32 $0x1BF5;
	[smem:$0x3FBA] =	sst s0  }
0x18: {  	s0 =	sld [smem:$0x3F9D];
	_ =	swait.ge [sflag:s4], $0x0  }
0x19: {  	s7 =	sld [smem:$0x3F9E]  }
0x1a: {  	s8 =	sadd.s32 $0xFFFFE003, lr  }
0x1b: {  	s9 =	sadd.s32 $0xFFFFFEF7, lr;
	s5 =	simm.s32 $0xFFFFFFFF;
	p2 =	slt.u32 s8, $0xFFFFF086  }
0x1c: {  	p1 =	slt.u32 s9, $0xF7A;
	s5 =	simm.s32 @!p2 $0x0  }
0x1d: {  	s5 =	simm.s32 @p1 $0x1;
	p0 =	seq.s32 s7, s2  }
0x1e: {  	s7 =	smul.u32 @!p0 $0xF7A, s2;
	p2 =	seq.s32 @!p0 s5, $0x0  }
0x1f: {  	s9 =	smul.u32 $0xF7A, s1;
	s8 =	simm.s32 @!p0 $0x1BF5;
	p2 =	por !p2, p0  }
0x20: {  	[sflag:s8] =	ssyncset.s32 @!p0 $0xFFFFF086;
	s6 =	sadd.s32 @!p0 s3, s7;
	s7 =	simm.s32 @!p0 $0x108  }
0x21: {  	s3 =	sadd.s32 s3, s9;
	s6 =	sadd.s32 @!p0 $0x88, s6;
	s7 =	simm.s32 @p2 $0x1082  }
0x22: {  	[simem:s7], [sflag:s8] =	dma.local @!p0 [hbm:s6], $0xF7A  }
0x23: {  	s9 =	sor.u32 $0xD0000000, s2;
	s6 =	simm.s32 $0x108;
	_ =	swait.ge @!p0 [sflag:s8], $0x0  }
0x24: {  	s3 =	sadd.s32 $0x88, s3;
	s6 =	simm.s32 @!p1 $0x1082;
	[sflag:s4] =	ssyncset.s32 $0xFFFFF086  }
0x25: {  	[simem:s6], [sflag:s4] =	dma.local [hbm:s3], $0xF7A  }
0x26: {  	[smem:$0x3F9E] =	sst s1;
	(tag) =	ssettag s2;
	_ =	strace s9  }
0x27: {  	s1 =	sld [smem:$0x3FAE]  }
0x28: {  	s2 =	sld [smem:$0x3FAF]  }
0x29: {  	s4 =	sld [smem:$0x3FB1]  }
0x2a: {  	p0 =	seq.s32 s5, $0x0;
	s5 =	sld [smem:$0x3FB2]  }
0x2b: {  	s6 =	sld [smem:$0x3FB3]  }
0x2c: {  	s7 =	sld [smem:$0x3FB4]  }
0x2d: {  	s3 =	simm.s32 $0x108;
	s8 =	sld [smem:$0x3FB5]  }
0x2e: {  	s3 =	simm.s32 @!p0 $0x1082;
	s9 =	sld [smem:$0x3FB6]  }
0x2f: {  	lr =	sadd.s32 s0, s3;
	s0 =	sld [smem:$0x3FAD]  }
0x30: {  	s3 =	sld [smem:$0x3FB0]  }
0x31: {  	[smem:$0x3FB9] =	sst s10  }
0x32: {  	s10 =	sld [smem:$0x3FB7];
	_ =	sdelay $0x3  }
0x33: {  	p0 =	seq.s32 s10, $0x1;
	s10 =	sld [smem:$0x3FB9];
	_ =	sdelay $0x3  }
0x34: {  	[smem:$0x3FB9] =	sst s10  }
0x35: {  	s10 =	sld [smem:$0x3FB8];
	_ =	sdelay $0x3  }
0x36: {  	p1 =	seq.s32 s10, $0x1;
	s10 =	sld [smem:$0x3FB9];
	_ =	sdelay $0x3  }
0x37: {  	[smem:$0x3FB9] =	sst s10  }
0x38: {  	s10 =	sld [smem:$0x3FBA]  }
0x39: {  	_ = 	snop;
	(pc) =	sbr.ind lr, $3  }
0x3a: {  	_ = 	snop  }
0x3b: {  	_ = 	snop  }
0x3c: {  	p2 =	seq.s32 s10, $0x1;
	s10 =	sld [smem:$0x3FB9]  }
0x3d: {  	_ =	shalt  }
0x3e: {  	_ =	shalt  }
0x3f: {  	_ =	shalt  }
0x40: {  	_ =	shalt  }
0x41: {  	_ =	shalt  }
0x42: {  	_ =	shalt  }
0x43: {  	_ =	shalt  }
0x44: {  	_ =	shalt  }
0x45: {  	_ =	shalt  }
0x46: {  	_ =	shalt  }
0x47: {  	_ =	shalt  }
0x48: {  	_ =	shalt  }
0x49: {  	_ =	shalt  }
0x4a: {  	_ =	shalt  }
0x4b: {  	_ =	shalt  }
0x4c: {  	_ =	shalt  }
0x4d: {  	_ =	shalt  }
0x4e: {  	_ =	shalt  }
0x4f: {  	_ =	shalt  }
0x50: {  	_ =	shalt  }
0x51: {  	_ =	shalt  }
0x52: {  	_ =	shalt  }
0x53: {  	_ =	shalt  }
0x54: {  	_ =	shalt  }
0x55: {  	_ =	shalt  }
0x56: {  	_ =	shalt  }
0x57: {  	_ =	shalt  }
0x58: {  	_ =	shalt  }
0x59: {  	_ =	shalt  }
0x5a: {  	_ =	shalt  }
0x5b: {  	_ =	shalt  }
0x5c: {  	_ =	shalt  }
0x5d: {  	_ =	shalt  }
0x5e: {  	_ =	shalt  }
0x5f: {  	_ =	shalt  }
0x60: {  	_ =	shalt  }
0x61: {  	_ =	shalt  }
0x62: {  	_ =	shalt  }
0x63: {  	_ =	shalt  }
0x64: {  	_ =	shalt  }
0x65: {  	_ =	shalt  }
0x66: {  	_ =	shalt  }
0x67: {  	_ =	shalt  }
0x68: {  	_ =	shalt  }
0x69: {  	_ =	shalt  }
0x6a: {  	_ =	shalt  }
0x6b: {  	_ =	shalt  }
0x6c: {  	_ =	shalt  }
0x6d: {  	_ =	shalt  }
0x6e: {  	_ =	shalt  }
0x6f: {  	_ =	shalt  }
0x70: {  	_ =	shalt  }
0x71: {  	_ =	shalt  }
0x72: {  	_ =	shalt  }
0x73: {  	_ =	shalt  }
0x74: {  	_ =	shalt  }
0x75: {  	_ =	shalt  }
0x76: {  	_ =	shalt  }
0x77: {  	_ =	shalt  }
0x78: {  	_ =	shalt  }
0x79: {  	_ =	shalt  }
0x7a: {  	_ =	shalt  }
0x7b: {  	_ =	shalt  }
0x7c: {  	_ =	shalt  }
0x7d: {  	_ =	shalt  }
0x7e: {  	_ =	shalt  }
0x7f: {  	_ =	shalt  }
0x80: {  	_ =	shalt  }
0x81: {  	_ =	shalt  }
0x82: {  	_ =	shalt  }
0x83: {  	_ =	shalt  }
0x84: {  	_ =	shalt  }
0x85: {  	_ =	shalt  }
0x86: {  	_ =	shalt  }
0x87: {  	_ =	shalt  }
.Lfunc_end0:
.L_simem_size_0:
called_computation_lowered:
.L_overlay_start_0:
0x88: {  	s2 =	sld [smem:$0x3FD9]  }
0x89: {  	s3 =	sld [smem:$0x3FFE];
	_ =	sdelay $0x1  }
0x8a: {  	s1 =	srdreg.scid  }
0x8b: {  	s0 =	sand.u32 $0x1, s1  }
0x8c: {  	s18 =	sshll.u32 s0, $0xA;
	s2 =	sadd.s32 s3, s2  }
0x8d: {  	s2 =	sadd.s32 s2, s18  }
0x8e: {  	[smem:$0x3FC5] =	sst s2  }
0x8f: {  	_ = 	snop  }
0x90: {  	s2 =	sld [smem:$0x3FC9]  }
0x91: {  	s19 =	sld [smem:$0x3FC8]  }
0x92: {  	s4 =	sld [smem:$0x3FC7]  }
0x93: {  	s5 =	sld [smem:$0x3FD0];
	(tm) =	ssettm $0x1  }
0x94: {  	s6 =	sld [smem:$0x3FFB];
	_ =	sdelay $0x3  }
0x95: {  	_ =	strace s6  }
0x96: {  	s6 =	sld [smem:$0x3FFC];
	_ =	sdelay $0x3  }
0x97: {  	_ =	strace s6  }
0x98: {  	s6 =	sld [smem:$0x3FFD];
	_ =	sdelay $0x3  }
0x99: {  	_ =	strace s6  }
0x9a: {  	_ =	strace $0x8FFFFFFF  }
0x9b: {  	s20 =	sld [smem:$0x3FDB];
	_ =	sdelay $0x1  }
0x9c: {  	s7 =	simm.s32 $_scs_section_size  }
0x9d: {  	s8 =	simm.s32 $_size__tile_overlayer_lowered;
	s9 =	simm.s32 $_tile_overlayer_lowered  }
0x9e: {  	s23 =	simm.s32 $0x1BFF;
	s22 =	sshll.u32 s9, $0x1;
	s6 =	sadd.s32 s7, s20  }
0x9f: {  	s10 =	simm.s32 $0x0;
	s21 =	sshll.u32 s8, $0x1;
	s8 =	sadd.s32 s22, s6  }
0xa0: {  	[timem:s10], [sflag:s23] =	dma.local [hbm:s8], s21  }
0xa1: {  	_ =	swait.ge [sflag:s23], s21  }
0xa2: {  	s7 =	ssub.s32 $0x0, s21;
	[sflag:s23] =	ssyncset.done $0x0  }
0xa3: {  	[sflag:s23] =	ssyncadd.s32 s7;
	_ =	sdelay $0x1  }
0xa4: {  	s24 =	simm.s32 $0x1B8B  }
0xa5: {  	_ =	swait.ge [sflag:s24], $0x1  }
0xa6: {  	[sflag:s24] =	ssyncset.done $0x0  }
0xa7: {  	s25 =	simm.s32 $0x1B8E;
	[sflag:s24] =	ssyncadd.s32 $0xFFFFFFFF  }
0xa8: {  	s26 =	simm.s32 $execute0_lowered;
	[smem:$0x3FD2] =	sst s25  }
0xa9: {  	s7 =	sshll.u32 s26, $0x1;
	_ =	strace $0x80000046;
	[dreg:$0x1] =	wrdreg $0xFFFFFFFF  }
0xaa: {  	s28 =	simm.s32 $_size_execute0_lowered;
	s6 =	sadd.s32 s6, s7;
	[dreg:$0x0] =	wrdreg $0x0  }
0xab: {  	s7 =	sshll.u32 s28, $0x1;
	[dreg:$0x2] =	wrdreg s6  }
0xac: {  	[dreg:$0x3] =	wrdreg s7  }
0xad: {  	[dreg:$0x4] =	wrdreg $0xC0  }
0xae: {  	_ =	task [dreg:s10], $0x5FFFF  }
0xaf: {  	[dreg:$0x1] =	wrdreg $0xFFFFFFFF  }
0xb0: {  	[dreg:$0x0] =	wrdreg $0x60  }
0xb1: {  	[dreg:$0x2] =	wrdreg s2  }
0xb2: {  	[dreg:$0x3] =	wrdreg s19  }
0xb3: {  	[dreg:$0x4] =	wrdreg s4  }
0xb4: {  	[dreg:$0x5] =	wrdreg s5  }
0xb5: {  	[dreg:$0x6] =	wrdreg $0x9  }
0xb6: {  	_ =	task.clear_ibuf [dreg:s10], $0x7FFFF;
	_ =	strace $0x90000046  }
0xb7: {  	s29 =	simm.s32 $0x9;
	_ =	strace $0x8000004C  }
0xb8: {  	_ =	swait.ge [sflag:s29], $0x1  }
0xb9: {  	[sflag:s29] =	ssyncadd.s32 $0xFFFFFFFF  }
0xba: {  	_ =	strace $0x9000004C  }
0xbb: {  	_ =	sfence  }
0xbc: {  	s30 =	sld [smem:$0x0];
	_ =	sdelay $0x2  }
0xbd: {  	s31 =	sshll.u32 s1, $0xD;
	s1 =	sshrl.u32 s1, $0x2  }
0xbe: {  	s3 =	sand.u32 $0x4000, s31;
	s1 =	sadd.s32 s1, s30  }
0xbf: {  	s0 =	sor.u32 s3, s0;
	s1 =	sshll.u32 s1, $0x11  }
0xc0: {  	s0 =	sor.u32 s1, s0  }
0xc1: {  	s0 =	sadd.s32 $0x8F2B, s0  }
0xc2: {  	[sflag:s0] =	ssyncadd.remote.s32 $0x1  }
0xc3: {  	_ =	sfence.sel $0xFFFF  }
0xc4: {  	[dreg:$0x0] =	wrdreg $0xFFFFFFFF;
	(pc) =	sbr.abs _section_cstart, $3  }
0xc5: {  	[dreg:$0x1] =	wrdreg $0xFFFFFFFF  }
0xc6: {  	_ =	task.clear_ibuf [dreg:s10], $0x2FFFF;
	_ =	strace $0x9FFFFFFF  }
0xc7: {  	(tm) =	ssettm $0x7FFFFFFF  }
tec
execute0_lowered:
.L_overlay_start_1:
0x0: {  	(tag) =	ssettag $0x1  }
0x1: {  	s0 =	srdreg.scid;
	s4 =	stileid.u32  }
0x2: {  	s3 =	sand.u32 $0x1, s0;
	s21 =	sshll.u32 s4, $0x1  }
0x3: {  	s0 =	sor.u32 s3, s21  }
0x4: {  	v0 =	vlaneseq.u32;
	v22 =	vimm.f32 $-Inf;
	s22 =	smul.u32 $0x140, s0  }
0x5: {  	v23 =	vimm.s32 $0x0;
	v24 =	vand.u32 $0x7, v0;
	v25 =	vshrl.u32 v0, $0x3  }
0x6: {  	v26 =	vor.u32 $0x8, v0;
	v25 =	vmul.u32 $0x8, v25;
	s23 =	sor.u32 $0x10, s22;
	s7 =	sor.u32 $0x20, s22;
	v1 =	vmov s22  }
0x7: {  	s24 =	sor.u32 $0x30, s22;
	s8 =	sadd.s32 $0x40, s22;
	s9 =	sadd.s32 $0x50, s22;
	v20 =	vor.u32 s22, v0;
	v2 =	vor.u32 s23, v0;
	v3 =	vor.u32 s7, v0  }
0x8: {  	s10 =	sadd.s32 $0x60, s22;
	s11 =	sadd.s32 $0x70, s22;
	s12 =	sadd.s32 $0x80, s22;
	v4 =	vor.u32 s24, v0;
	v5 =	vor.u32 s8, v0;
	v6 =	vor.u32 s9, v0  }
0x9: {  	s13 =	sadd.s32 $0x90, s22;
	s14 =	sadd.s32 $0xA0, s22;
	s15 =	sadd.s32 $0xB0, s22;
	v7 =	vor.u32 s10, v0;
	v8 =	vor.u32 s11, v0;
	v9 =	vor.u32 s12, v0  }
0xa: {  	s16 =	sadd.s32 $0xC0, s22;
	s17 =	sadd.s32 $0xD0, s22;
	s18 =	sadd.s32 $0xE0, s22;
	v10 =	vor.u32 s13, v0;
	v11 =	vor.u32 s14, v0;
	v12 =	vor.u32 s15, v0  }
0xb: {  	s19 =	sadd.s32 $0xF0, s22;
	s20 =	sadd.s32 $0x100, s22;
	s26 =	sadd.s32 $0x110, s22;
	v13 =	vor.u32 s16, v0;
	v14 =	vor.u32 s17, v0;
	v15 =	vor.u32 s18, v0  }
0xc: {  	s21 =	sadd.s32 $0x120, s22;
	s4 =	sadd.s32 $0x130, s22;
	v16 =	vor.u32 s19, v0;
	v17 =	vor.u32 s20, v0;
	v18 =	vor.u32 s26, v0  }
0xd: {  	v19 =	vor.u32 s21, v0;
	v21 =	vor.u32 s4, v0;
	vm0 =	vlt.s32 v2, $0x270F  }
0xe: {  	s1 =	rddreg [dreg:$0x0];
	v20 =	vmin.u32 v20, $0x270F;
	v2 =	vnsel vm0, $0x270F, v2;
	vm0 =	vlt.s32 v3, $0x270F  }
0xf: {  	s2 =	rddreg [dreg:$0x3];
	s5 =	simm.s32 $0x0;
	vm1 =	vlt.s32 v4, $0x270F;
	v3 =	vnsel vm0, $0x270F, v3;
	vm0 =	vlt.s32 v5, $0x270F  }
0x10: {  	s28 =	simm.s32 $0x16E00;
	s29 =	simm.s32 $0x17600;
	s30 =	simm.s32 $0x17E00;
	v4 =	vnsel vm1, $0x270F, v4;
	v5 =	vnsel vm0, $0x270F, v5;
	vm0 =	vlt.s32 v6, $0x270F  }
0x11: {  	s31 =	simm.s32 $0x18600;
	[smem:$0x7FF] =	sst s5;
	s3 =	ssub.s32 $0x2, s3;
	vm1 =	vlt.s32 v7, $0x270F;
	v6 =	vnsel vm0, $0x270F, v6;
	vm0 =	vlt.s32 v8, $0x270F  }
0x12: {  	_ =	strace $0x80000047;
	s6 =	sshrl.u32 s3, $0x1;
	s25 =	smul.u32 $0x2800, s0;
	v7 =	vnsel vm1, $0x270F, v7;
	v8 =	vnsel vm0, $0x270F, v8;
	vm0 =	vlt.s32 v9, $0x270F  }
0x13: {  	p0 =	seq.s32 s0, $0x1F;
	s0 =	simm.s32 $0x1;
	s3 =	ssub.s32 s3, s6;
	vm1 =	vlt.s32 v10, $0x270F;
	v9 =	vnsel vm0, $0x270F, v9;
	vm0 =	vlt.s32 v11, $0x270F  }
0x14: {  	s6 =	sadd.s32 s2, s25;
	s22 =	simm.s32 $0x14600;
	s25 =	simm.s32 $0x15E00;
	v10 =	vnsel vm1, $0x270F, v10;
	v11 =	vnsel vm0, $0x270F, v11;
	vm0 =	vlt.s32 v12, $0x270F  }
0x15: {  	s7 =	sadd.s32 $0x4D800, s2;
	s8 =	smax.u32 s3, $0x1;
	s9 =	simm.s32 $0x2;
	vm1 =	vlt.s32 v13, $0x270F;
	v12 =	vnsel vm0, $0x270F, v12;
	vm0 =	vlt.s32 v14, $0x270F  }
0x16: {  	s11 =	simm.s32 $0x5200;
	s12 =	simm.s32 $0x4F00;
	s13 =	simm.s32 $0x5080;
	v13 =	vnsel vm1, $0x270F, v13;
	v14 =	vnsel vm0, $0x270F, v14;
	vm0 =	vlt.s32 v15, $0x270F  }
0x17: {  	s15 =	simm.s32 $0x10E00;
	s16 =	simm.s32 $0x11600;
	s17 =	simm.s32 $0x11E00;
	vm1 =	vlt.s32 v16, $0x270F;
	v15 =	vnsel vm0, $0x270F, v15;
	vm0 =	vlt.s32 v17, $0x270F  }
0x18: {  	s18 =	simm.s32 $0x12600;
	s19 =	simm.s32 $0x12E00;
	s20 =	simm.s32 $0x13600;
	v16 =	vnsel vm1, $0x270F, v16;
	v17 =	vnsel vm0, $0x270F, v17;
	vm0 =	vlt.s32 v18, $0x270F  }
0x19: {  	s21 =	simm.s32 $0x13E00;
	s23 =	simm.s32 $0x14E00;
	s24 =	simm.s32 $0x15600;
	vm1 =	vlt.s32 v19, $0x270F;
	v18 =	vnsel vm0, $0x270F, v18;
	vm0 =	vlt.s32 v21, $0x270F  }
0x1a: {  	s26 =	simm.s32 $0x16600;
	s3 =	simm.s32 $0x18E00;
	s2 =	simm.s32 $0x0;
	v19 =	vnsel vm1, $0x270F, v19;
	v21 =	vnsel vm0, $0x270F, v21;
	vm0 =	vmmov $0xffff  }
.LBB2_1:
0x1b: {  	_ =	strace $0x80000048  }
0x1c: {  	s4 =	rddreg [dreg:$0x1]  }
0x1d: {  	[tilespmem:s5], [sflag:$0x2] =	stream.linear.gather [hbm4b:s4+s5], $0x2780, $0x200038;
	[tilespmem:$0x19600] =	vst v63  }
0x1e: {  	_ =	swait.ge [sflag:s9], $0x2780  }
0x1f: {  	[sflag:s9] =	ssyncset.done $0x0  }
0x20: {  	[sflag:s9] =	ssyncadd.s32 $0xFFFFD880  }
0x21: {  	s10 =	simm.s32 $0x2780;
	s14 =	rddreg [dreg:$0x2]  }
0x22: {  	[tilespmem:s10], [sflag:$0x2] =	stream.linear.gather [hbm4b:s14+s5], $0x2780, $0x200038;
	[tilespmem:$0x19600] =	vst v63  }
0x23: {  	_ =	swait.ge [sflag:s9], $0x2780  }
0x24: {  	[sflag:s9] =	ssyncset.done $0x0  }
0x25: {  	[sflag:s9] =	ssyncadd.s32 $0xFFFFD880  }
0x26: {  	_ =	strace $0x90000048;
	[tilespmem:$0x4F00] =	vst v22  }
0x27: {  	[tilespmem:$0x5080] =	vst v23  }
0x28: {  	[tilespmem:$0x4F10] =	vst v22  }
0x29: {  	[tilespmem:$0x5090] =	vst v23  }
0x2a: {  	[tilespmem:$0x4F20] =	vst v22  }
0x2b: {  	[tilespmem:$0x50A0] =	vst v23  }
0x2c: {  	[tilespmem:$0x4F30] =	vst v22  }
0x2d: {  	[tilespmem:$0x50B0] =	vst v23  }
0x2e: {  	[tilespmem:$0x4F40] =	vst v22  }
0x2f: {  	[tilespmem:$0x50C0] =	vst v23  }
0x30: {  	[tilespmem:$0x4F50] =	vst v22  }
0x31: {  	[tilespmem:$0x50D0] =	vst v23  }
0x32: {  	[tilespmem:$0x4F60] =	vst v22  }
0x33: {  	[tilespmem:$0x50E0] =	vst v23  }
0x34: {  	[tilespmem:$0x4F70] =	vst v22  }
0x35: {  	[tilespmem:$0x50F0] =	vst v23  }
0x36: {  	[tilespmem:$0x4F80] =	vst v22  }
0x37: {  	[tilespmem:$0x5100] =	vst v23  }
0x38: {  	[tilespmem:$0x4F90] =	vst v22  }
0x39: {  	[tilespmem:$0x5110] =	vst v23  }
0x3a: {  	[tilespmem:$0x4FA0] =	vst v22  }
0x3b: {  	[tilespmem:$0x5120] =	vst v23  }
0x3c: {  	[tilespmem:$0x4FB0] =	vst v22  }
0x3d: {  	[tilespmem:$0x5130] =	vst v23  }
0x3e: {  	[tilespmem:$0x4FC0] =	vst v22  }
0x3f: {  	[tilespmem:$0x5140] =	vst v23  }
0x40: {  	[tilespmem:$0x4FD0] =	vst v22  }
0x41: {  	[tilespmem:$0x5150] =	vst v23  }
0x42: {  	[tilespmem:$0x4FE0] =	vst v22  }
0x43: {  	[tilespmem:$0x5160] =	vst v23  }
0x44: {  	[tilespmem:$0x4FF0] =	vst v22  }
0x45: {  	[tilespmem:$0x5170] =	vst v23  }
0x46: {  	[tilespmem:$0x5000] =	vst v22  }
0x47: {  	[tilespmem:$0x5180] =	vst v23  }
0x48: {  	[tilespmem:$0x5010] =	vst v22  }
0x49: {  	[tilespmem:$0x5190] =	vst v23  }
.Ltmp0:
0x4a: {  	[tilespmem:$0x5020] =	vst v22;
	(pc) =	sbr.rel .LBB2_2-.Ltmp0, $4  }
0x4b: {  	[tilespmem:$0x51A0] =	vst v23  }
0x4c: {  	[tilespmem:$0x5030] =	vst v22  }
0x4d: {  	[tilespmem:$0x51B0] =	vst v23  }
0x4e: {  	s4 =	simm.s32 $0x0;
	_ =	strace $0x80000049  }
.LBB2_5:
0x4f: {  	s4 =	sadd.s32 $0x1, s4  }
0x50: {  	p1 =	sne.s32 s4, $0x271  }
.Ltmp1:
0x51: {  	_ = 	snop;
	(pc) =	sbr.rel @!p1 .LBB2_6-.Ltmp1, $1  }
0x52: {  	_ =	sdelay $0x3  }
.LBB2_2:
0x53: {  	s10 =	sshll.u32 s4, $0x4  }
0x54: {  	v27 =	vld [tilespmem:s10+$0x0];
	_ =	sdelay $0x4  }
0x55: {  	v29 =	vsub.s32 v27, v1  }
0x56: {  	vm1 =	vlt.u32 v29, $0x140  }
0x57: {  	v27 =	vmpcnt.ones.xlane vm1;
	_ =	sdelay $0x1  }
0x58: {  	(v2sf) =	vpush v27, $0x0;
	_ =	sdelay $0xe  }
0x59: {  	s14 =	spop (v2sf)  }
0x5a: {  	p1 =	slt.s32 s14, $0x1  }
.Ltmp2:
0x5b: {  	_ = 	snop;
	(pc) =	sbr.rel @p1 .LBB2_5-.Ltmp2, $2  }
0x5c: {  	_ =	sdelay $0x2  }
0x5d: {  	v27 =	vld [tilespmem:s10+$0x2780]  }
0x5e: {  	v29 =	vnsel vm1, $0x0, v29;
	_ =	sdelay $0x3  }
0x5f: {  	v28 =	vor.u32 s10, v0;
	v30 =	vsel vm1, $0x1, v23  }
.LBB2_4:
0x60: {  	[tilespmem:v29+s11+$0x0] =	vst.idx.msk vm1, v0  }
0x61: {  	v31 =	vld.idx.msk [tilespmem:v29+s11+$0x0], vm1;
	_ =	sdelay $0x4  }
0x62: {  	vm2 =	veq.s32 v31, v0  }
0x63: {  	vm2 =	vmand vm1, vm2  }
0x64: {  	vm1 =	vmxor vm1, vm2  }
0x65: {  	v30 =	vnsel vm1, $0x0, v30  }
0x66: {  	vm1 =	vne.s32 v30, $0x0  }
0x67: {  	v31 =	vmpcnt.ones.xlane vm1;
	_ =	sdelay $0x1  }
0x68: {  	(v2sf) =	vpush v31, $0x0;
	_ =	sdelay $0x4  }
0x69: {  	v31 =	vld.idx.msk [tilespmem:v29+s12+$0x0], vm2  }
0x6a: {  	v32 =	vld.idx.msk [tilespmem:v29+s13+$0x0], vm2;
	_ =	sdelay $0x4  }
0x6b: {  	vm3 =	veq.f32 v27, v31;
	vm4 =	vlt.s32 v28, v32  }
0x6c: {  	vm5 =	vgt.f32 v27, v31;
	vm3 =	vmand vm3, vm4  }
0x6d: {  	vm3 =	vmor vm5, vm3  }
0x6e: {  	vm2 =	vmand vm2, vm3  }
0x6f: {  	s10 =	spop (v2sf)  }
0x70: {  	p1 =	sgt.s32 s10, $0x0  }
.Ltmp3:
0x71: {  	_ = 	snop;
	(pc) =	sbr.rel @p1 .LBB2_4-.Ltmp3, $3  }
0x72: {  	_ =	sdelay $0x1  }
0x73: {  	[tilespmem:v29+s12+$0x0] =	vst.idx.msk vm2, v27  }
0x74: {  	[tilespmem:v29+s13+$0x0] =	vst.idx.msk vm2, v28  }
.Ltmp4:
0x75: {  	_ = 	snop;
	(pc) =	sbr.rel .LBB2_5-.Ltmp4, $1  }
0x76: {  	_ =	sdelay $0x3  }
.LBB2_6:
0x77: {  	_ =	strace $0x90000049  }
0x78: {  	v27 =	vld [tilespmem:$0x4F00]  }
0x79: {  	v28 =	vld [tilespmem:$0x5080]  }
0x7a: {  	v29 =	vld [tilespmem:$0x4F10]  }
0x7b: {  	v30 =	vld [tilespmem:$0x5090]  }
0x7c: {  	v31 =	vld [tilespmem:$0x4F20]  }
0x7d: {  	v32 =	vld [tilespmem:$0x50A0]  }
0x7e: {  	v33 =	vld [tilespmem:$0x4F30]  }
0x7f: {  	v34 =	vld [tilespmem:$0x50B0]  }
0x80: {  	v35 =	vld [tilespmem:$0x4F40]  }
0x81: {  	v36 =	vld [tilespmem:$0x50C0]  }
0x82: {  	v37 =	vld [tilespmem:$0x4F50]  }
0x83: {  	v38 =	vld [tilespmem:$0x50D0]  }
0x84: {  	v39 =	vld [tilespmem:$0x4F60]  }
0x85: {  	v40 =	vld [tilespmem:$0x50E0]  }
0x86: {  	v41 =	vld [tilespmem:$0x4F70]  }
0x87: {  	v42 =	vld [tilespmem:$0x50F0]  }
0x88: {  	v43 =	vld [tilespmem:$0x4F80]  }
0x89: {  	v60 =	vld [tilespmem:$0x4F90];
	vm1 =	vlt.f32 v27, $-Inf;
	vm2 =	vgt.f32 v27, $-Inf  }
0x8a: {  	v61 =	vld [tilespmem:$0x5110];
	vm3 =	vgt.f32 v29, $-Inf;
	vm1 =	vmor vm2, vm1;
	vm2 =	vlt.f32 v29, $-Inf  }
0x8b: {  	v44 =	vld [tilespmem:$0x4FA0];
	vm4 =	vgt.f32 v31, $-Inf;
	vm2 =	vmor vm3, vm2;
	vm3 =	vlt.f32 v31, $-Inf  }
0x8c: {  	v62 =	vld [tilespmem:$0x5120];
	v28 =	vsel vm1, v28, v20;
	v30 =	vsel vm2, v30, v2;
	vm1 =	vmor vm4, vm3  }
0x8d: {  	v63 =	vld [tilespmem:$0x4FB0];
	vm2 =	vgt.f32 v33, $-Inf;
	v32 =	vsel vm1, v32, v3;
	vm1 =	vlt.f32 v33, $-Inf  }
0x8e: {  	v48 =	vld [tilespmem:$0x5130];
	vm3 =	vgt.f32 v35, $-Inf;
	vm1 =	vmor vm2, vm1;
	vm2 =	vlt.f32 v35, $-Inf  }
0x8f: {  	v45 =	vld [tilespmem:$0x4FC0];
	vm11 =	vgt.f32 v37, $-Inf;
	vm2 =	vmor vm3, vm2;
	vm3 =	vlt.f32 v37, $-Inf  }
0x90: {  	v27 =	vld [tilespmem:$0x5100];
	v34 =	vsel vm1, v34, v4;
	v36 =	vsel vm2, v36, v5;
	vm1 =	vmor vm11, vm3  }
0x91: {  	v49 =	vld [tilespmem:$0x5140];
	vm2 =	vgt.f32 v39, $-Inf;
	v38 =	vsel vm1, v38, v6;
	vm1 =	vlt.f32 v39, $-Inf  }
0x92: {  	v50 =	vld [tilespmem:$0x4FD0];
	[tilespmem:$0x5380] =	vst v28;
	vm3 =	vgt.f32 v41, $-Inf;
	vm1 =	vmor vm2, vm1;
	vm2 =	vlt.f32 v41, $-Inf  }
0x93: {  	v51 =	vld [tilespmem:$0x5150];
	vm12 =	vgt.f32 v43, $-Inf;
	[tilespmem:$0x5390] =	vst v30;
	vm2 =	vmor vm3, vm2;
	vm3 =	vlt.f32 v43, $-Inf  }
0x94: {  	v54 =	vld [tilespmem:$0x4FE0];
	[tilespmem:$0x53A0] =	vst v32;
	v52 =	vsel vm1, v40, v7;
	v53 =	vsel vm2, v42, v8;
	vm1 =	vmor vm12, vm3  }
0x95: {  	v55 =	vld [tilespmem:$0x5160];
	[tilespmem:$0x53B0] =	vst v34;
	vm2 =	vgt.f32 v60, $-Inf;
	v27 =	vsel vm1, v27, v9;
	vm1 =	vlt.f32 v60, $-Inf  }
0x96: {  	v56 =	vld [tilespmem:$0x4FF0];
	[tilespmem:$0x5400] =	vst v36;
	vm3 =	vgt.f32 v44, $-Inf;
	vm1 =	vmor vm2, vm1;
	vm2 =	vlt.f32 v44, $-Inf  }
0x97: {  	v57 =	vld [tilespmem:$0x5170];
	vm13 =	vgt.f32 v63, $-Inf;
	[tilespmem:$0x5410] =	vst v38;
	vm2 =	vmor vm3, vm2;
	vm3 =	vlt.f32 v63, $-Inf  }
0x98: {  	v59 =	vld [tilespmem:$0x5000];
	[tilespmem:$0x5420] =	vst v52;
	v31 =	vsel vm1, v61, v10;
	v58 =	vsel vm2, v62, v11;
	vm1 =	vmor vm13, vm3  }
0x99: {  	v38 =	vld [tilespmem:$0x5020];
	[tilespmem:$0x5430] =	vst v53;
	vm2 =	vgt.f32 v45, $-Inf;
	v60 =	vsel vm1, v48, v12;
	vm1 =	vlt.f32 v45, $-Inf  }
0x9a: {  	[tilespmem:$0x5480] =	vst v27;
	v27 =	vld [tilespmem:$0x5010];
	vm3 =	vgt.f32 v50, $-Inf;
	vm1 =	vmor vm2, vm1;
	vm2 =	vlt.f32 v50, $-Inf  }
0x9b: {  	vm14 =	vgt.f32 v54, $-Inf;
	v61 =	vld [tilespmem:$0x5180];
	[tilespmem:$0x5490] =	vst v31;
	vm2 =	vmor vm3, vm2;
	vm3 =	vlt.f32 v54, $-Inf  }
0x9c: {  	v62 =	vld [tilespmem:$0x5190];
	[tilespmem:$0x54A0] =	vst v58;
	v63 =	vsel vm1, v49, v13;
	v30 =	vsel vm2, v51, v14;
	vm1 =	vmor vm14, vm3  }
0x9d: {  	v39 =	vld [tilespmem:$0x5030];
	[tilespmem:$0x54B0] =	vst v60;
	vm2 =	vgt.f32 v56, $-Inf;
	v29 =	vsel vm1, v55, v15;
	vm1 =	vlt.f32 v56, $-Inf  }
0x9e: {  	v40 =	vld [tilespmem:$0x51A0];
	[tilespmem:$0x5500] =	vst v63;
	vm3 =	vgt.f32 v59, $-Inf;
	vm1 =	vmor vm2, vm1;
	vm2 =	vlt.f32 v59, $-Inf  }
0x9f: {  	vm15 =	vgt.f32 v27, $-Inf;
	[tilespmem:$0x5510] =	vst v30;
	vm2 =	vmor vm3, vm2;
	vm3 =	vlt.f32 v27, $-Inf;
	v27 =	vld [tilespmem:$0x51B0]  }
0xa0: {  	[tilespmem:$0x5520] =	vst v29;
	v41 =	vsel vm1, v57, v16;
	v42 =	vsel vm2, v61, v17;
	vm1 =	vmor vm15, vm3  }
0xa1: {  	[tilespmem:$0x5530] =	vst v41;
	vm2 =	vlt.f32 v38, $-Inf;
	vm3 =	vgt.f32 v38, $-Inf;
	v28 =	vsel vm1, v62, v18  }
0xa2: {  	[tilespmem:$0x5580] =	vst v42;
	vm1 =	vmor vm3, vm2;
	vm2 =	vlt.f32 v39, $-Inf;
	vm3 =	vgt.f32 v39, $-Inf  }
0xa3: {  	v43 =	vsel vm1, v40, v19;
	[tilespmem:$0x5590] =	vst v28;
	vm1 =	vmor vm3, vm2  }
0xa4: {  	[tilespmem:$0x55A0] =	vst v43;
	v27 =	vsel vm1, v27, v21  }
0xa5: {  	[tilespmem:$0x55B0] =	vst v27  }
0xa6: {  	_ =	strace $0x8000004A  }
0xa7: {  	v27 =	vld [tilespmem:$0x5380];
	_ =	sdelay $0x4  }
0xa8: {  	v44 =	vshll.u32 v27, $0x1  }
0xa9: {  	v27 =	vand.u32 $0x7, v27;
	v28 =	vand.u32 $0xFFFFFFF0, v44  }
0xaa: {  	v27 =	vor.u32 v27, v28  }
0xab: {  	v28 =	vperm.xlane v27, v24;
	_ =	sdelay $0x1  }
0xac: {  	v27 =	vperm.xlane v27, v26;
	v28 =	vadd.s32 v25, v28;
	_ =	sdelay $0x1  }
0xad: {  	v27 =	vadd.s32 v25, v27;
	_ =	sdelay $0x1  }
0xae: {  	s4 =	simm.s32 $0x0;
	s10 =	simm.s32 $0x5600  }
0xaf: {  	[tilespmem:s10], [sflag:$0x1] =	stream.indirect_vreg.gather [hbm4b:s1+s4], $0x80, v28, vm0, $0x2000b8;
	[tilespmem:$0x19600] =	vst v63  }
0xb0: {  	s14 =	simm.s32 $0x5E00  }
0xb1: {  	[tilespmem:s14], [sflag:$0x1] =	stream.indirect_vreg.gather [hbm4b:s1+s4], $0x80, v27, vm0, $0x2000b8;
	[tilespmem:$0x19600] =	vst v63  }
0xb2: {  	v27 =	vld [tilespmem:$0x5390];
	_ =	sdelay $0x4  }
0xb3: {  	v45 =	vshll.u32 v27, $0x1  }
0xb4: {  	v27 =	vand.u32 $0x7, v27;
	v28 =	vand.u32 $0xFFFFFFF0, v45  }
0xb5: {  	v27 =	vor.u32 v27, v28  }
0xb6: {  	v28 =	vperm.xlane v27, v24;
	_ =	sdelay $0x1  }
0xb7: {  	v27 =	vperm.xlane v27, v26;
	v28 =	vadd.s32 v25, v28;
	_ =	sdelay $0x1  }
0xb8: {  	v27 =	vadd.s32 v25, v27;
	_ =	sdelay $0x1  }
0xb9: {  	s14 =	simm.s32 $0x6600  }
0xba: {  	[tilespmem:s14], [sflag:$0x1] =	stream.indirect_vreg.gather [hbm4b:s1+s4], $0x80, v28, vm0, $0x2000b8;
	[tilespmem:$0x19600] =	vst v63  }
0xbb: {  	s14 =	simm.s32 $0x6E00  }
0xbc: {  	[tilespmem:s14], [sflag:$0x1] =	stream.indirect_vreg.gather [hbm4b:s1+s4], $0x80, v27, vm0, $0x2000b8;
	[tilespmem:$0x19600] =	vst v63  }
0xbd: {  	v27 =	vld [tilespmem:$0x53A0];
	_ =	sdelay $0x4  }
0xbe: {  	v46 =	vshll.u32 v27, $0x1  }
0xbf: {  	v27 =	vand.u32 $0x7, v27;
	v28 =	vand.u32 $0xFFFFFFF0, v46  }
0xc0: {  	v27 =	vor.u32 v27, v28  }
0xc1: {  	v28 =	vperm.xlane v27, v24;
	_ =	sdelay $0x1  }
0xc2: {  	v27 =	vperm.xlane v27, v26;
	v28 =	vadd.s32 v25, v28;
	_ =	sdelay $0x1  }
0xc3: {  	v27 =	vadd.s32 v25, v27;
	_ =	sdelay $0x1  }
0xc4: {  	s14 =	simm.s32 $0x7600  }
0xc5: {  	[tilespmem:s14], [sflag:$0x1] =	stream.indirect_vreg.gather [hbm4b:s1+s4], $0x80, v28, vm0, $0x2000b8;
	[tilespmem:$0x19600] =	vst v63  }
0xc6: {  	s14 =	simm.s32 $0x7E00  }
0xc7: {  	[tilespmem:s14], [sflag:$0x1] =	stream.indirect_vreg.gather [hbm4b:s1+s4], $0x80, v27, vm0, $0x2000b8;
	[tilespmem:$0x19600] =	vst v63  }
0xc8: {  	v27 =	vld [tilespmem:$0x53B0];
	_ =	sdelay $0x4  }
0xc9: {  	v47 =	vshll.u32 v27, $0x1  }
0xca: {  	v27 =	vand.u32 $0x7, v27;
	v28 =	vand.u32 $0xFFFFFFF0, v47  }
0xcb: {  	v27 =	vor.u32 v27, v28  }
0xcc: {  	v28 =	vperm.xlane v27, v24;
	_ =	sdelay $0x1  }
0xcd: {  	v27 =	vperm.xlane v27, v26;
	v28 =	vadd.s32 v25, v28;
	_ =	sdelay $0x1  }
0xce: {  	v27 =	vadd.s32 v25, v27;
	_ =	sdelay $0x1  }
0xcf: {  	s14 =	simm.s32 $0x8600  }
0xd0: {  	[tilespmem:s14], [sflag:$0x1] =	stream.indirect_vreg.gather [hbm4b:s1+s4], $0x80, v28, vm0, $0x2000b8;
	[tilespmem:$0x19600] =	vst v63  }
0xd1: {  	s14 =	simm.s32 $0x8E00  }
0xd2: {  	[tilespmem:s14], [sflag:$0x1] =	stream.indirect_vreg.gather [hbm4b:s1+s4], $0x80, v27, vm0, $0x2000b8;
	[tilespmem:$0x19600] =	vst v63  }
0xd3: {  	v27 =	vld [tilespmem:$0x5400];
	_ =	sdelay $0x4  }
0xd4: {  	v48 =	vshll.u32 v27, $0x1  }
0xd5: {  	v27 =	vand.u32 $0x7, v27;
	v28 =	vand.u32 $0xFFFFFFF0, v48  }
0xd6: {  	v27 =	vor.u32 v27, v28  }
0xd7: {  	v28 =	vperm.xlane v27, v24;
	_ =	sdelay $0x1  }
0xd8: {  	v27 =	vperm.xlane v27, v26;
	v28 =	vadd.s32 v25, v28;
	_ =	sdelay $0x1  }
0xd9: {  	v27 =	vadd.s32 v25, v27;
	_ =	sdelay $0x1  }
0xda: {  	s14 =	simm.s32 $0x9600  }
0xdb: {  	[tilespmem:s14], [sflag:$0x1] =	stream.indirect_vreg.gather [hbm4b:s1+s4], $0x80, v28, vm0, $0x2000b8;
	[tilespmem:$0x19600] =	vst v63  }
0xdc: {  	s14 =	simm.s32 $0x9E00  }
0xdd: {  	[tilespmem:s14], [sflag:$0x1] =	stream.indirect_vreg.gather [hbm4b:s1+s4], $0x80, v27, vm0, $0x2000b8;
	[tilespmem:$0x19600] =	vst v63  }
0xde: {  	v27 =	vld [tilespmem:$0x5410];
	_ =	sdelay $0x4  }
0xdf: {  	v49 =	vshll.u32 v27, $0x1  }
0xe0: {  	v27 =	vand.u32 $0x7, v27;
	v28 =	vand.u32 $0xFFFFFFF0, v49  }
0xe1: {  	v27 =	vor.u32 v27, v28  }
0xe2: {  	v28 =	vperm.xlane v27, v24;
	_ =	sdelay $0x1  }
0xe3: {  	v27 =	vperm.xlane v27, v26;
	v28 =	vadd.s32 v25, v28;
	_ =	sdelay $0x1  }
0xe4: {  	v27 =	vadd.s32 v25, v27;
	_ =	sdelay $0x1  }
0xe5: {  	s14 =	simm.s32 $0xA600  }
0xe6: {  	[tilespmem:s14], [sflag:$0x1] =	stream.indirect_vreg.gather [hbm4b:s1+s4], $0x80, v28, vm0, $0x2000b8;
	[tilespmem:$0x19600] =	vst v63  }
0xe7: {  	s14 =	simm.s32 $0xAE00  }
0xe8: {  	[tilespmem:s14], [sflag:$0x1] =	stream.indirect_vreg.gather [hbm4b:s1+s4], $0x80, v27, vm0, $0x2000b8;
	[tilespmem:$0x19600] =	vst v63  }
0xe9: {  	v27 =	vld [tilespmem:$0x5420];
	_ =	sdelay $0x4  }
0xea: {  	v50 =	vshll.u32 v27, $0x1  }
0xeb: {  	v27 =	vand.u32 $0x7, v27;
	v28 =	vand.u32 $0xFFFFFFF0, v50  }
0xec: {  	v27 =	vor.u32 v27, v28  }
0xed: {  	v28 =	vperm.xlane v27, v24;
	_ =	sdelay $0x1  }
0xee: {  	v27 =	vperm.xlane v27, v26;
	v28 =	vadd.s32 v25, v28;
	_ =	sdelay $0x1  }
0xef: {  	v27 =	vadd.s32 v25, v27;
	_ =	sdelay $0x1  }
0xf0: {  	s14 =	simm.s32 $0xB600  }
0xf1: {  	[tilespmem:s14], [sflag:$0x1] =	stream.indirect_vreg.gather [hbm4b:s1+s4], $0x80, v28, vm0, $0x2000b8;
	[tilespmem:$0x19600] =	vst v63  }
0xf2: {  	s14 =	simm.s32 $0xBE00  }
0xf3: {  	[tilespmem:s14], [sflag:$0x1] =	stream.indirect_vreg.gather [hbm4b:s1+s4], $0x80, v27, vm0, $0x2000b8;
	[tilespmem:$0x19600] =	vst v63  }
0xf4: {  	v27 =	vld [tilespmem:$0x5430];
	_ =	sdelay $0x4  }
0xf5: {  	v51 =	vshll.u32 v27, $0x1  }
0xf6: {  	v27 =	vand.u32 $0x7, v27;
	v28 =	vand.u32 $0xFFFFFFF0, v51  }
0xf7: {  	v27 =	vor.u32 v27, v28  }
0xf8: {  	v28 =	vperm.xlane v27, v24;
	_ =	sdelay $0x1  }
0xf9: {  	v27 =	vperm.xlane v27, v26;
	v28 =	vadd.s32 v25, v28;
	_ =	sdelay $0x1  }
0xfa: {  	v27 =	vadd.s32 v25, v27;
	_ =	sdelay $0x1  }
0xfb: {  	s14 =	simm.s32 $0xC600  }
0xfc: {  	[tilespmem:s14], [sflag:$0x1] =	stream.indirect_vreg.gather [hbm4b:s1+s4], $0x80, v28, vm0, $0x2000b8;
	[tilespmem:$0x19600] =	vst v63  }
0xfd: {  	s14 =	simm.s32 $0xCE00  }
0xfe: {  	[tilespmem:s14], [sflag:$0x1] =	stream.indirect_vreg.gather [hbm4b:s1+s4], $0x80, v27, vm0, $0x2000b8;
	[tilespmem:$0x19600] =	vst v63  }
0xff: {  	v27 =	vld [tilespmem:$0x5480];
	_ =	sdelay $0x4  }
0x100: {  	v52 =	vshll.u32 v27, $0x1  }
0x101: {  	v27 =	vand.u32 $0x7, v27;
	v28 =	vand.u32 $0xFFFFFFF0, v52  }
0x102: {  	v27 =	vor.u32 v27, v28  }
0x103: {  	v28 =	vperm.xlane v27, v24;
	_ =	sdelay $0x1  }
0x104: {  	v27 =	vperm.xlane v27, v26;
	v28 =	vadd.s32 v25, v28;
	_ =	sdelay $0x1  }
0x105: {  	v27 =	vadd.s32 v25, v27;
	_ =	sdelay $0x1  }
0x106: {  	s14 =	simm.s32 $0xD600  }
0x107: {  	[tilespmem:s14], [sflag:$0x1] =	stream.indirect_vreg.gather [hbm4b:s1+s4], $0x80, v28, vm0, $0x2000b8;
	[tilespmem:$0x19600] =	vst v63  }
0x108: {  	s14 =	simm.s32 $0xDE00  }
0x109: {  	[tilespmem:s14], [sflag:$0x1] =	stream.indirect_vreg.gather [hbm4b:s1+s4], $0x80, v27, vm0, $0x2000b8;
	[tilespmem:$0x19600] =	vst v63  }
0x10a: {  	v27 =	vld [tilespmem:$0x5490];
	_ =	sdelay $0x4  }
0x10b: {  	v53 =	vshll.u32 v27, $0x1  }
0x10c: {  	v27 =	vand.u32 $0x7, v27;
	v28 =	vand.u32 $0xFFFFFFF0, v53  }
0x10d: {  	v27 =	vor.u32 v27, v28  }
0x10e: {  	v28 =	vperm.xlane v27, v24;
	_ =	sdelay $0x1  }
0x10f: {  	v27 =	vperm.xlane v27, v26;
	v28 =	vadd.s32 v25, v28;
	_ =	sdelay $0x1  }
0x110: {  	v27 =	vadd.s32 v25, v27;
	_ =	sdelay $0x1  }
0x111: {  	s14 =	simm.s32 $0xE600  }
0x112: {  	[tilespmem:s14], [sflag:$0x1] =	stream.indirect_vreg.gather [hbm4b:s1+s4], $0x80, v28, vm0, $0x2000b8;
	[tilespmem:$0x19600] =	vst v63  }
0x113: {  	s14 =	simm.s32 $0xEE00  }
0x114: {  	[tilespmem:s14], [sflag:$0x1] =	stream.indirect_vreg.gather [hbm4b:s1+s4], $0x80, v27, vm0, $0x2000b8;
	[tilespmem:$0x19600] =	vst v63  }
0x115: {  	v27 =	vld [tilespmem:$0x54A0];
	_ =	sdelay $0x4  }
0x116: {  	v54 =	vshll.u32 v27, $0x1  }
0x117: {  	v27 =	vand.u32 $0x7, v27;
	v28 =	vand.u32 $0xFFFFFFF0, v54  }
0x118: {  	v27 =	vor.u32 v27, v28  }
0x119: {  	v28 =	vperm.xlane v27, v24;
	_ =	sdelay $0x1  }
0x11a: {  	v27 =	vperm.xlane v27, v26;
	v28 =	vadd.s32 v25, v28;
	_ =	sdelay $0x1  }
0x11b: {  	v27 =	vadd.s32 v25, v27;
	_ =	sdelay $0x1  }
0x11c: {  	s14 =	simm.s32 $0xF600  }
0x11d: {  	[tilespmem:s14], [sflag:$0x1] =	stream.indirect_vreg.gather [hbm4b:s1+s4], $0x80, v28, vm0, $0x2000b8;
	[tilespmem:$0x19600] =	vst v63  }
0x11e: {  	s14 =	simm.s32 $0xFE00  }
0x11f: {  	[tilespmem:s14], [sflag:$0x1] =	stream.indirect_vreg.gather [hbm4b:s1+s4], $0x80, v27, vm0, $0x2000b8;
	[tilespmem:$0x19600] =	vst v63  }
0x120: {  	v27 =	vld [tilespmem:$0x54B0];
	_ =	sdelay $0x4  }
0x121: {  	v55 =	vshll.u32 v27, $0x1  }
0x122: {  	v27 =	vand.u32 $0x7, v27;
	v28 =	vand.u32 $0xFFFFFFF0, v55  }
0x123: {  	v27 =	vor.u32 v27, v28  }
0x124: {  	v28 =	vperm.xlane v27, v24;
	_ =	sdelay $0x1  }
0x125: {  	v27 =	vperm.xlane v27, v26;
	v28 =	vadd.s32 v25, v28;
	_ =	sdelay $0x1  }
0x126: {  	v27 =	vadd.s32 v25, v27;
	_ =	sdelay $0x1  }
0x127: {  	s14 =	simm.s32 $0x10600  }
0x128: {  	[tilespmem:s14], [sflag:$0x1] =	stream.indirect_vreg.gather [hbm4b:s1+s4], $0x80, v28, vm0, $0x2000b8;
	[tilespmem:$0x19600] =	vst v63  }
0x129: {  	_ = 	snop  }
0x12a: {  	[tilespmem:s15], [sflag:$0x1] =	stream.indirect_vreg.gather [hbm4b:s1+s4], $0x80, v27, vm0, $0x2000b8;
	[tilespmem:$0x19600] =	vst v63  }
0x12b: {  	v27 =	vld [tilespmem:$0x5500];
	_ =	sdelay $0x4  }
0x12c: {  	v56 =	vshll.u32 v27, $0x1  }
0x12d: {  	v27 =	vand.u32 $0x7, v27;
	v28 =	vand.u32 $0xFFFFFFF0, v56  }
0x12e: {  	v27 =	vor.u32 v27, v28  }
0x12f: {  	v28 =	vperm.xlane v27, v24;
	_ =	sdelay $0x1  }
0x130: {  	v27 =	vperm.xlane v27, v26;
	v28 =	vadd.s32 v25, v28;
	_ =	sdelay $0x1  }
0x131: {  	v27 =	vadd.s32 v25, v27;
	_ =	sdelay $0x2  }
0x132: {  	[tilespmem:s16], [sflag:$0x1] =	stream.indirect_vreg.gather [hbm4b:s1+s4], $0x80, v28, vm0, $0x2000b8;
	[tilespmem:$0x19600] =	vst v63  }
0x133: {  	_ = 	snop  }
0x134: {  	[tilespmem:s17], [sflag:$0x1] =	stream.indirect_vreg.gather [hbm4b:s1+s4], $0x80, v27, vm0, $0x2000b8;
	[tilespmem:$0x19600] =	vst v63  }
0x135: {  	v27 =	vld [tilespmem:$0x5510];
	_ =	sdelay $0x4  }
0x136: {  	v57 =	vshll.u32 v27, $0x1  }
0x137: {  	v27 =	vand.u32 $0x7, v27;
	v28 =	vand.u32 $0xFFFFFFF0, v57  }
0x138: {  	v27 =	vor.u32 v27, v28  }
0x139: {  	v28 =	vperm.xlane v27, v24;
	_ =	sdelay $0x1  }
0x13a: {  	v27 =	vperm.xlane v27, v26;
	v28 =	vadd.s32 v25, v28;
	_ =	sdelay $0x1  }
0x13b: {  	v27 =	vadd.s32 v25, v27;
	_ =	sdelay $0x2  }
0x13c: {  	[tilespmem:s18], [sflag:$0x1] =	stream.indirect_vreg.gather [hbm4b:s1+s4], $0x80, v28, vm0, $0x2000b8;
	[tilespmem:$0x19600] =	vst v63  }
0x13d: {  	_ = 	snop  }
0x13e: {  	[tilespmem:s19], [sflag:$0x1] =	stream.indirect_vreg.gather [hbm4b:s1+s4], $0x80, v27, vm0, $0x2000b8;
	[tilespmem:$0x19600] =	vst v63  }
0x13f: {  	v27 =	vld [tilespmem:$0x5520];
	_ =	sdelay $0x4  }
0x140: {  	v58 =	vshll.u32 v27, $0x1  }
0x141: {  	v27 =	vand.u32 $0x7, v27;
	v28 =	vand.u32 $0xFFFFFFF0, v58  }
0x142: {  	v27 =	vor.u32 v27, v28  }
0x143: {  	v28 =	vperm.xlane v27, v24;
	_ =	sdelay $0x1  }
0x144: {  	v27 =	vperm.xlane v27, v26;
	v28 =	vadd.s32 v25, v28;
	_ =	sdelay $0x1  }
0x145: {  	v27 =	vadd.s32 v25, v27;
	_ =	sdelay $0x2  }
0x146: {  	[tilespmem:s20], [sflag:$0x1] =	stream.indirect_vreg.gather [hbm4b:s1+s4], $0x80, v28, vm0, $0x2000b8;
	[tilespmem:$0x19600] =	vst v63  }
0x147: {  	_ = 	snop  }
0x148: {  	[tilespmem:s21], [sflag:$0x1] =	stream.indirect_vreg.gather [hbm4b:s1+s4], $0x80, v27, vm0, $0x2000b8;
	[tilespmem:$0x19600] =	vst v63  }
0x149: {  	v27 =	vld [tilespmem:$0x5530];
	_ =	sdelay $0x4  }
0x14a: {  	v59 =	vshll.u32 v27, $0x1  }
0x14b: {  	v27 =	vand.u32 $0x7, v27;
	v28 =	vand.u32 $0xFFFFFFF0, v59  }
0x14c: {  	v27 =	vor.u32 v27, v28  }
0x14d: {  	v28 =	vperm.xlane v27, v24;
	_ =	sdelay $0x1  }
0x14e: {  	v27 =	vperm.xlane v27, v26;
	v28 =	vadd.s32 v25, v28;
	_ =	sdelay $0x1  }
0x14f: {  	v27 =	vadd.s32 v25, v27;
	_ =	sdelay $0x2  }
0x150: {  	[tilespmem:s22], [sflag:$0x1] =	stream.indirect_vreg.gather [hbm4b:s1+s4], $0x80, v28, vm0, $0x2000b8;
	[tilespmem:$0x19600] =	vst v63  }
0x151: {  	_ = 	snop  }
0x152: {  	[tilespmem:s23], [sflag:$0x1] =	stream.indirect_vreg.gather [hbm4b:s1+s4], $0x80, v27, vm0, $0x2000b8;
	[tilespmem:$0x19600] =	vst v63  }
0x153: {  	v27 =	vld [tilespmem:$0x5580];
	_ =	sdelay $0x4  }
0x154: {  	v60 =	vshll.u32 v27, $0x1  }
0x155: {  	v27 =	vand.u32 $0x7, v27;
	v28 =	vand.u32 $0xFFFFFFF0, v60  }
0x156: {  	v27 =	vor.u32 v27, v28  }
0x157: {  	v28 =	vperm.xlane v27, v24;
	_ =	sdelay $0x1  }
0x158: {  	v27 =	vperm.xlane v27, v26;
	v28 =	vadd.s32 v25, v28;
	_ =	sdelay $0x1  }
0x159: {  	v27 =	vadd.s32 v25, v27;
	_ =	sdelay $0x2  }
0x15a: {  	[tilespmem:s24], [sflag:$0x1] =	stream.indirect_vreg.gather [hbm4b:s1+s4], $0x80, v28, vm0, $0x2000b8;
	[tilespmem:$0x19600] =	vst v63  }
0x15b: {  	_ = 	snop  }
0x15c: {  	[tilespmem:s25], [sflag:$0x1] =	stream.indirect_vreg.gather [hbm4b:s1+s4], $0x80, v27, vm0, $0x2000b8;
	[tilespmem:$0x19600] =	vst v63  }
0x15d: {  	v27 =	vld [tilespmem:$0x5590];
	_ =	sdelay $0x4  }
0x15e: {  	v61 =	vshll.u32 v27, $0x1  }
0x15f: {  	v27 =	vand.u32 $0x7, v27;
	v28 =	vand.u32 $0xFFFFFFF0, v61  }
0x160: {  	v27 =	vor.u32 v27, v28  }
0x161: {  	v28 =	vperm.xlane v27, v24;
	_ =	sdelay $0x1  }
0x162: {  	v27 =	vperm.xlane v27, v26;
	v28 =	vadd.s32 v25, v28;
	_ =	sdelay $0x1  }
0x163: {  	v27 =	vadd.s32 v25, v27;
	_ =	sdelay $0x2  }
0x164: {  	[tilespmem:s26], [sflag:$0x1] =	stream.indirect_vreg.gather [hbm4b:s1+s4], $0x80, v28, vm0, $0x2000b8;
	[tilespmem:$0x19600] =	vst v63  }
0x165: {  	_ = 	snop  }
0x166: {  	[tilespmem:s28], [sflag:$0x1] =	stream.indirect_vreg.gather [hbm4b:s1+s4], $0x80, v27, vm0, $0x2000b8;
	[tilespmem:$0x19600] =	vst v63  }
0x167: {  	v27 =	vld [tilespmem:$0x55A0];
	_ =	sdelay $0x4  }
0x168: {  	v62 =	vshll.u32 v27, $0x1  }
0x169: {  	v27 =	vand.u32 $0x7, v27;
	v28 =	vand.u32 $0xFFFFFFF0, v62  }
0x16a: {  	v27 =	vor.u32 v27, v28  }
0x16b: {  	v28 =	vperm.xlane v27, v24;
	_ =	sdelay $0x1  }
0x16c: {  	v27 =	vperm.xlane v27, v26;
	v28 =	vadd.s32 v25, v28;
	_ =	sdelay $0x1  }
0x16d: {  	v27 =	vadd.s32 v25, v27;
	_ =	sdelay $0x2  }
0x16e: {  	[tilespmem:s29], [sflag:$0x1] =	stream.indirect_vreg.gather [hbm4b:s1+s4], $0x80, v28, vm0, $0x2000b8;
	[tilespmem:$0x19600] =	vst v63  }
0x16f: {  	_ = 	snop  }
0x170: {  	[tilespmem:s30], [sflag:$0x1] =	stream.indirect_vreg.gather [hbm4b:s1+s4], $0x80, v27, vm0, $0x2000b8;
	[tilespmem:$0x19600] =	vst v63  }
0x171: {  	v27 =	vld [tilespmem:$0x55B0];
	_ =	sdelay $0x4  }
0x172: {  	v63 =	vshll.u32 v27, $0x1  }
0x173: {  	v27 =	vand.u32 $0x7, v27;
	v28 =	vand.u32 $0xFFFFFFF0, v63  }
0x174: {  	v27 =	vor.u32 v27, v28  }
0x175: {  	v28 =	vperm.xlane v27, v24;
	_ =	sdelay $0x1  }
0x176: {  	v27 =	vperm.xlane v27, v26;
	v28 =	vadd.s32 v25, v28;
	_ =	sdelay $0x1  }
0x177: {  	v27 =	vadd.s32 v25, v27;
	_ =	sdelay $0x2  }
0x178: {  	[tilespmem:s31], [sflag:$0x1] =	stream.indirect_vreg.gather [hbm4b:s1+s4], $0x80, v28, vm0, $0x2000b8;
	[tilespmem:$0x19600] =	vst v63  }
0x179: {  	_ = 	snop  }
0x17a: {  	[tilespmem:s3], [sflag:$0x1] =	stream.indirect_vreg.gather [hbm4b:s1+s4], $0x80, v27, vm0, $0x2000b8;
	[tilespmem:$0x19600] =	vst v63  }
0x17b: {  	_ =	swait.ge [sflag:s0], $0x4000  }
0x17c: {  	[sflag:s0] =	ssyncset.done $0x0  }
0x17d: {  	[sflag:s0] =	ssyncadd.s32 $0xFFFFC000  }
0x17e: {  	_ =	swait.ge [sflag:s0], $0x4000  }
0x17f: {  	[sflag:s0] =	ssyncset.done $0x0  }
0x180: {  	[sflag:s0] =	ssyncadd.s32 $0xFFFFC000  }
0x181: {  	_ =	swait.ge [sflag:s0], $0x4000  }
0x182: {  	[sflag:s0] =	ssyncset.done $0x0  }
0x183: {  	[sflag:s0] =	ssyncadd.s32 $0xFFFFC000  }
0x184: {  	_ =	swait.ge [sflag:s0], $0x4000  }
0x185: {  	[sflag:s0] =	ssyncset.done $0x0  }
0x186: {  	[sflag:s0] =	ssyncadd.s32 $0xFFFFC000  }
0x187: {  	_ =	swait.ge [sflag:s0], $0x4000  }
0x188: {  	[sflag:s0] =	ssyncset.done $0x0  }
0x189: {  	[sflag:s0] =	ssyncadd.s32 $0xFFFFC000  }
0x18a: {  	_ =	strace $0x9000004A  }
0x18b: {  	_ =	strace $0x8000004B  }
.LBB2_7:
0x18c: {  	s10 =	sshll.u32 s4, $0x4  }
0x18d: {  	s10 =	sand.u32 $0x3FFFFFF0, s10  }
0x18e: {  	v27 =	vld [tilespmem:s10+$0x4F00];
	_ =	sdelay $0x4  }
0x18f: {  	vm1 =	veq.f32 v27, $-Inf  }
0x190: {  	v27 =	vsel vm1, $0x1, v23  }
0x191: {  	(v2sf) =	vpush v27, $0x0;
	_ =	sdelay $0xe  }
0x192: {  	s14 =	spop (v2sf)  }
0x193: {  	(v2sf) =	vpush v27, $0x1;
	p2 =	seq.s32 s14, $0x0  }
0x194: {  	s10 =	sshll.u32 @!p2 s4, $0xC  }
0x195: {  	v28 =	vimm.f32 @!p2 $0.0e+00;
	s10 =	sand.u32 @!p2 $0x3FFFF000, s10  }
0x196: {  	[tilespmem:s10+$0x5600] =	vst @!p2 v28  }
0x197: {  	[tilespmem:s10+$0x5610] =	vst @!p2 v28  }
0x198: {  	[tilespmem:s10+$0x5620] =	vst @!p2 v28  }
0x199: {  	[tilespmem:s10+$0x5630] =	vst @!p2 v28  }
0x19a: {  	[tilespmem:s10+$0x5640] =	vst @!p2 v28  }
0x19b: {  	[tilespmem:s10+$0x5650] =	vst @!p2 v28  }
0x19c: {  	[tilespmem:s10+$0x5660] =	vst @!p2 v28  }
0x19d: {  	[tilespmem:s10+$0x5670] =	vst @!p2 v28  }
0x19e: {  	[tilespmem:s10+$0x5A00] =	vst @!p2 v28  }
0x19f: {  	[tilespmem:s10+$0x5A10] =	vst @!p2 v28  }
0x1a0: {  	[tilespmem:s10+$0x5A20] =	vst @!p2 v28  }
0x1a1: {  	[tilespmem:s10+$0x5A30] =	vst @!p2 v28  }
0x1a2: {  	[tilespmem:s10+$0x5A40] =	vst @!p2 v28;
	s14 =	spop (v2sf)  }
0x1a3: {  	[tilespmem:s10+$0x5A50] =	vst @!p2 v28;
	(v2sf) =	vpush v27, $0x2;
	p1 =	seq.s32 s14, $0x0  }
0x1a4: {  	[tilespmem:s10+$0x5A60] =	vst @!p2 v28;
	s14 =	sshll.u32 @!p1 s4, $0xC  }
0x1a5: {  	[tilespmem:s10+$0x5A70] =	vst @!p2 v28;
	v28 =	vimm.f32 @!p1 $0.0e+00;
	s10 =	sand.u32 @!p1 $0x3FFFF000, s14  }
0x1a6: {  	[tilespmem:s10+$0x5680] =	vst @!p1 v28  }
0x1a7: {  	[tilespmem:s10+$0x5690] =	vst @!p1 v28  }
0x1a8: {  	[tilespmem:s10+$0x56A0] =	vst @!p1 v28  }
0x1a9: {  	[tilespmem:s10+$0x56B0] =	vst @!p1 v28  }
0x1aa: {  	[tilespmem:s10+$0x56C0] =	vst @!p1 v28  }
0x1ab: {  	[tilespmem:s10+$0x56D0] =	vst @!p1 v28  }
0x1ac: {  	[tilespmem:s10+$0x56E0] =	vst @!p1 v28  }
0x1ad: {  	[tilespmem:s10+$0x56F0] =	vst @!p1 v28  }
0x1ae: {  	[tilespmem:s10+$0x5A80] =	vst @!p1 v28  }
0x1af: {  	[tilespmem:s10+$0x5A90] =	vst @!p1 v28  }
0x1b0: {  	[tilespmem:s10+$0x5AA0] =	vst @!p1 v28  }
0x1b1: {  	[tilespmem:s10+$0x5AB0] =	vst @!p1 v28  }
0x1b2: {  	[tilespmem:s10+$0x5AC0] =	vst @!p1 v28;
	s14 =	spop (v2sf)  }
0x1b3: {  	[tilespmem:s10+$0x5AD0] =	vst @!p1 v28;
	(v2sf) =	vpush v27, $0x3;
	p2 =	seq.s32 s14, $0x0  }
0x1b4: {  	[tilespmem:s10+$0x5AE0] =	vst @!p1 v28;
	s14 =	sshll.u32 @!p2 s4, $0xC  }
0x1b5: {  	[tilespmem:s10+$0x5AF0] =	vst @!p1 v28;
	v28 =	vimm.f32 @!p2 $0.0e+00;
	s10 =	sand.u32 @!p2 $0x3FFFF000, s14  }
0x1b6: {  	[tilespmem:s10+$0x5700] =	vst @!p2 v28  }
0x1b7: {  	[tilespmem:s10+$0x5710] =	vst @!p2 v28  }
0x1b8: {  	[tilespmem:s10+$0x5720] =	vst @!p2 v28  }
0x1b9: {  	[tilespmem:s10+$0x5730] =	vst @!p2 v28  }
0x1ba: {  	[tilespmem:s10+$0x5740] =	vst @!p2 v28  }
0x1bb: {  	[tilespmem:s10+$0x5750] =	vst @!p2 v28  }
0x1bc: {  	[tilespmem:s10+$0x5760] =	vst @!p2 v28  }
0x1bd: {  	[tilespmem:s10+$0x5770] =	vst @!p2 v28  }
0x1be: {  	[tilespmem:s10+$0x5B00] =	vst @!p2 v28  }
0x1bf: {  	[tilespmem:s10+$0x5B10] =	vst @!p2 v28  }
0x1c0: {  	[tilespmem:s10+$0x5B20] =	vst @!p2 v28  }
0x1c1: {  	[tilespmem:s10+$0x5B30] =	vst @!p2 v28  }
0x1c2: {  	[tilespmem:s10+$0x5B40] =	vst @!p2 v28;
	s14 =	spop (v2sf)  }
0x1c3: {  	[tilespmem:s10+$0x5B50] =	vst @!p2 v28;
	(v2sf) =	vpush v27, $0x4;
	p1 =	seq.s32 s14, $0x0  }
0x1c4: {  	[tilespmem:s10+$0x5B60] =	vst @!p2 v28;
	s14 =	sshll.u32 @!p1 s4, $0xC  }
0x1c5: {  	[tilespmem:s10+$0x5B70] =	vst @!p2 v28;
	v28 =	vimm.f32 @!p1 $0.0e+00;
	s10 =	sand.u32 @!p1 $0x3FFFF000, s14  }
0x1c6: {  	[tilespmem:s10+$0x5780] =	vst @!p1 v28  }
0x1c7: {  	[tilespmem:s10+$0x5790] =	vst @!p1 v28  }
0x1c8: {  	[tilespmem:s10+$0x57A0] =	vst @!p1 v28  }
0x1c9: {  	[tilespmem:s10+$0x57B0] =	vst @!p1 v28  }
0x1ca: {  	[tilespmem:s10+$0x57C0] =	vst @!p1 v28  }
0x1cb: {  	[tilespmem:s10+$0x57D0] =	vst @!p1 v28  }
0x1cc: {  	[tilespmem:s10+$0x57E0] =	vst @!p1 v28  }
0x1cd: {  	[tilespmem:s10+$0x57F0] =	vst @!p1 v28  }
0x1ce: {  	[tilespmem:s10+$0x5B80] =	vst @!p1 v28  }
0x1cf: {  	[tilespmem:s10+$0x5B90] =	vst @!p1 v28  }
0x1d0: {  	[tilespmem:s10+$0x5BA0] =	vst @!p1 v28  }
0x1d1: {  	[tilespmem:s10+$0x5BB0] =	vst @!p1 v28  }
0x1d2: {  	[tilespmem:s10+$0x5BC0] =	vst @!p1 v28;
	s14 =	spop (v2sf)  }
0x1d3: {  	[tilespmem:s10+$0x5BD0] =	vst @!p1 v28;
	(v2sf) =	vpush v27, $0x5;
	p2 =	seq.s32 s14, $0x0  }
0x1d4: {  	[tilespmem:s10+$0x5BE0] =	vst @!p1 v28;
	s14 =	sshll.u32 @!p2 s4, $0xC  }
0x1d5: {  	[tilespmem:s10+$0x5BF0] =	vst @!p1 v28;
	v28 =	vimm.f32 @!p2 $0.0e+00;
	s10 =	sand.u32 @!p2 $0x3FFFF000, s14  }
0x1d6: {  	[tilespmem:s10+$0x5800] =	vst @!p2 v28  }
0x1d7: {  	[tilespmem:s10+$0x5810] =	vst @!p2 v28  }
0x1d8: {  	[tilespmem:s10+$0x5820] =	vst @!p2 v28  }
0x1d9: {  	[tilespmem:s10+$0x5830] =	vst @!p2 v28  }
0x1da: {  	[tilespmem:s10+$0x5840] =	vst @!p2 v28  }
0x1db: {  	[tilespmem:s10+$0x5850] =	vst @!p2 v28  }
0x1dc: {  	[tilespmem:s10+$0x5860] =	vst @!p2 v28  }
0x1dd: {  	[tilespmem:s10+$0x5870] =	vst @!p2 v28  }
0x1de: {  	[tilespmem:s10+$0x5C00] =	vst @!p2 v28  }
0x1df: {  	[tilespmem:s10+$0x5C10] =	vst @!p2 v28  }
0x1e0: {  	[tilespmem:s10+$0x5C20] =	vst @!p2 v28  }
0x1e1: {  	[tilespmem:s10+$0x5C30] =	vst @!p2 v28  }
0x1e2: {  	[tilespmem:s10+$0x5C40] =	vst @!p2 v28;
	s14 =	spop (v2sf)  }
0x1e3: {  	[tilespmem:s10+$0x5C50] =	vst @!p2 v28;
	(v2sf) =	vpush v27, $0x6;
	p1 =	seq.s32 s14, $0x0  }
0x1e4: {  	[tilespmem:s10+$0x5C60] =	vst @!p2 v28;
	s14 =	sshll.u32 @!p1 s4, $0xC  }
0x1e5: {  	[tilespmem:s10+$0x5C70] =	vst @!p2 v28;
	v28 =	vimm.f32 @!p1 $0.0e+00;
	s10 =	sand.u32 @!p1 $0x3FFFF000, s14  }
0x1e6: {  	[tilespmem:s10+$0x5880] =	vst @!p1 v28  }
0x1e7: {  	[tilespmem:s10+$0x5890] =	vst @!p1 v28  }
0x1e8: {  	[tilespmem:s10+$0x58A0] =	vst @!p1 v28  }
0x1e9: {  	[tilespmem:s10+$0x58B0] =	vst @!p1 v28  }
0x1ea: {  	[tilespmem:s10+$0x58C0] =	vst @!p1 v28  }
0x1eb: {  	[tilespmem:s10+$0x58D0] =	vst @!p1 v28  }
0x1ec: {  	[tilespmem:s10+$0x58E0] =	vst @!p1 v28  }
0x1ed: {  	[tilespmem:s10+$0x58F0] =	vst @!p1 v28  }
0x1ee: {  	[tilespmem:s10+$0x5C80] =	vst @!p1 v28  }
0x1ef: {  	[tilespmem:s10+$0x5C90] =	vst @!p1 v28  }
0x1f0: {  	[tilespmem:s10+$0x5CA0] =	vst @!p1 v28  }
0x1f1: {  	[tilespmem:s10+$0x5CB0] =	vst @!p1 v28  }
0x1f2: {  	[tilespmem:s10+$0x5CC0] =	vst @!p1 v28;
	s14 =	spop (v2sf)  }
0x1f3: {  	[tilespmem:s10+$0x5CD0] =	vst @!p1 v28;
	(v2sf) =	vpush v27, $0x7;
	p2 =	seq.s32 s14, $0x0  }
0x1f4: {  	[tilespmem:s10+$0x5CE0] =	vst @!p1 v28;
	s14 =	sshll.u32 @!p2 s4, $0xC  }
0x1f5: {  	[tilespmem:s10+$0x5CF0] =	vst @!p1 v28;
	v28 =	vimm.f32 @!p2 $0.0e+00;
	s10 =	sand.u32 @!p2 $0x3FFFF000, s14  }
0x1f6: {  	[tilespmem:s10+$0x5900] =	vst @!p2 v28  }
0x1f7: {  	[tilespmem:s10+$0x5910] =	vst @!p2 v28  }
0x1f8: {  	[tilespmem:s10+$0x5920] =	vst @!p2 v28  }
0x1f9: {  	[tilespmem:s10+$0x5930] =	vst @!p2 v28  }
0x1fa: {  	[tilespmem:s10+$0x5940] =	vst @!p2 v28  }
0x1fb: {  	[tilespmem:s10+$0x5950] =	vst @!p2 v28  }
0x1fc: {  	[tilespmem:s10+$0x5960] =	vst @!p2 v28  }
0x1fd: {  	[tilespmem:s10+$0x5970] =	vst @!p2 v28  }
0x1fe: {  	[tilespmem:s10+$0x5D00] =	vst @!p2 v28  }
0x1ff: {  	[tilespmem:s10+$0x5D10] =	vst @!p2 v28  }
0x200: {  	[tilespmem:s10+$0x5D20] =	vst @!p2 v28  }
0x201: {  	[tilespmem:s10+$0x5D30] =	vst @!p2 v28  }
0x202: {  	[tilespmem:s10+$0x5D40] =	vst @!p2 v28;
	s14 =	spop (v2sf)  }
0x203: {  	[tilespmem:s10+$0x5D50] =	vst @!p2 v28;
	(v2sf) =	vpush v27, $0x8;
	p1 =	seq.s32 s14, $0x0  }
0x204: {  	[tilespmem:s10+$0x5D60] =	vst @!p2 v28;
	s14 =	sshll.u32 @!p1 s4, $0xC  }
0x205: {  	[tilespmem:s10+$0x5D70] =	vst @!p2 v28;
	v28 =	vimm.f32 @!p1 $0.0e+00;
	s10 =	sand.u32 @!p1 $0x3FFFF000, s14  }
0x206: {  	[tilespmem:s10+$0x5980] =	vst @!p1 v28  }
0x207: {  	[tilespmem:s10+$0x5990] =	vst @!p1 v28  }
0x208: {  	[tilespmem:s10+$0x59A0] =	vst @!p1 v28  }
0x209: {  	[tilespmem:s10+$0x59B0] =	vst @!p1 v28  }
0x20a: {  	[tilespmem:s10+$0x59C0] =	vst @!p1 v28  }
0x20b: {  	[tilespmem:s10+$0x59D0] =	vst @!p1 v28  }
0x20c: {  	[tilespmem:s10+$0x59E0] =	vst @!p1 v28  }
0x20d: {  	[tilespmem:s10+$0x59F0] =	vst @!p1 v28  }
0x20e: {  	[tilespmem:s10+$0x5D80] =	vst @!p1 v28  }
0x20f: {  	[tilespmem:s10+$0x5D90] =	vst @!p1 v28  }
0x210: {  	[tilespmem:s10+$0x5DA0] =	vst @!p1 v28  }
0x211: {  	[tilespmem:s10+$0x5DB0] =	vst @!p1 v28  }
0x212: {  	[tilespmem:s10+$0x5DC0] =	vst @!p1 v28;
	s14 =	spop (v2sf)  }
0x213: {  	[tilespmem:s10+$0x5DD0] =	vst @!p1 v28;
	(v2sf) =	vpush v27, $0x9;
	p2 =	seq.s32 s14, $0x0  }
0x214: {  	[tilespmem:s10+$0x5DE0] =	vst @!p1 v28;
	s14 =	sshll.u32 @!p2 s4, $0xC  }
0x215: {  	[tilespmem:s10+$0x5DF0] =	vst @!p1 v28;
	v28 =	vimm.f32 @!p2 $0.0e+00;
	s10 =	sand.u32 @!p2 $0x3FFFF000, s14  }
0x216: {  	[tilespmem:s10+$0x5E00] =	vst @!p2 v28  }
0x217: {  	[tilespmem:s10+$0x5E10] =	vst @!p2 v28  }
0x218: {  	[tilespmem:s10+$0x5E20] =	vst @!p2 v28  }
0x219: {  	[tilespmem:s10+$0x5E30] =	vst @!p2 v28  }
0x21a: {  	[tilespmem:s10+$0x5E40] =	vst @!p2 v28  }
0x21b: {  	[tilespmem:s10+$0x5E50] =	vst @!p2 v28  }
0x21c: {  	[tilespmem:s10+$0x5E60] =	vst @!p2 v28  }
0x21d: {  	[tilespmem:s10+$0x5E70] =	vst @!p2 v28  }
0x21e: {  	[tilespmem:s10+$0x6200] =	vst @!p2 v28  }
0x21f: {  	[tilespmem:s10+$0x6210] =	vst @!p2 v28  }
0x220: {  	[tilespmem:s10+$0x6220] =	vst @!p2 v28  }
0x221: {  	[tilespmem:s10+$0x6230] =	vst @!p2 v28  }
0x222: {  	[tilespmem:s10+$0x6240] =	vst @!p2 v28;
	s14 =	spop (v2sf)  }
0x223: {  	[tilespmem:s10+$0x6250] =	vst @!p2 v28;
	(v2sf) =	vpush v27, $0xA;
	p1 =	seq.s32 s14, $0x0  }
0x224: {  	[tilespmem:s10+$0x6260] =	vst @!p2 v28;
	s14 =	sshll.u32 @!p1 s4, $0xC  }
0x225: {  	[tilespmem:s10+$0x6270] =	vst @!p2 v28;
	v28 =	vimm.f32 @!p1 $0.0e+00;
	s10 =	sand.u32 @!p1 $0x3FFFF000, s14  }
0x226: {  	[tilespmem:s10+$0x5E80] =	vst @!p1 v28  }
0x227: {  	[tilespmem:s10+$0x5E90] =	vst @!p1 v28  }
0x228: {  	[tilespmem:s10+$0x5EA0] =	vst @!p1 v28  }
0x229: {  	[tilespmem:s10+$0x5EB0] =	vst @!p1 v28  }
0x22a: {  	[tilespmem:s10+$0x5EC0] =	vst @!p1 v28  }
0x22b: {  	[tilespmem:s10+$0x5ED0] =	vst @!p1 v28  }
0x22c: {  	[tilespmem:s10+$0x5EE0] =	vst @!p1 v28  }
0x22d: {  	[tilespmem:s10+$0x5EF0] =	vst @!p1 v28  }
0x22e: {  	[tilespmem:s10+$0x6280] =	vst @!p1 v28  }
0x22f: {  	[tilespmem:s10+$0x6290] =	vst @!p1 v28  }
0x230: {  	[tilespmem:s10+$0x62A0] =	vst @!p1 v28  }
0x231: {  	[tilespmem:s10+$0x62B0] =	vst @!p1 v28  }
0x232: {  	[tilespmem:s10+$0x62C0] =	vst @!p1 v28;
	s14 =	spop (v2sf)  }
0x233: {  	[tilespmem:s10+$0x62D0] =	vst @!p1 v28;
	(v2sf) =	vpush v27, $0xB;
	p2 =	seq.s32 s14, $0x0  }
0x234: {  	[tilespmem:s10+$0x62E0] =	vst @!p1 v28;
	s14 =	sshll.u32 @!p2 s4, $0xC  }
0x235: {  	[tilespmem:s10+$0x62F0] =	vst @!p1 v28;
	v28 =	vimm.f32 @!p2 $0.0e+00;
	s10 =	sand.u32 @!p2 $0x3FFFF000, s14  }
0x236: {  	[tilespmem:s10+$0x5F00] =	vst @!p2 v28  }
0x237: {  	[tilespmem:s10+$0x5F10] =	vst @!p2 v28  }
0x238: {  	[tilespmem:s10+$0x5F20] =	vst @!p2 v28  }
0x239: {  	[tilespmem:s10+$0x5F30] =	vst @!p2 v28  }
0x23a: {  	[tilespmem:s10+$0x5F40] =	vst @!p2 v28  }
0x23b: {  	[tilespmem:s10+$0x5F50] =	vst @!p2 v28  }
0x23c: {  	[tilespmem:s10+$0x5F60] =	vst @!p2 v28  }
0x23d: {  	[tilespmem:s10+$0x5F70] =	vst @!p2 v28  }
0x23e: {  	[tilespmem:s10+$0x6300] =	vst @!p2 v28  }
0x23f: {  	[tilespmem:s10+$0x6310] =	vst @!p2 v28  }
0x240: {  	[tilespmem:s10+$0x6320] =	vst @!p2 v28  }
0x241: {  	[tilespmem:s10+$0x6330] =	vst @!p2 v28  }
0x242: {  	[tilespmem:s10+$0x6340] =	vst @!p2 v28;
	s14 =	spop (v2sf)  }
0x243: {  	[tilespmem:s10+$0x6350] =	vst @!p2 v28;
	(v2sf) =	vpush v27, $0xC;
	p1 =	seq.s32 s14, $0x0  }
0x244: {  	[tilespmem:s10+$0x6360] =	vst @!p2 v28;
	s14 =	sshll.u32 @!p1 s4, $0xC  }
0x245: {  	[tilespmem:s10+$0x6370] =	vst @!p2 v28;
	v28 =	vimm.f32 @!p1 $0.0e+00;
	s10 =	sand.u32 @!p1 $0x3FFFF000, s14  }
0x246: {  	[tilespmem:s10+$0x5F80] =	vst @!p1 v28  }
0x247: {  	[tilespmem:s10+$0x5F90] =	vst @!p1 v28  }
0x248: {  	[tilespmem:s10+$0x5FA0] =	vst @!p1 v28  }
0x249: {  	[tilespmem:s10+$0x5FB0] =	vst @!p1 v28  }
0x24a: {  	[tilespmem:s10+$0x5FC0] =	vst @!p1 v28  }
0x24b: {  	[tilespmem:s10+$0x5FD0] =	vst @!p1 v28  }
0x24c: {  	[tilespmem:s10+$0x5FE0] =	vst @!p1 v28  }
0x24d: {  	[tilespmem:s10+$0x5FF0] =	vst @!p1 v28  }
0x24e: {  	[tilespmem:s10+$0x6380] =	vst @!p1 v28  }
0x24f: {  	[tilespmem:s10+$0x6390] =	vst @!p1 v28  }
0x250: {  	[tilespmem:s10+$0x63A0] =	vst @!p1 v28  }
0x251: {  	[tilespmem:s10+$0x63B0] =	vst @!p1 v28  }
0x252: {  	[tilespmem:s10+$0x63C0] =	vst @!p1 v28;
	s14 =	spop (v2sf)  }
0x253: {  	[tilespmem:s10+$0x63D0] =	vst @!p1 v28;
	(v2sf) =	vpush v27, $0xD;
	p2 =	seq.s32 s14, $0x0  }
0x254: {  	[tilespmem:s10+$0x63E0] =	vst @!p1 v28;
	s14 =	sshll.u32 @!p2 s4, $0xC  }
0x255: {  	[tilespmem:s10+$0x63F0] =	vst @!p1 v28;
	v28 =	vimm.f32 @!p2 $0.0e+00;
	s10 =	sand.u32 @!p2 $0x3FFFF000, s14  }
0x256: {  	[tilespmem:s10+$0x6000] =	vst @!p2 v28  }
0x257: {  	[tilespmem:s10+$0x6010] =	vst @!p2 v28  }
0x258: {  	[tilespmem:s10+$0x6020] =	vst @!p2 v28  }
0x259: {  	[tilespmem:s10+$0x6030] =	vst @!p2 v28  }
0x25a: {  	[tilespmem:s10+$0x6040] =	vst @!p2 v28  }
0x25b: {  	[tilespmem:s10+$0x6050] =	vst @!p2 v28  }
0x25c: {  	[tilespmem:s10+$0x6060] =	vst @!p2 v28  }
0x25d: {  	[tilespmem:s10+$0x6070] =	vst @!p2 v28  }
0x25e: {  	[tilespmem:s10+$0x6400] =	vst @!p2 v28  }
0x25f: {  	[tilespmem:s10+$0x6410] =	vst @!p2 v28  }
0x260: {  	[tilespmem:s10+$0x6420] =	vst @!p2 v28  }
0x261: {  	[tilespmem:s10+$0x6430] =	vst @!p2 v28  }
0x262: {  	[tilespmem:s10+$0x6440] =	vst @!p2 v28;
	s14 =	spop (v2sf)  }
0x263: {  	[tilespmem:s10+$0x6450] =	vst @!p2 v28;
	(v2sf) =	vpush v27, $0xE;
	p1 =	seq.s32 s14, $0x0  }
0x264: {  	[tilespmem:s10+$0x6460] =	vst @!p2 v28;
	s14 =	sshll.u32 @!p1 s4, $0xC  }
0x265: {  	[tilespmem:s10+$0x6470] =	vst @!p2 v28;
	v28 =	vimm.f32 @!p1 $0.0e+00;
	s10 =	sand.u32 @!p1 $0x3FFFF000, s14  }
0x266: {  	[tilespmem:s10+$0x6080] =	vst @!p1 v28  }
0x267: {  	[tilespmem:s10+$0x6090] =	vst @!p1 v28  }
0x268: {  	[tilespmem:s10+$0x60A0] =	vst @!p1 v28  }
0x269: {  	[tilespmem:s10+$0x60B0] =	vst @!p1 v28  }
0x26a: {  	[tilespmem:s10+$0x60C0] =	vst @!p1 v28  }
0x26b: {  	[tilespmem:s10+$0x60D0] =	vst @!p1 v28  }
0x26c: {  	[tilespmem:s10+$0x60E0] =	vst @!p1 v28  }
0x26d: {  	[tilespmem:s10+$0x60F0] =	vst @!p1 v28  }
0x26e: {  	[tilespmem:s10+$0x6480] =	vst @!p1 v28  }
0x26f: {  	[tilespmem:s10+$0x6490] =	vst @!p1 v28  }
0x270: {  	[tilespmem:s10+$0x64A0] =	vst @!p1 v28  }
0x271: {  	[tilespmem:s10+$0x64B0] =	vst @!p1 v28  }
0x272: {  	[tilespmem:s10+$0x64C0] =	vst @!p1 v28;
	s14 =	spop (v2sf)  }
0x273: {  	[tilespmem:s10+$0x64D0] =	vst @!p1 v28;
	(v2sf) =	vpush v27, $0xF;
	p2 =	seq.s32 s14, $0x0  }
0x274: {  	[tilespmem:s10+$0x64E0] =	vst @!p1 v28;
	s14 =	sshll.u32 @!p2 s4, $0xC  }
0x275: {  	[tilespmem:s10+$0x64F0] =	vst @!p1 v28;
	v27 =	vimm.f32 @!p2 $0.0e+00;
	s10 =	sand.u32 @!p2 $0x3FFFF000, s14  }
0x276: {  	[tilespmem:s10+$0x6100] =	vst @!p2 v27  }
0x277: {  	[tilespmem:s10+$0x6110] =	vst @!p2 v27  }
0x278: {  	[tilespmem:s10+$0x6120] =	vst @!p2 v27  }
0x279: {  	[tilespmem:s10+$0x6130] =	vst @!p2 v27  }
0x27a: {  	[tilespmem:s10+$0x6140] =	vst @!p2 v27  }
0x27b: {  	[tilespmem:s10+$0x6150] =	vst @!p2 v27  }
0x27c: {  	[tilespmem:s10+$0x6160] =	vst @!p2 v27  }
0x27d: {  	[tilespmem:s10+$0x6170] =	vst @!p2 v27  }
0x27e: {  	[tilespmem:s10+$0x6500] =	vst @!p2 v27  }
0x27f: {  	[tilespmem:s10+$0x6510] =	vst @!p2 v27  }
0x280: {  	[tilespmem:s10+$0x6520] =	vst @!p2 v27  }
0x281: {  	[tilespmem:s10+$0x6530] =	vst @!p2 v27  }
0x282: {  	[tilespmem:s10+$0x6540] =	vst @!p2 v27;
	s14 =	spop (v2sf)  }
0x283: {  	[tilespmem:s10+$0x6550] =	vst @!p2 v27;
	p1 =	seq.s32 s14, $0x0  }
0x284: {  	[tilespmem:s10+$0x6560] =	vst @!p2 v27;
	s14 =	sshll.u32 @!p1 s4, $0xC  }
0x285: {  	[tilespmem:s10+$0x6570] =	vst @!p2 v27;
	v27 =	vimm.f32 @!p1 $0.0e+00;
	s10 =	sand.u32 @!p1 $0x3FFFF000, s14  }
0x286: {  	[tilespmem:s10+$0x6180] =	vst @!p1 v27  }
0x287: {  	[tilespmem:s10+$0x6190] =	vst @!p1 v27  }
0x288: {  	[tilespmem:s10+$0x61A0] =	vst @!p1 v27  }
0x289: {  	[tilespmem:s10+$0x61B0] =	vst @!p1 v27  }
0x28a: {  	[tilespmem:s10+$0x61C0] =	vst @!p1 v27  }
0x28b: {  	[tilespmem:s10+$0x61D0] =	vst @!p1 v27  }
0x28c: {  	[tilespmem:s10+$0x61E0] =	vst @!p1 v27  }
0x28d: {  	[tilespmem:s10+$0x61F0] =	vst @!p1 v27  }
0x28e: {  	[tilespmem:s10+$0x6580] =	vst @!p1 v27  }
0x28f: {  	s4 =	sadd.s32 $0x1, s4;
	[tilespmem:s10+$0x6590] =	vst @!p1 v27  }
0x290: {  	p2 =	sne.s32 s4, $0x14;
	[tilespmem:s10+$0x65A0] =	vst @!p1 v27  }
.Ltmp5:
0x291: {  	[tilespmem:s10+$0x65B0] =	vst @!p1 v27;
	(pc) =	sbr.rel @p2 .LBB2_7-.Ltmp5, $4  }
0x292: {  	[tilespmem:s10+$0x65C0] =	vst @!p1 v27  }
0x293: {  	[tilespmem:s10+$0x65D0] =	vst @!p1 v27  }
0x294: {  	[tilespmem:s10+$0x65E0] =	vst @!p1 v27  }
0x295: {  	[tilespmem:s10+$0x65F0] =	vst @!p1 v27  }
0x296: {  	_ =	strace $0x9000004B;
	s4 =	simm.s32 @p0 $0x0;
	s10 =	simm.s32 @p0 $0x5600  }
0x297: {  	[hbm4b:s7+s4] =	stream.linear.scatter @p0 [tilespmem:s10], [sflag:$0x2], $0x5000, $0x38;
	[tilespmem:$0x19600] =	vst v63  }
0x298: {  	s4 =	simm.s32 @p0 $0x2  }
0x299: {  	_ =	swait.ge @p0 [sflag:s4], $0x5000  }
0x29a: {  	s2 =	sadd.s32 $0x1, s2;
	s10 =	simm.s32 @!p0 $0x5600;
	[sflag:s4] =	ssyncset.done @p0 $0x0  }
0x29b: {  	p1 =	sne.s32 s2, s8;
	[sflag:s4] =	ssyncadd.s32 @p0 $0xFFFFB000;
	s4 =	simm.s32 @!p0 $0x0  }
0x29c: {  	[hbm4b:s6+s4] =	stream.linear.scatter @!p0 [tilespmem:s10], [sflag:$0x2], $0x14000, $0x38;
	[tilespmem:$0x19600] =	vst v63  }
.Ltmp6:
0x29d: {  	_ = 	snop;
	(pc) =	sbr.rel @p1 .LBB2_1-.Ltmp6, $4  }
0x29e: {  	s4 =	simm.s32 @!p0 $0x2  }
0x29f: {  	_ =	swait.ge @!p0 [sflag:s4], $0x14000  }
0x2a0: {  	[sflag:s4] =	ssyncset.done @!p0 $0x0  }
0x2a1: {  	[sflag:s4] =	ssyncadd.s32 @!p0 $0xFFFEC000  }
0x2a2: {  	_ =	sfence.sel $0x180000  }
0x2a3: {  	[bflag:$0x0] =	sbarrier.arrive $0xFFFF  }
0x2a4: {  	_ =	strace $0x90000047  }
0x2a5: {  	s0 =	stileid.u32;
	[bflag:$0x2] =	sbarrier.arrive $0xFFFF  }
0x2a6: {  	p0 =	sne.s32 s0, $0x0;
	s0 =	rddreg [dreg:$0x4]  }
0x2a7: {  	s0 =	sadd.s32 @!p0 $0x100000, s0  }
0x2a8: {  	[sflag:s0] =	ssyncadd.tile.s32 @!p0 $0x1;
	_ =	shalt  }
.Lfunc_end2:
_tile_overlayer_lowered:
.L_overlay_start_2:
0x2a9: {  	(tag) =	ssettag $0x2  }
0x2aa: {  	s0 =	rddreg [dreg:$0x0];
	s2 =	stileid.u32  }
0x2ab: {  	s1 =	rddreg [dreg:$0x1];
	p0 =	sne.s32 s2, $0x0  }
0x2ac: {  	s3 =	rddreg [dreg:$0x2];
	[bflag:$0x3] =	sbarrier.arrive $0xFFFF;
	s2 =	simm.s32 @!p0 $0x1C02  }
0x2ad: {  	[timem:s3], [sflag:s2] =	dma.local @!p0 [hbm:s0], s1  }
0x2ae: {  	s0 =	simm.s32 @!p0 $0x2  }
0x2af: {  	_ =	swait.ge @!p0 [sflag:s0], s1  }
0x2b0: {  	s1 =	ssub.s32 @!p0 $0x0, s1;
	[sflag:s0] =	ssyncset.done @!p0 $0x0  }
0x2b1: {  	[sflag:s0] =	ssyncadd.s32 @!p0 s1  }
0x2b2: {  	[bflag:$0x3] =	sbarrier.arrive $0xFFFF  }
0x2b3: {  	_ =	shalt  }

</sc_bundles>
